<compile_context>
chip_gen: v7x
topology: tpu7x:2x2x1
jax: 0.10.2.dev20260603
libtpu: 0.0.44.dev20260713+nightly
codegen_flags: <defaults>
</compile_context>

<pallas_src>
import functools

import jax
import jax.numpy as jnp
from jax import lax
from jax.experimental import pallas as pl
from jax.experimental.pallas import tpu as pltpu
from jax.experimental.pallas import tpu_sc as plsc

N = 10000
E = 320000
R = 5
NG = 500
PG = 20
H = 32
NC, NS = 2, 16
NW = NC * NS
CH = 128
NCHUNK = 80
EPT = CH * NCHUNK
EPAD = EPT * NW
AROWS = R * N + 48
RPT = AROWS // NS
N4 = N // 4
A4 = AROWS // 4


@functools.lru_cache(maxsize=None)
def _sc_mesh():
    return plsc.VectorSubcoreMesh(
        core_axis_name="c", subcore_axis_name="s",
        num_cores=NC, num_subcores=NS)



def _sc_edge_body(table_hbm, gidx_hbm, sidx_hbm, zeros_hbm, out_hbm,
                  gv, sv, d0, d1, acc, semg0, semg1):
    cid = lax.axis_index("c")
    sid = lax.axis_index("s")
    wid = cid * NS + sid
    pltpu.sync_copy(zeros_hbm, acc.at[pl.ds(sid * RPT, RPT)])
    plsc.subcore_barrier()
    pltpu.sync_copy(gidx_hbm.at[wid], gv)
    pltpu.sync_copy(sidx_hbm.at[wid], sv)

    bufs = [d0, d1]
    sems = [semg0, semg1]

    def drain(buf, sem):
        pltpu.make_async_copy(table_hbm.at[pl.ds(0, CH)], buf, sem).wait()

    for k in range(2):
        pltpu.async_copy(table_hbm.at[gv.at[k]], bufs[k], sems[k])

    def step(j2, carry):
        j = j2 * 2
        for k in range(2):
            drain(bufs[k], sems[k])
            pltpu.sync_copy(bufs[k], acc.at[sv.at[j + k]], add=True)
            jn = jnp.minimum(j + 2 + k, NCHUNK - 1)
            pltpu.async_copy(table_hbm.at[gv.at[jn]], bufs[k], sems[k])
        return carry

    lax.fori_loop(0, NCHUNK // 2, step, 0, unroll=False)
    for k in range(2):
        drain(bufs[k], sems[k])
    plsc.subcore_barrier()
    pltpu.sync_copy(acc.at[pl.ds(sid * RPT, RPT)],
                    out_hbm.at[cid, pl.ds(sid * RPT, RPT)])


def _sc_edge_pass(table, g_idx, s_idx, zeros_h):
    return pl.kernel(
        _sc_edge_body,
        out_type=jax.ShapeDtypeStruct((NC, AROWS, H), jnp.float32),
        mesh=_sc_mesh(),
        compiler_params=pltpu.CompilerParams(use_tc_tiling_on_sc=False),
        scratch_types=[
            pltpu.VMEM((NCHUNK, CH), jnp.int32),
            pltpu.VMEM((NCHUNK, CH), jnp.int32),
            pltpu.VMEM((CH, H), jnp.float32),
            pltpu.VMEM((CH, H), jnp.float32),
            pltpu.VMEM_SHARED((AROWS, H), jnp.float32),
            pltpu.SemaphoreType.DMA,
            pltpu.SemaphoreType.DMA,
        ],
    )(table, g_idx, s_idx, zeros_h)


def _sc_count_body(sidx_hbm, ones_hbm, zeros_hbm, out_hbm, sv, ones_v, acc,
                   sem):
    cid = lax.axis_index("c")
    sid = lax.axis_index("s")
    wid = cid * NS + sid
    pltpu.sync_copy(zeros_hbm, acc.at[pl.ds(sid * RPT, RPT)])
    plsc.subcore_barrier()
    pltpu.sync_copy(sidx_hbm.at[wid], sv)
    pltpu.sync_copy(ones_hbm, ones_v)

    def chunk(j, carry):
        pltpu.async_copy(ones_v, acc.at[sv.at[j]], sem, add=True)
        return carry

    lax.fori_loop(0, NCHUNK, chunk, 0, unroll=False)

    def drainc(j, carry):
        pltpu.make_async_copy(ones_hbm, ones_v, sem).wait()
        return carry

    lax.fori_loop(0, NCHUNK, drainc, 0, unroll=False)
    plsc.subcore_barrier()
    pltpu.sync_copy(acc.at[pl.ds(sid * RPT, RPT)],
                    out_hbm.at[cid, pl.ds(sid * RPT, RPT)])


def _sc_count_pass(s_idx, ones_c, zeros_h):
    return pl.kernel(
        _sc_count_body,
        out_type=jax.ShapeDtypeStruct((NC, AROWS, H), jnp.float32),
        mesh=_sc_mesh(),
        compiler_params=pltpu.CompilerParams(use_tc_tiling_on_sc=False),
        scratch_types=[
            pltpu.VMEM((NCHUNK, CH), jnp.int32),
            pltpu.VMEM((CH, H), jnp.float32),
            pltpu.VMEM_SHARED((AROWS, H), jnp.float32),
            pltpu.SemaphoreType.DMA,
        ],
    )(s_idx, ones_c, zeros_h)



def _mm_body(h_ref, bases_ref, comp_ref, root_ref, bias_ref, y_ref, out0_ref):
    h = h_ref[...]
    w = jnp.tensordot(comp_ref[...], bases_ref[...], axes=[[1], [0]])
    for r in range(R):
        y_ref[pl.ds(r * N4, N4), :] = jnp.dot(
            h, w[r], preferred_element_type=jnp.float32)
    out0_ref[...] = (
        jnp.dot(h, root_ref[...], preferred_element_type=jnp.float32)
        + bias_ref[...])


def _mm_pass(h4, bases4, comp, root4, bias4):
    return pl.pallas_call(
        _mm_body,
        out_shape=[
            jax.ShapeDtypeStruct((R * N4, 128), jnp.float32),
            jax.ShapeDtypeStruct((N4, 128), jnp.float32),
        ],
    )(h4, bases4, comp, root4, bias4)


def _prep_body(c_ref, rw_ref):
    rw_ref[...] = 1.0 / jnp.maximum(c_ref[0] + c_ref[1], 1.0)


def _prep_pass(cnt2):
    return pl.pallas_call(
        _prep_body,
        out_shape=jax.ShapeDtypeStruct((A4, 128), jnp.float32),
    )(cnt2)


def _dg_lhsT(a, b):
    return lax.dot_general(a, b, (((0,), (0,)), ((), ())),
                           preferred_element_type=jnp.float32)


def _dg_rhsT(a, b):
    return lax.dot_general(a, b, (((1,), (1,)), ((), ())),
                           preferred_element_type=jnp.float32)


def _norm_core(s_ref, rw_ref, out0_ref, g_ref, u_ref, k_ref,
               w_ref, b_ref, ms_ref, uit_ref):
    acc = out0_ref[...]
    for r in range(R):
        s = s_ref[0, pl.ds(r * N4, N4), :] + s_ref[1, pl.ds(r * N4, N4), :]
        acc = acc + s * rw_ref[pl.ds(r * N4, N4), :]
    gmat = g_ref[...]
    kmat = k_ref[...]
    t = jnp.dot(gmat, jnp.dot(acc, kmat, preferred_element_type=jnp.float32),
                preferred_element_type=jnp.float32) * (1.0 / PG)
    meanb = _dg_lhsT(gmat, _dg_rhsT(t, kmat))
    sub = acc - meanb * ms_ref[...]
    tv = jnp.dot(gmat, jnp.dot(sub * sub, kmat,
                               preferred_element_type=jnp.float32),
                 preferred_element_type=jnp.float32) * (1.0 / PG)
    varb = _dg_lhsT(gmat, _dg_rhsT(tv, kmat))
    yn = jnp.tanh(w_ref[...] * sub / jnp.sqrt(varb + 1e-6) + b_ref[...])
    uit_ref[...] = jnp.dot(u_ref[...], yn, preferred_element_type=jnp.float32)
    return yn


def _agg_norm_body(s_ref, rw_ref, out0_ref, g_ref, u_ref, k_ref,
                   w_ref, b_ref, ms_ref, uit_ref):
    _norm_core(s_ref, rw_ref, out0_ref, g_ref, u_ref, k_ref,
               w_ref, b_ref, ms_ref, uit_ref)


def _agg_norm_pass(s2, rw4, out0, gmat, umat, kmat, w, b, ms):
    return pl.pallas_call(
        _agg_norm_body,
        out_shape=jax.ShapeDtypeStruct((NG, 128), jnp.float32),
    )(s2, rw4, out0, gmat, umat, kmat,
      w.reshape(1, 128), b.reshape(1, 128), ms.reshape(1, 128))


def _agg_mm_body(s_ref, rw_ref, out0_ref, g_ref, u_ref, k_ref,
                 w_ref, b_ref, ms_ref, bases_ref, comp_ref, root_ref,
                 bias_ref, uit_ref, y_ref, out0n_ref):
    yn = _norm_core(s_ref, rw_ref, out0_ref, g_ref, u_ref, k_ref,
                    w_ref, b_ref, ms_ref, uit_ref)
    wmat = jnp.tensordot(comp_ref[...], bases_ref[...], axes=[[1], [0]])
    for r in range(R):
        y_ref[pl.ds(r * N4, N4), :] = jnp.dot(
            yn, wmat[r], preferred_element_type=jnp.float32)
    out0n_ref[...] = (
        jnp.dot(yn, root_ref[...], preferred_element_type=jnp.float32)
        + bias_ref[...])


def _agg_mm_pass(s2, rw4, out0, gmat, umat, kmat, w, b, ms,
                 bases4, comp, root4, bias4):
    return pl.pallas_call(
        _agg_mm_body,
        out_shape=[
            jax.ShapeDtypeStruct((NG, 128), jnp.float32),
            jax.ShapeDtypeStruct((R * N4, 128), jnp.float32),
            jax.ShapeDtypeStruct((N4, 128), jnp.float32),
        ],
    )(s2, rw4, out0, gmat, umat, kmat,
      w.reshape(1, 128), b.reshape(1, 128), ms.reshape(1, 128),
      bases4, comp, root4, bias4)


def _mlp_body(u0, u1, u2, u3, w1_ref, b1_ref, w2_ref, b2_ref, o_ref):
    cols = []
    for ref in (u0, u1, u2, u3):
        cols.append(ref[:, 0:H])
    for ref in (u0, u1, u2, u3):
        cols.append(ref[:, H:2 * H])
    g = jnp.concatenate(cols, axis=1)
    h1 = jnp.maximum(
        jnp.dot(g, w1_ref[...], preferred_element_type=jnp.float32)
        + b1_ref[...], 0.0)
    logits = (jnp.dot(h1, w2_ref[...], preferred_element_type=jnp.float32)
              + b2_ref[...])
    m = jnp.max(logits, axis=-1, keepdims=True)
    z = logits - m
    o_ref[...] = z - jnp.log(jnp.sum(jnp.exp(z), axis=-1, keepdims=True))


def _mlp_pass(uits, w1, b1, w2, b2):
    n_cls = w2.shape[1]
    return pl.pallas_call(
        _mlp_body,
        out_shape=jax.ShapeDtypeStruct((NG, n_cls), jnp.float32),
    )(*uits, w1, b1.reshape(1, -1), w2, b2.reshape(1, -1))



def kernel(x, edge_index, edge_type, batch, conv0_bases, conv0_comp,
           conv0_root, conv0_bias, convs_bases, convs_comp, convs_root,
           convs_bias, norm_weight, norm_bias, norm_scale, lin1_w, lin1_b,
           lin2_w, lin2_b):
    src, dst = edge_index[0], edge_index[1]
    g_idx = edge_type * N + src
    s_idx = edge_type * N + dst
    pad = EPAD - E
    g_idx = jnp.concatenate([g_idx, jnp.zeros((pad,), jnp.int32)])
    s_idx = jnp.concatenate([s_idx, jnp.full((pad,), R * N, jnp.int32)])
    g_idx = g_idx.reshape(NW, NCHUNK, CH)
    s_idx = s_idx.reshape(NW, NCHUNK, CH)

    zeros_h = jnp.zeros((RPT, H), jnp.float32)
    ones_c = jnp.ones((CH, H), jnp.float32)
    eye4 = jnp.eye(4, dtype=jnp.float32)
    kmat = jnp.tile(jnp.eye(H, dtype=jnp.float32), (4, 1))
    gmat = jnp.kron(jnp.eye(NG, dtype=jnp.float32),
                    jnp.ones((1, 5), jnp.float32))
    umat = jnp.kron(jnp.eye(NG, dtype=jnp.float32),
                    jnp.array([[1.0, 0, 0, 0, 0]], jnp.float32))

    cnt = _sc_count_pass(s_idx, ones_c, zeros_h)
    rw4 = _prep_pass(cnt.reshape(NC, A4, 128))

    layer_w = []
    for l in range(4):
        if l == 0:
            bases, comp, root, bias = (conv0_bases, conv0_comp, conv0_root,
                                       conv0_bias)
        else:
            bases, comp, root, bias = (convs_bases[l - 1], convs_comp[l - 1],
                                       convs_root[l - 1], convs_bias[l - 1])
        layer_w.append((jax.vmap(lambda bb: jnp.kron(eye4, bb))(bases), comp,
                        jnp.kron(eye4, root), jnp.tile(bias, 4).reshape(1, 128)))

    uits = []
    x4 = x.reshape(N4, 4 * x.shape[1])
    y4, out0 = _mm_pass(x4, *layer_w[0])
    for l in range(4):
        s_acc = _sc_edge_pass(y4.reshape(R * N, H), g_idx, s_idx, zeros_h)
        args = (s_acc.reshape(NC, A4, 128), rw4, out0, gmat, umat, kmat,
                jnp.tile(norm_weight[l], 4), jnp.tile(norm_bias[l], 4),
                jnp.tile(norm_scale[l], 4))
        if l < 3:
            uit, y4, out0 = _agg_mm_pass(*args, *layer_w[l + 1])
        else:
            uit = _agg_norm_pass(*args)
        uits.append(uit)

    return _mlp_pass(uits, lin1_w, lin1_b, lin2_w, lin2_b)

# --- scband reference (transcript-rebuilt; emitter-appended) ---
"""Pipeline reference for scband-igmc-61916248539607 (READ-ONLY COPY).

The authoritative reference and input builder live on the scoring server;
editing this copy changes nothing except your own understanding.
"""

import jax, jax.numpy as jnp
import numpy as np

N_NODES = 10000
N_EDGES = 320000
D_FEAT = 128
NUM_REL = 5
NUM_BASES = 2
LATENT = [32, 32, 32, 32]
NUM_GRAPHS = 500
NODES_PER_GRAPH = 20
NUM_CLASSES = 5


def setup_inputs(seed: int = 0):
    key = jax.random.key(seed)
    ks = jax.random.split(key, 16)
    x = jax.random.normal(ks[0], (N_NODES, D_FEAT), dtype=jnp.float32)
    # IGMC convention: col 0 one-hot marks the target user node of each subgraph,
    # col 1 marks the target item node (exactly one of each per subgraph).
    pos = jnp.tile(jnp.arange(NODES_PER_GRAPH), NUM_GRAPHS)
    x = x.at[:, 0].set((pos == 0).astype(jnp.float32))
    x = x.at[:, 1].set((pos == 1).astype(jnp.float32))
    edge_index = jax.random.randint(ks[1], (2, N_EDGES), 0, N_NODES, dtype=jnp.int32)
    edge_type = jax.random.randint(ks[2], (N_EDGES,), 0, NUM_REL, dtype=jnp.int32)
    batch = jnp.repeat(jnp.arange(NUM_GRAPHS, dtype=jnp.int32), NODES_PER_GRAPH)

    def glorot(k, i, o):
        return jax.random.normal(k, (i, o), dtype=jnp.float32) / np.sqrt(i)

    inp = {
        'x': x, 'edge_index': edge_index, 'edge_type': edge_type, 'batch': batch,
        'conv0_bases': jax.random.normal(ks[3], (NUM_BASES, D_FEAT, LATENT[0]), dtype=jnp.float32) / np.sqrt(D_FEAT),
        'conv0_comp': jax.random.normal(ks[4], (NUM_REL, NUM_BASES), dtype=jnp.float32) / np.sqrt(NUM_BASES),
        'conv0_root': glorot(ks[5], D_FEAT, LATENT[0]),
        'conv0_bias': jnp.zeros((LATENT[0],), dtype=jnp.float32),
        'convs_bases': jax.random.normal(ks[6], (3, NUM_BASES, 32, 32), dtype=jnp.float32) / np.sqrt(32),
        'convs_comp': jax.random.normal(ks[7], (3, NUM_REL, NUM_BASES), dtype=jnp.float32) / np.sqrt(NUM_BASES),
        'convs_root': jax.random.normal(ks[8], (3, 32, 32), dtype=jnp.float32) / np.sqrt(32),
        'convs_bias': jnp.zeros((3, 32), dtype=jnp.float32),
        'norm_weight': jnp.ones((4, 32), dtype=jnp.float32),
        'norm_bias': jnp.zeros((4, 32), dtype=jnp.float32),
        'norm_scale': jnp.ones((4, 32), dtype=jnp.float32),
        'lin1_w': glorot(ks[9], 2 * sum(LATENT), 128),
        'lin1_b': jnp.zeros((128,), dtype=jnp.float32),
        'lin2_w': glorot(ks[10], 128, NUM_CLASSES),
        'lin2_b': jnp.zeros((NUM_CLASSES,), dtype=jnp.float32),
    }
    return inp


def _rgcn(x, src, dst, edge_type, bases, comp, root, bias):
    # PyG RGCNConv with basis decomposition, aggr='mean' per relation, root weight + bias.
    n = x.shape[0]
    out = x @ root + bias
    xs = x[src]
    for r in range(NUM_REL):
        Wr = jnp.einsum('b,bio->io', comp[r], bases)
        m = (edge_type == r).astype(x.dtype)
        msg = (xs @ Wr) * m[:, None]
        summed = jax.ops.segment_sum(msg, dst, num_segments=n)
        cnt = jax.ops.segment_sum(m, dst, num_segments=n)
        out = out + summed / jnp.clip(cnt, 1.0, None)[:, None]
    return out


def _graph_norm(x, batch, weight, bias, mean_scale):
    cnt = jax.ops.segment_sum(jnp.ones((x.shape[0],), x.dtype), batch, num_segments=NUM_GRAPHS)
    mean = jax.ops.segment_sum(x, batch, num_segments=NUM_GRAPHS) / cnt[:, None]
    sub = x - mean[batch] * mean_scale
    var = jax.ops.segment_sum(sub ** 2, batch, num_segments=NUM_GRAPHS) / cnt[:, None]
    std = jnp.sqrt(var + 1e-06)
    return weight * sub / std[batch] + bias


def reference(x, edge_index, edge_type, batch, conv0_bases, conv0_comp, conv0_root, conv0_bias, convs_bases, convs_comp, convs_root, convs_bias, norm_weight, norm_bias, norm_scale, lin1_w, lin1_b, lin2_w, lin2_b):
    # Eval mode: adj_dropout and F.dropout are identity.
    src, dst = edge_index[0], edge_index[1]
    states = []
    h = _rgcn(x, src, dst, edge_type, conv0_bases, conv0_comp, conv0_root, conv0_bias)
    h = jnp.tanh(_graph_norm(h, batch, norm_weight[0], norm_bias[0], norm_scale[0]))
    states.append(h)
    for l in range(3):
        h = _rgcn(h, src, dst, edge_type, convs_bases[l], convs_comp[l], convs_root[l], convs_bias[l])
        h = jnp.tanh(_graph_norm(h, batch, norm_weight[l + 1], norm_bias[l + 1], norm_scale[l + 1]))
        states.append(h)
    concat = jnp.concatenate(states, axis=1)
    users = jnp.nonzero(x[:, 0] == 1.0, size=NUM_GRAPHS)[0]
    items = jnp.nonzero(x[:, 1] == 1.0, size=NUM_GRAPHS)[0]
    g = jnp.concatenate([concat[users], concat[items]], axis=1)
    g = jax.nn.relu(g @ lin1_w + lin1_b)
    g = g @ lin2_w + lin2_b
    return jax.nn.log_softmax(g, axis=-1)

if __name__ == "__main__":
    import jax
    _d = setup_inputs()
    print(jax.jit(kernel)(*tuple(_d.values())))

</pallas_src>

<mosaic_0001>
#map = affine_map<(d0, d1) -> (0, 0, 0)>
#map1 = affine_map<(d0, d1) -> (0, 0)>
module attributes {stable_mosaic.version = 14 : i64} {
  func.func @_sc_count_body(%arg0: i32, %arg1: i32, %arg2: memref<32x80x128xi32, #tpu.memory_space<hbm>>, %arg3: memref<128x32xf32, #tpu.memory_space<hbm>>, %arg4: memref<3128x32xf32, #tpu.memory_space<hbm>>, %arg5: memref<2x50048x32xf32, #tpu.memory_space<hbm>>, %arg6: memref<80x128xi32, #tpu.memory_space<vmem>>, %arg7: memref<128x32xf32, #tpu.memory_space<vmem>>, %arg8: memref<50048x32xf32, #tpu.memory_space<vmem_shared>>, %arg9: memref<!tpu.dma_semaphore, #tpu.memory_space<semaphore_mem>>) attributes {dimension_semantics = [#tpu.dimension_semantics<core_parallel>, #tpu.dimension_semantics<subcore_parallel>], iteration_bounds = array<i64: 2, 16>, scalar_prefetch = 0 : i64, scratch_operands = 4 : i64, tpu.core_type = #tpu.core_type<sc_vector_subcore>, window_params = [{transform_indices = #map}, {transform_indices = #map1}, {transform_indices = #map1}, {transform_indices = #map}]} {
    %mul3A = arith.constant 16 : i32
    %mul3A_0 = arith.muli %arg0, %mul3A : i32
    %add3A = arith.addi %mul3A_0, %arg1 : i32
    %mul3A_1 = arith.constant 3128 : i32
    %mul3A_2 = arith.muli %arg1, %mul3A_1 : i32
    "tpu.region"() ({
      %run_scoped3A = tpu.sem_alloc : memref<!tpu.dma_semaphore, #tpu.memory_space<semaphore_mem>>
      %dma_start3A = arith.constant 0 : i32
      %dma_start3A_19 = tpu.memref_slice %arg8[%mul3A_2, %dma_start3A] : memref<50048x32xf32, #tpu.memory_space<vmem_shared>> -> memref<3128x32xf32, #tpu.memory_space<vmem_shared>>
      tpu.enqueue_dma source(%arg4 : memref<3128x32xf32, #tpu.memory_space<hbm>>) target(%dma_start3A_19 : memref<3128x32xf32, #tpu.memory_space<vmem_shared>>) target_semaphore(%run_scoped3A : memref<!tpu.dma_semaphore, #tpu.memory_space<semaphore_mem>>)
      %dma_wait3A = arith.constant 0 : i32
      %dma_wait3A_20 = tpu.memref_slice %arg8[%mul3A_2, %dma_wait3A] : memref<50048x32xf32, #tpu.memory_space<vmem_shared>> -> memref<3128x32xf32, #tpu.memory_space<vmem_shared>>
      tpu.wait_dma2 semaphore(%run_scoped3A : memref<!tpu.dma_semaphore, #tpu.memory_space<semaphore_mem>>) src(%arg4 : memref<3128x32xf32, #tpu.memory_space<hbm>>) dst(%dma_wait3A_20 : memref<3128x32xf32, #tpu.memory_space<vmem_shared>>)
      tpu.yield
    }) : () -> ()
    %barrier3A = arith.constant 0 : index
    tpu.barrier barrier_id(%barrier3A)
    "tpu.region"() ({
      %run_scoped3A = tpu.sem_alloc : memref<!tpu.dma_semaphore, #tpu.memory_space<semaphore_mem>>
      %dma_start3A = arith.constant 0 : i32
      %dma_start3A_19 = arith.constant 0 : i32
      %dma_start3A_20 = tpu.memref_slice %arg2[%add3A, %dma_start3A, %dma_start3A_19] : memref<32x80x128xi32, #tpu.memory_space<hbm>> -> memref<1x80x128xi32, #tpu.memory_space<hbm>>
      %dma_start3A_21 = tpu.memref_squeeze %dma_start3A_20 : memref<1x80x128xi32, #tpu.memory_space<hbm>> -> memref<80x128xi32, #tpu.memory_space<hbm>>
      %dma_start3A_22 = arith.constant 0 : i32
      %dma_start3A_23 = arith.constant 0 : i32
      %dma_start3A_24 = tpu.memref_slice %arg2[%add3A, %dma_start3A_22, %dma_start3A_23] : memref<32x80x128xi32, #tpu.memory_space<hbm>> -> memref<1x80x128xi32, #tpu.memory_space<hbm>>
      %dma_start3A_25 = tpu.memref_squeeze %dma_start3A_24 : memref<1x80x128xi32, #tpu.memory_space<hbm>> -> memref<80x128xi32, #tpu.memory_space<hbm>>
      tpu.enqueue_dma source(%dma_start3A_25 : memref<80x128xi32, #tpu.memory_space<hbm>>) target(%arg6 : memref<80x128xi32, #tpu.memory_space<vmem>>) target_semaphore(%run_scoped3A : memref<!tpu.dma_semaphore, #tpu.memory_space<semaphore_mem>>)
      %dma_wait3A = arith.constant 0 : i32
      %dma_wait3A_26 = arith.constant 0 : i32
      %dma_wait3A_27 = tpu.memref_slice %arg2[%add3A, %dma_wait3A, %dma_wait3A_26] : memref<32x80x128xi32, #tpu.memory_space<hbm>> -> memref<1x80x128xi32, #tpu.memory_space<hbm>>
      %dma_wait3A_28 = tpu.memref_squeeze %dma_wait3A_27 : memref<1x80x128xi32, #tpu.memory_space<hbm>> -> memref<80x128xi32, #tpu.memory_space<hbm>>
      %dma_wait3A_29 = arith.constant 0 : i32
      %dma_wait3A_30 = arith.constant 0 : i32
      %dma_wait3A_31 = tpu.memref_slice %arg2[%add3A, %dma_wait3A_29, %dma_wait3A_30] : memref<32x80x128xi32, #tpu.memory_space<hbm>> -> memref<1x80x128xi32, #tpu.memory_space<hbm>>
      %dma_wait3A_32 = tpu.memref_squeeze %dma_wait3A_31 : memref<1x80x128xi32, #tpu.memory_space<hbm>> -> memref<80x128xi32, #tpu.memory_space<hbm>>
      tpu.wait_dma2 semaphore(%run_scoped3A : memref<!tpu.dma_semaphore, #tpu.memory_space<semaphore_mem>>) src(%dma_wait3A_32 : memref<80x128xi32, #tpu.memory_space<hbm>>) dst(%arg6 : memref<80x128xi32, #tpu.memory_space<vmem>>)
      tpu.yield
    }) : () -> ()
    "tpu.region"() ({
      %run_scoped3A = tpu.sem_alloc : memref<!tpu.dma_semaphore, #tpu.memory_space<semaphore_mem>>
      tpu.enqueue_dma source(%arg3 : memref<128x32xf32, #tpu.memory_space<hbm>>) target(%arg7 : memref<128x32xf32, #tpu.memory_space<vmem>>) target_semaphore(%run_scoped3A : memref<!tpu.dma_semaphore, #tpu.memory_space<semaphore_mem>>)
      tpu.wait_dma2 semaphore(%run_scoped3A : memref<!tpu.dma_semaphore, #tpu.memory_space<semaphore_mem>>) src(%arg3 : memref<128x32xf32, #tpu.memory_space<hbm>>) dst(%arg7 : memref<128x32xf32, #tpu.memory_space<vmem>>)
      tpu.yield
    }) : () -> ()
    %scan3A = arith.constant 0 : i32
    %scan3A_3 = arith.constant 0 : i32
    %scan3A_4 = arith.constant 80 : i32
    %scan3A_5 = arith.addi %scan3A_3, %scan3A_4 : i32
    %scan3A_6 = arith.constant 1 : i32
    scf.for %scan3A_19 = %scan3A_3 to %scan3A_5 step %scan3A_6  : i32 {
      %dma_start3A = arith.constant 0 : i32
      %dma_start3A_20 = tpu.memref_slice %arg6[%scan3A_19, %dma_start3A] : memref<80x128xi32, #tpu.memory_space<vmem>> -> memref<1x128xi32, #tpu.memory_space<vmem>>
      %dma_start3A_21 = tpu.memref_squeeze %dma_start3A_20 : memref<1x128xi32, #tpu.memory_space<vmem>> -> memref<128xi32, #tpu.memory_space<vmem>>
      %dma_start3A_22 = arith.constant 0 : i32
      %dma_start3A_23 = arith.constant 0 : i32
      %dma_start3A_24 = tpu.memref_slice %arg8[%dma_start3A_22, %dma_start3A_23] : memref<50048x32xf32, #tpu.memory_space<vmem_shared>> -> memref<50048x32xf32, #tpu.memory_space<vmem_shared>>
      tpu.enqueue_indirect_dma source(%arg7 : memref<128x32xf32, #tpu.memory_space<vmem>>) target(%dma_start3A_24 : memref<50048x32xf32, #tpu.memory_space<vmem_shared>>) offsets(%dma_start3A_21 : memref<128xi32, #tpu.memory_space<vmem>>) semaphore(%arg9 : memref<!tpu.dma_semaphore, #tpu.memory_space<semaphore_mem>>) {add = true}
    }
    %scan3A_7 = arith.constant 80 : i32
    %scan3A_8 = arith.constant 0 : i32
    %scan3A_9 = arith.constant 0 : i32
    %scan3A_10 = arith.constant 80 : i32
    %scan3A_11 = arith.addi %scan3A_9, %scan3A_10 : i32
    %scan3A_12 = arith.constant 1 : i32
    scf.for %scan3A_19 = %scan3A_9 to %scan3A_11 step %scan3A_12  : i32 {
      tpu.wait_dma2 semaphore(%arg9 : memref<!tpu.dma_semaphore, #tpu.memory_space<semaphore_mem>>) src(%arg3 : memref<128x32xf32, #tpu.memory_space<hbm>>) dst(%arg7 : memref<128x32xf32, #tpu.memory_space<vmem>>)
    }
    %scan3A_13 = arith.constant 80 : i32
    %barrier3A_14 = arith.constant 0 : index
    tpu.barrier barrier_id(%barrier3A_14)
    %mul3A_15 = arith.constant 3128 : i32
    %mul3A_16 = arith.muli %arg1, %mul3A_15 : i32
    %mul3A_17 = arith.constant 3128 : i32
    %mul3A_18 = arith.muli %arg1, %mul3A_17 : i32
    "tpu.region"() ({
      %run_scoped3A = tpu.sem_alloc : memref<!tpu.dma_semaphore, #tpu.memory_space<semaphore_mem>>
      %dma_start3A = arith.constant 0 : i32
      %dma_start3A_19 = tpu.memref_slice %arg5[%arg0, %mul3A_18, %dma_start3A] : memref<2x50048x32xf32, #tpu.memory_space<hbm>> -> memref<1x3128x32xf32, #tpu.memory_space<hbm>>
      %dma_start3A_20 = tpu.memref_squeeze %dma_start3A_19 : memref<1x3128x32xf32, #tpu.memory_space<hbm>> -> memref<3128x32xf32, #tpu.memory_space<hbm>>
      %dma_start3A_21 = arith.constant 0 : i32
      %dma_start3A_22 = tpu.memref_slice %arg8[%mul3A_16, %dma_start3A_21] : memref<50048x32xf32, #tpu.memory_space<vmem_shared>> -> memref<3128x32xf32, #tpu.memory_space<vmem_shared>>
      tpu.enqueue_dma source(%dma_start3A_22 : memref<3128x32xf32, #tpu.memory_space<vmem_shared>>) target(%dma_start3A_20 : memref<3128x32xf32, #tpu.memory_space<hbm>>) target_semaphore(%run_scoped3A : memref<!tpu.dma_semaphore, #tpu.memory_space<semaphore_mem>>)
      %dma_wait3A = arith.constant 0 : i32
      %dma_wait3A_23 = tpu.memref_slice %arg5[%arg0, %mul3A_18, %dma_wait3A] : memref<2x50048x32xf32, #tpu.memory_space<hbm>> -> memref<1x3128x32xf32, #tpu.memory_space<hbm>>
      %dma_wait3A_24 = tpu.memref_squeeze %dma_wait3A_23 : memref<1x3128x32xf32, #tpu.memory_space<hbm>> -> memref<3128x32xf32, #tpu.memory_space<hbm>>
      %dma_wait3A_25 = arith.constant 0 : i32
      %dma_wait3A_26 = tpu.memref_slice %arg8[%mul3A_16, %dma_wait3A_25] : memref<50048x32xf32, #tpu.memory_space<vmem_shared>> -> memref<3128x32xf32, #tpu.memory_space<vmem_shared>>
      tpu.wait_dma2 semaphore(%run_scoped3A : memref<!tpu.dma_semaphore, #tpu.memory_space<semaphore_mem>>) src(%dma_wait3A_26 : memref<3128x32xf32, #tpu.memory_space<vmem_shared>>) dst(%dma_wait3A_24 : memref<3128x32xf32, #tpu.memory_space<hbm>>)
      tpu.yield
    }) : () -> ()
    return
  }
}

#map = affine_map<(d0, d1) -> (0, 0)>
#map1 = affine_map<(d0, d1) -> (0, 0, 0)>
module attributes {stable_mosaic.version = 14 : i64} {
  func.func @_sc_edge_body(%arg0: i32, %arg1: i32, %arg2: memref<50000x32xf32, #tpu.memory_space<hbm>>, %arg3: memref<32x80x128xi32, #tpu.memory_space<hbm>>, %arg4: memref<32x80x128xi32, #tpu.memory_space<hbm>>, %arg5: memref<3128x32xf32, #tpu.memory_space<hbm>>, %arg6: memref<2x50048x32xf32, #tpu.memory_space<hbm>>, %arg7: memref<80x128xi32, #tpu.memory_space<vmem>>, %arg8: memref<80x128xi32, #tpu.memory_space<vmem>>, %arg9: memref<128x32xf32, #tpu.memory_space<vmem>>, %arg10: memref<128x32xf32, #tpu.memory_space<vmem>>, %arg11: memref<50048x32xf32, #tpu.memory_space<vmem_shared>>, %arg12: memref<!tpu.dma_semaphore, #tpu.memory_space<semaphore_mem>>, %arg13: memref<!tpu.dma_semaphore, #tpu.memory_space<semaphore_mem>>) attributes {dimension_semantics = [#tpu.dimension_semantics<core_parallel>, #tpu.dimension_semantics<subcore_parallel>], iteration_bounds = array<i64: 2, 16>, scalar_prefetch = 0 : i64, scratch_operands = 7 : i64, tpu.core_type = #tpu.core_type<sc_vector_subcore>, window_params = [{transform_indices = #map}, {transform_indices = #map1}, {transform_indices = #map1}, {transform_indices = #map}, {transform_indices = #map1}]} {
    %mul3A = arith.constant 16 : i32
    %mul3A_0 = arith.muli %arg0, %mul3A : i32
    %add3A = arith.addi %mul3A_0, %arg1 : i32
    %mul3A_1 = arith.constant 3128 : i32
    %mul3A_2 = arith.muli %arg1, %mul3A_1 : i32
    "tpu.region"() ({
      %run_scoped3A = tpu.sem_alloc : memref<!tpu.dma_semaphore, #tpu.memory_space<semaphore_mem>>
      %dma_start3A_37 = arith.constant 0 : i32
      %dma_start3A_38 = tpu.memref_slice %arg11[%mul3A_2, %dma_start3A_37] : memref<50048x32xf32, #tpu.memory_space<vmem_shared>> -> memref<3128x32xf32, #tpu.memory_space<vmem_shared>>
      tpu.enqueue_dma source(%arg5 : memref<3128x32xf32, #tpu.memory_space<hbm>>) target(%dma_start3A_38 : memref<3128x32xf32, #tpu.memory_space<vmem_shared>>) target_semaphore(%run_scoped3A : memref<!tpu.dma_semaphore, #tpu.memory_space<semaphore_mem>>)
      %dma_wait3A_39 = arith.constant 0 : i32
      %dma_wait3A_40 = tpu.memref_slice %arg11[%mul3A_2, %dma_wait3A_39] : memref<50048x32xf32, #tpu.memory_space<vmem_shared>> -> memref<3128x32xf32, #tpu.memory_space<vmem_shared>>
      tpu.wait_dma2 semaphore(%run_scoped3A : memref<!tpu.dma_semaphore, #tpu.memory_space<semaphore_mem>>) src(%arg5 : memref<3128x32xf32, #tpu.memory_space<hbm>>) dst(%dma_wait3A_40 : memref<3128x32xf32, #tpu.memory_space<vmem_shared>>)
      tpu.yield
    }) : () -> ()
    %barrier3A = arith.constant 0 : index
    tpu.barrier barrier_id(%barrier3A)
    "tpu.region"() ({
      %run_scoped3A = tpu.sem_alloc : memref<!tpu.dma_semaphore, #tpu.memory_space<semaphore_mem>>
      %dma_start3A_37 = arith.constant 0 : i32
      %dma_start3A_38 = arith.constant 0 : i32
      %dma_start3A_39 = tpu.memref_slice %arg3[%add3A, %dma_start3A_37, %dma_start3A_38] : memref<32x80x128xi32, #tpu.memory_space<hbm>> -> memref<1x80x128xi32, #tpu.memory_space<hbm>>
      %dma_start3A_40 = tpu.memref_squeeze %dma_start3A_39 : memref<1x80x128xi32, #tpu.memory_space<hbm>> -> memref<80x128xi32, #tpu.memory_space<hbm>>
      %dma_start3A_41 = arith.constant 0 : i32
      %dma_start3A_42 = arith.constant 0 : i32
      %dma_start3A_43 = tpu.memref_slice %arg3[%add3A, %dma_start3A_41, %dma_start3A_42] : memref<32x80x128xi32, #tpu.memory_space<hbm>> -> memref<1x80x128xi32, #tpu.memory_space<hbm>>
      %dma_start3A_44 = tpu.memref_squeeze %dma_start3A_43 : memref<1x80x128xi32, #tpu.memory_space<hbm>> -> memref<80x128xi32, #tpu.memory_space<hbm>>
      tpu.enqueue_dma source(%dma_start3A_44 : memref<80x128xi32, #tpu.memory_space<hbm>>) target(%arg7 : memref<80x128xi32, #tpu.memory_space<vmem>>) target_semaphore(%run_scoped3A : memref<!tpu.dma_semaphore, #tpu.memory_space<semaphore_mem>>)
      %dma_wait3A_45 = arith.constant 0 : i32
      %dma_wait3A_46 = arith.constant 0 : i32
      %dma_wait3A_47 = tpu.memref_slice %arg3[%add3A, %dma_wait3A_45, %dma_wait3A_46] : memref<32x80x128xi32, #tpu.memory_space<hbm>> -> memref<1x80x128xi32, #tpu.memory_space<hbm>>
      %dma_wait3A_48 = tpu.memref_squeeze %dma_wait3A_47 : memref<1x80x128xi32, #tpu.memory_space<hbm>> -> memref<80x128xi32, #tpu.memory_space<hbm>>
      %dma_wait3A_49 = arith.constant 0 : i32
      %dma_wait3A_50 = arith.constant 0 : i32
      %dma_wait3A_51 = tpu.memref_slice %arg3[%add3A, %dma_wait3A_49, %dma_wait3A_50] : memref<32x80x128xi32, #tpu.memory_space<hbm>> -> memref<1x80x128xi32, #tpu.memory_space<hbm>>
      %dma_wait3A_52 = tpu.memref_squeeze %dma_wait3A_51 : memref<1x80x128xi32, #tpu.memory_space<hbm>> -> memref<80x128xi32, #tpu.memory_space<hbm>>
      tpu.wait_dma2 semaphore(%run_scoped3A : memref<!tpu.dma_semaphore, #tpu.memory_space<semaphore_mem>>) src(%dma_wait3A_52 : memref<80x128xi32, #tpu.memory_space<hbm>>) dst(%arg7 : memref<80x128xi32, #tpu.memory_space<vmem>>)
      tpu.yield
    }) : () -> ()
    "tpu.region"() ({
      %run_scoped3A = tpu.sem_alloc : memref<!tpu.dma_semaphore, #tpu.memory_space<semaphore_mem>>
      %dma_start3A_37 = arith.constant 0 : i32
      %dma_start3A_38 = arith.constant 0 : i32
      %dma_start3A_39 = tpu.memref_slice %arg4[%add3A, %dma_start3A_37, %dma_start3A_38] : memref<32x80x128xi32, #tpu.memory_space<hbm>> -> memref<1x80x128xi32, #tpu.memory_space<hbm>>
      %dma_start3A_40 = tpu.memref_squeeze %dma_start3A_39 : memref<1x80x128xi32, #tpu.memory_space<hbm>> -> memref<80x128xi32, #tpu.memory_space<hbm>>
      %dma_start3A_41 = arith.constant 0 : i32
      %dma_start3A_42 = arith.constant 0 : i32
      %dma_start3A_43 = tpu.memref_slice %arg4[%add3A, %dma_start3A_41, %dma_start3A_42] : memref<32x80x128xi32, #tpu.memory_space<hbm>> -> memref<1x80x128xi32, #tpu.memory_space<hbm>>
      %dma_start3A_44 = tpu.memref_squeeze %dma_start3A_43 : memref<1x80x128xi32, #tpu.memory_space<hbm>> -> memref<80x128xi32, #tpu.memory_space<hbm>>
      tpu.enqueue_dma source(%dma_start3A_44 : memref<80x128xi32, #tpu.memory_space<hbm>>) target(%arg8 : memref<80x128xi32, #tpu.memory_space<vmem>>) target_semaphore(%run_scoped3A : memref<!tpu.dma_semaphore, #tpu.memory_space<semaphore_mem>>)
      %dma_wait3A_45 = arith.constant 0 : i32
      %dma_wait3A_46 = arith.constant 0 : i32
      %dma_wait3A_47 = tpu.memref_slice %arg4[%add3A, %dma_wait3A_45, %dma_wait3A_46] : memref<32x80x128xi32, #tpu.memory_space<hbm>> -> memref<1x80x128xi32, #tpu.memory_space<hbm>>
      %dma_wait3A_48 = tpu.memref_squeeze %dma_wait3A_47 : memref<1x80x128xi32, #tpu.memory_space<hbm>> -> memref<80x128xi32, #tpu.memory_space<hbm>>
      %dma_wait3A_49 = arith.constant 0 : i32
      %dma_wait3A_50 = arith.constant 0 : i32
      %dma_wait3A_51 = tpu.memref_slice %arg4[%add3A, %dma_wait3A_49, %dma_wait3A_50] : memref<32x80x128xi32, #tpu.memory_space<hbm>> -> memref<1x80x128xi32, #tpu.memory_space<hbm>>
      %dma_wait3A_52 = tpu.memref_squeeze %dma_wait3A_51 : memref<1x80x128xi32, #tpu.memory_space<hbm>> -> memref<80x128xi32, #tpu.memory_space<hbm>>
      tpu.wait_dma2 semaphore(%run_scoped3A : memref<!tpu.dma_semaphore, #tpu.memory_space<semaphore_mem>>) src(%dma_wait3A_52 : memref<80x128xi32, #tpu.memory_space<hbm>>) dst(%arg8 : memref<80x128xi32, #tpu.memory_space<vmem>>)
      tpu.yield
    }) : () -> ()
    %dma_start3A = arith.constant 0 : i32
    %dma_start3A_3 = arith.constant 0 : i32
    %dma_start3A_4 = tpu.memref_slice %arg7[%dma_start3A, %dma_start3A_3] : memref<80x128xi32, #tpu.memory_space<vmem>> -> memref<1x128xi32, #tpu.memory_space<vmem>>
    %dma_start3A_5 = tpu.memref_squeeze %dma_start3A_4 : memref<1x128xi32, #tpu.memory_space<vmem>> -> memref<128xi32, #tpu.memory_space<vmem>>
    %dma_start3A_6 = arith.constant 0 : i32
    %dma_start3A_7 = arith.constant 0 : i32
    %dma_start3A_8 = tpu.memref_slice %arg2[%dma_start3A_6, %dma_start3A_7] : memref<50000x32xf32, #tpu.memory_space<hbm>> -> memref<50000x32xf32, #tpu.memory_space<hbm>>
    tpu.enqueue_indirect_dma source(%dma_start3A_8 : memref<50000x32xf32, #tpu.memory_space<hbm>>) target(%arg9 : memref<128x32xf32, #tpu.memory_space<vmem>>) offsets(%dma_start3A_5 : memref<128xi32, #tpu.memory_space<vmem>>) semaphore(%arg12 : memref<!tpu.dma_semaphore, #tpu.memory_space<semaphore_mem>>)
    %dma_start3A_9 = arith.constant 1 : i32
    %dma_start3A_10 = arith.constant 0 : i32
    %dma_start3A_11 = tpu.memref_slice %arg7[%dma_start3A_9, %dma_start3A_10] : memref<80x128xi32, #tpu.memory_space<vmem>> -> memref<1x128xi32, #tpu.memory_space<vmem>>
    %dma_start3A_12 = tpu.memref_squeeze %dma_start3A_11 : memref<1x128xi32, #tpu.memory_space<vmem>> -> memref<128xi32, #tpu.memory_space<vmem>>
    %dma_start3A_13 = arith.constant 0 : i32
    %dma_start3A_14 = arith.constant 0 : i32
    %dma_start3A_15 = tpu.memref_slice %arg2[%dma_start3A_13, %dma_start3A_14] : memref<50000x32xf32, #tpu.memory_space<hbm>> -> memref<50000x32xf32, #tpu.memory_space<hbm>>
    tpu.enqueue_indirect_dma source(%dma_start3A_15 : memref<50000x32xf32, #tpu.memory_space<hbm>>) target(%arg10 : memref<128x32xf32, #tpu.memory_space<vmem>>) offsets(%dma_start3A_12 : memref<128xi32, #tpu.memory_space<vmem>>) semaphore(%arg13 : memref<!tpu.dma_semaphore, #tpu.memory_space<semaphore_mem>>)
    %scan3A = arith.constant 0 : i32
    %scan3A_16 = arith.constant 0 : i32
    %scan3A_17 = arith.constant 40 : i32
    %scan3A_18 = arith.addi %scan3A_16, %scan3A_17 : i32
    %scan3A_19 = arith.constant 1 : i32
    scf.for %scan3A_37 = %scan3A_16 to %scan3A_18 step %scan3A_19  : i32 {
      %mul3A_38 = arith.constant 2 : i32
      %mul3A_39 = arith.muli %scan3A_37, %mul3A_38 : i32
      %dma_wait3A_40 = arith.constant 0 : i32
      %dma_wait3A_41 = arith.constant 0 : i32
      %dma_wait3A_42 = tpu.memref_slice %arg2[%dma_wait3A_40, %dma_wait3A_41] : memref<50000x32xf32, #tpu.memory_space<hbm>> -> memref<128x32xf32, #tpu.memory_space<hbm>>
      %dma_wait3A_43 = arith.constant 0 : i32
      %dma_wait3A_44 = arith.constant 0 : i32
      %dma_wait3A_45 = tpu.memref_slice %arg2[%dma_wait3A_43, %dma_wait3A_44] : memref<50000x32xf32, #tpu.memory_space<hbm>> -> memref<128x32xf32, #tpu.memory_space<hbm>>
      tpu.wait_dma2 semaphore(%arg12 : memref<!tpu.dma_semaphore, #tpu.memory_space<semaphore_mem>>) src(%dma_wait3A_45 : memref<128x32xf32, #tpu.memory_space<hbm>>) dst(%arg9 : memref<128x32xf32, #tpu.memory_space<vmem>>)
      %add3A_46 = arith.constant 0 : i32
      %add3A_47 = arith.addi %mul3A_39, %add3A_46 : i32
      "tpu.region"() ({
        %run_scoped3A = tpu.sem_alloc : memref<!tpu.dma_semaphore, #tpu.memory_space<semaphore_mem>>
        %dma_start3A_79 = arith.constant 0 : i32
        %dma_start3A_80 = tpu.memref_slice %arg8[%add3A_47, %dma_start3A_79] : memref<80x128xi32, #tpu.memory_space<vmem>> -> memref<1x128xi32, #tpu.memory_space<vmem>>
        %dma_start3A_81 = tpu.memref_squeeze %dma_start3A_80 : memref<1x128xi32, #tpu.memory_space<vmem>> -> memref<128xi32, #tpu.memory_space<vmem>>
        %dma_start3A_82 = arith.constant 0 : i32
        %dma_start3A_83 = arith.constant 0 : i32
        %dma_start3A_84 = tpu.memref_slice %arg11[%dma_start3A_82, %dma_start3A_83] : memref<50048x32xf32, #tpu.memory_space<vmem_shared>> -> memref<50048x32xf32, #tpu.memory_space<vmem_shared>>
        tpu.enqueue_indirect_dma source(%arg9 : memref<128x32xf32, #tpu.memory_space<vmem>>) target(%dma_start3A_84 : memref<50048x32xf32, #tpu.memory_space<vmem_shared>>) offsets(%dma_start3A_81 : memref<128xi32, #tpu.memory_space<vmem>>) semaphore(%run_scoped3A : memref<!tpu.dma_semaphore, #tpu.memory_space<semaphore_mem>>) {add = true}
        %dma_wait3A_85 = arith.constant 0 : i32
        %dma_wait3A_86 = tpu.memref_slice %arg8[%add3A_47, %dma_wait3A_85] : memref<80x128xi32, #tpu.memory_space<vmem>> -> memref<1x128xi32, #tpu.memory_space<vmem>>
        %dma_wait3A_87 = tpu.memref_squeeze %dma_wait3A_86 : memref<1x128xi32, #tpu.memory_space<vmem>> -> memref<128xi32, #tpu.memory_space<vmem>>
        %dma_wait3A_88 = arith.constant 0 : i32
        %dma_wait3A_89 = arith.constant 0 : i32
        %dma_wait3A_90 = tpu.memref_slice %arg11[%dma_wait3A_88, %dma_wait3A_89] : memref<50048x32xf32, #tpu.memory_space<vmem_shared>> -> memref<50048x32xf32, #tpu.memory_space<vmem_shared>>
        tpu.wait_indirect_dma semaphore(%run_scoped3A : memref<!tpu.dma_semaphore, #tpu.memory_space<semaphore_mem>>) src(%arg9 : memref<128x32xf32, #tpu.memory_space<vmem>>) dst(%dma_wait3A_90 : memref<50048x32xf32, #tpu.memory_space<vmem_shared>>)
        tpu.yield
      }) : () -> ()
      %add3A_48 = arith.constant 2 : i32
      %add3A_49 = arith.addi %mul3A_39, %add3A_48 : i32
      %add3A_50 = arith.constant 0 : i32
      %add3A_51 = arith.addi %add3A_49, %add3A_50 : i32
      %min3A = arith.constant 79 : i32
      %min3A_52 = arith.minsi %add3A_51, %min3A : i32
      %dma_start3A_53 = arith.constant 0 : i32
      %dma_start3A_54 = tpu.memref_slice %arg7[%min3A_52, %dma_start3A_53] : memref<80x128xi32, #tpu.memory_space<vmem>> -> memref<1x128xi32, #tpu.memory_space<vmem>>
      %dma_start3A_55 = tpu.memref_squeeze %dma_start3A_54 : memref<1x128xi32, #tpu.memory_space<vmem>> -> memref<128xi32, #tpu.memory_space<vmem>>
      %dma_start3A_56 = arith.constant 0 : i32
      %dma_start3A_57 = arith.constant 0 : i32
      %dma_start3A_58 = tpu.memref_slice %arg2[%dma_start3A_56, %dma_start3A_57] : memref<50000x32xf32, #tpu.memory_space<hbm>> -> memref<50000x32xf32, #tpu.memory_space<hbm>>
      tpu.enqueue_indirect_dma source(%dma_start3A_58 : memref<50000x32xf32, #tpu.memory_space<hbm>>) target(%arg9 : memref<128x32xf32, #tpu.memory_space<vmem>>) offsets(%dma_start3A_55 : memref<128xi32, #tpu.memory_space<vmem>>) semaphore(%arg12 : memref<!tpu.dma_semaphore, #tpu.memory_space<semaphore_mem>>)
      %dma_wait3A_59 = arith.constant 0 : i32
      %dma_wait3A_60 = arith.constant 0 : i32
      %dma_wait3A_61 = tpu.memref_slice %arg2[%dma_wait3A_59, %dma_wait3A_60] : memref<50000x32xf32, #tpu.memory_space<hbm>> -> memref<128x32xf32, #tpu.memory_space<hbm>>
      %dma_wait3A_62 = arith.constant 0 : i32
      %dma_wait3A_63 = arith.constant 0 : i32
      %dma_wait3A_64 = tpu.memref_slice %arg2[%dma_wait3A_62, %dma_wait3A_63] : memref<50000x32xf32, #tpu.memory_space<hbm>> -> memref<128x32xf32, #tpu.memory_space<hbm>>
      tpu.wait_dma2 semaphore(%arg13 : memref<!tpu.dma_semaphore, #tpu.memory_space<semaphore_mem>>) src(%dma_wait3A_64 : memref<128x32xf32, #tpu.memory_space<hbm>>) dst(%arg10 : memref<128x32xf32, #tpu.memory_space<vmem>>)
      %add3A_65 = arith.constant 1 : i32
      %add3A_66 = arith.addi %mul3A_39, %add3A_65 : i32
      "tpu.region"() ({
        %run_scoped3A = tpu.sem_alloc : memref<!tpu.dma_semaphore, #tpu.memory_space<semaphore_mem>>
        %dma_start3A_79 = arith.constant 0 : i32
        %dma_start3A_80 = tpu.memref_slice %arg8[%add3A_66, %dma_start3A_79] : memref<80x128xi32, #tpu.memory_space<vmem>> -> memref<1x128xi32, #tpu.memory_space<vmem>>
        %dma_start3A_81 = tpu.memref_squeeze %dma_start3A_80 : memref<1x128xi32, #tpu.memory_space<vmem>> -> memref<128xi32, #tpu.memory_space<vmem>>
        %dma_start3A_82 = arith.constant 0 : i32
        %dma_start3A_83 = arith.constant 0 : i32
        %dma_start3A_84 = tpu.memref_slice %arg11[%dma_start3A_82, %dma_start3A_83] : memref<50048x32xf32, #tpu.memory_space<vmem_shared>> -> memref<50048x32xf32, #tpu.memory_space<vmem_shared>>
        tpu.enqueue_indirect_dma source(%arg10 : memref<128x32xf32, #tpu.memory_space<vmem>>) target(%dma_start3A_84 : memref<50048x32xf32, #tpu.memory_space<vmem_shared>>) offsets(%dma_start3A_81 : memref<128xi32, #tpu.memory_space<vmem>>) semaphore(%run_scoped3A : memref<!tpu.dma_semaphore, #tpu.memory_space<semaphore_mem>>) {add = true}
        %dma_wait3A_85 = arith.constant 0 : i32
        %dma_wait3A_86 = tpu.memref_slice %arg8[%add3A_66, %dma_wait3A_85] : memref<80x128xi32, #tpu.memory_space<vmem>> -> memref<1x128xi32, #tpu.memory_space<vmem>>
        %dma_wait3A_87 = tpu.memref_squeeze %dma_wait3A_86 : memref<1x128xi32, #tpu.memory_space<vmem>> -> memref<128xi32, #tpu.memory_space<vmem>>
        %dma_wait3A_88 = arith.constant 0 : i32
        %dma_wait3A_89 = arith.constant 0 : i32
        %dma_wait3A_90 = tpu.memref_slice %arg11[%dma_wait3A_88, %dma_wait3A_89] : memref<50048x32xf32, #tpu.memory_space<vmem_shared>> -> memref<50048x32xf32, #tpu.memory_space<vmem_shared>>
        tpu.wait_indirect_dma semaphore(%run_scoped3A : memref<!tpu.dma_semaphore, #tpu.memory_space<semaphore_mem>>) src(%arg10 : memref<128x32xf32, #tpu.memory_space<vmem>>) dst(%dma_wait3A_90 : memref<50048x32xf32, #tpu.memory_space<vmem_shared>>)
        tpu.yield
      }) : () -> ()
      %add3A_67 = arith.constant 2 : i32
      %add3A_68 = arith.addi %mul3A_39, %add3A_67 : i32
      %add3A_69 = arith.constant 1 : i32
      %add3A_70 = arith.addi %add3A_68, %add3A_69 : i32
      %min3A_71 = arith.constant 79 : i32
      %min3A_72 = arith.minsi %add3A_70, %min3A_71 : i32
      %dma_start3A_73 = arith.constant 0 : i32
      %dma_start3A_74 = tpu.memref_slice %arg7[%min3A_72, %dma_start3A_73] : memref<80x128xi32, #tpu.memory_space<vmem>> -> memref<1x128xi32, #tpu.memory_space<vmem>>
      %dma_start3A_75 = tpu.memref_squeeze %dma_start3A_74 : memref<1x128xi32, #tpu.memory_space<vmem>> -> memref<128xi32, #tpu.memory_space<vmem>>
      %dma_start3A_76 = arith.constant 0 : i32
      %dma_start3A_77 = arith.constant 0 : i32
      %dma_start3A_78 = tpu.memref_slice %arg2[%dma_start3A_76, %dma_start3A_77] : memref<50000x32xf32, #tpu.memory_space<hbm>> -> memref<50000x32xf32, #tpu.memory_space<hbm>>
      tpu.enqueue_indirect_dma source(%dma_start3A_78 : memref<50000x32xf32, #tpu.memory_space<hbm>>) target(%arg10 : memref<128x32xf32, #tpu.memory_space<vmem>>) offsets(%dma_start3A_75 : memref<128xi32, #tpu.memory_space<vmem>>) semaphore(%arg13 : memref<!tpu.dma_semaphore, #tpu.memory_space<semaphore_mem>>)
    }
    %scan3A_20 = arith.constant 40 : i32
    %dma_wait3A = arith.constant 0 : i32
    %dma_wait3A_21 = arith.constant 0 : i32
    %dma_wait3A_22 = tpu.memref_slice %arg2[%dma_wait3A, %dma_wait3A_21] : memref<50000x32xf32, #tpu.memory_space<hbm>> -> memref<128x32xf32, #tpu.memory_space<hbm>>
    %dma_wait3A_23 = arith.constant 0 : i32
    %dma_wait3A_24 = arith.constant 0 : i32
    %dma_wait3A_25 = tpu.memref_slice %arg2[%dma_wait3A_23, %dma_wait3A_24] : memref<50000x32xf32, #tpu.memory_space<hbm>> -> memref<128x32xf32, #tpu.memory_space<hbm>>
    tpu.wait_dma2 semaphore(%arg12 : memref<!tpu.dma_semaphore, #tpu.memory_space<semaphore_mem>>) src(%dma_wait3A_25 : memref<128x32xf32, #tpu.memory_space<hbm>>) dst(%arg9 : memref<128x32xf32, #tpu.memory_space<vmem>>)
    %dma_wait3A_26 = arith.constant 0 : i32
    %dma_wait3A_27 = arith.constant 0 : i32
    %dma_wait3A_28 = tpu.memref_slice %arg2[%dma_wait3A_26, %dma_wait3A_27] : memref<50000x32xf32, #tpu.memory_space<hbm>> -> memref<128x32xf32, #tpu.memory_space<hbm>>
    %dma_wait3A_29 = arith.constant 0 : i32
    %dma_wait3A_30 = arith.constant 0 : i32
    %dma_wait3A_31 = tpu.memref_slice %arg2[%dma_wait3A_29, %dma_wait3A_30] : memref<50000x32xf32, #tpu.memory_space<hbm>> -> memref<128x32xf32, #tpu.memory_space<hbm>>
    tpu.wait_dma2 semaphore(%arg13 : memref<!tpu.dma_semaphore, #tpu.memory_space<semaphore_mem>>) src(%dma_wait3A_31 : memref<128x32xf32, #tpu.memory_space<hbm>>) dst(%arg10 : memref<128x32xf32, #tpu.memory_space<vmem>>)
    %barrier3A_32 = arith.constant 0 : index
    tpu.barrier barrier_id(%barrier3A_32)
    %mul3A_33 = arith.constant 3128 : i32
    %mul3A_34 = arith.muli %arg1, %mul3A_33 : i32
    %mul3A_35 = arith.constant 3128 : i32
    %mul3A_36 = arith.muli %arg1, %mul3A_35 : i32
    "tpu.region"() ({
      %run_scoped3A = tpu.sem_alloc : memref<!tpu.dma_semaphore, #tpu.memory_space<semaphore_mem>>
      %dma_start3A_37 = arith.constant 0 : i32
      %dma_start3A_38 = tpu.memref_slice %arg6[%arg0, %mul3A_36, %dma_start3A_37] : memref<2x50048x32xf32, #tpu.memory_space<hbm>> -> memref<1x3128x32xf32, #tpu.memory_space<hbm>>
      %dma_start3A_39 = tpu.memref_squeeze %dma_start3A_38 : memref<1x3128x32xf32, #tpu.memory_space<hbm>> -> memref<3128x32xf32, #tpu.memory_space<hbm>>
      %dma_start3A_40 = arith.constant 0 : i32
      %dma_start3A_41 = tpu.memref_slice %arg11[%mul3A_34, %dma_start3A_40] : memref<50048x32xf32, #tpu.memory_space<vmem_shared>> -> memref<3128x32xf32, #tpu.memory_space<vmem_shared>>
      tpu.enqueue_dma source(%dma_start3A_41 : memref<3128x32xf32, #tpu.memory_space<vmem_shared>>) target(%dma_start3A_39 : memref<3128x32xf32, #tpu.memory_space<hbm>>) target_semaphore(%run_scoped3A : memref<!tpu.dma_semaphore, #tpu.memory_space<semaphore_mem>>)
      %dma_wait3A_42 = arith.constant 0 : i32
      %dma_wait3A_43 = tpu.memref_slice %arg6[%arg0, %mul3A_36, %dma_wait3A_42] : memref<2x50048x32xf32, #tpu.memory_space<hbm>> -> memref<1x3128x32xf32, #tpu.memory_space<hbm>>
      %dma_wait3A_44 = tpu.memref_squeeze %dma_wait3A_43 : memref<1x3128x32xf32, #tpu.memory_space<hbm>> -> memref<3128x32xf32, #tpu.memory_space<hbm>>
      %dma_wait3A_45 = arith.constant 0 : i32
      %dma_wait3A_46 = tpu.memref_slice %arg11[%mul3A_34, %dma_wait3A_45] : memref<50048x32xf32, #tpu.memory_space<vmem_shared>> -> memref<3128x32xf32, #tpu.memory_space<vmem_shared>>
      tpu.wait_dma2 semaphore(%run_scoped3A : memref<!tpu.dma_semaphore, #tpu.memory_space<semaphore_mem>>) src(%dma_wait3A_46 : memref<3128x32xf32, #tpu.memory_space<vmem_shared>>) dst(%dma_wait3A_44 : memref<3128x32xf32, #tpu.memory_space<hbm>>)
      tpu.yield
    }) : () -> ()
    return
  }
}

#map = affine_map<(d0, d1) -> (0, 0)>
#map1 = affine_map<(d0, d1) -> (0, 0, 0)>
module attributes {stable_mosaic.version = 14 : i64} {
  func.func @_sc_edge_body(%arg0: i32, %arg1: i32, %arg2: memref<50000x32xf32, #tpu.memory_space<hbm>>, %arg3: memref<32x80x128xi32, #tpu.memory_space<hbm>>, %arg4: memref<32x80x128xi32, #tpu.memory_space<hbm>>, %arg5: memref<3128x32xf32, #tpu.memory_space<hbm>>, %arg6: memref<2x50048x32xf32, #tpu.memory_space<hbm>>, %arg7: memref<80x128xi32, #tpu.memory_space<vmem>>, %arg8: memref<80x128xi32, #tpu.memory_space<vmem>>, %arg9: memref<128x32xf32, #tpu.memory_space<vmem>>, %arg10: memref<128x32xf32, #tpu.memory_space<vmem>>, %arg11: memref<50048x32xf32, #tpu.memory_space<vmem_shared>>, %arg12: memref<!tpu.dma_semaphore, #tpu.memory_space<semaphore_mem>>, %arg13: memref<!tpu.dma_semaphore, #tpu.memory_space<semaphore_mem>>) attributes {dimension_semantics = [#tpu.dimension_semantics<core_parallel>, #tpu.dimension_semantics<subcore_parallel>], iteration_bounds = array<i64: 2, 16>, scalar_prefetch = 0 : i64, scratch_operands = 7 : i64, tpu.core_type = #tpu.core_type<sc_vector_subcore>, window_params = [{transform_indices = #map}, {transform_indices = #map1}, {transform_indices = #map1}, {transform_indices = #map}, {transform_indices = #map1}]} {
    %mul3A = arith.constant 16 : i32
    %mul3A_0 = arith.muli %arg0, %mul3A : i32
    %add3A = arith.addi %mul3A_0, %arg1 : i32
    %mul3A_1 = arith.constant 3128 : i32
    %mul3A_2 = arith.muli %arg1, %mul3A_1 : i32
    "tpu.region"() ({
      %run_scoped3A = tpu.sem_alloc : memref<!tpu.dma_semaphore, #tpu.memory_space<semaphore_mem>>
      %dma_start3A_37 = arith.constant 0 : i32
      %dma_start3A_38 = tpu.memref_slice %arg11[%mul3A_2, %dma_start3A_37] : memref<50048x32xf32, #tpu.memory_space<vmem_shared>> -> memref<3128x32xf32, #tpu.memory_space<vmem_shared>>
      tpu.enqueue_dma source(%arg5 : memref<3128x32xf32, #tpu.memory_space<hbm>>) target(%dma_start3A_38 : memref<3128x32xf32, #tpu.memory_space<vmem_shared>>) target_semaphore(%run_scoped3A : memref<!tpu.dma_semaphore, #tpu.memory_space<semaphore_mem>>)
      %dma_wait3A_39 = arith.constant 0 : i32
      %dma_wait3A_40 = tpu.memref_slice %arg11[%mul3A_2, %dma_wait3A_39] : memref<50048x32xf32, #tpu.memory_space<vmem_shared>> -> memref<3128x32xf32, #tpu.memory_space<vmem_shared>>
      tpu.wait_dma2 semaphore(%run_scoped3A : memref<!tpu.dma_semaphore, #tpu.memory_space<semaphore_mem>>) src(%arg5 : memref<3128x32xf32, #tpu.memory_space<hbm>>) dst(%dma_wait3A_40 : memref<3128x32xf32, #tpu.memory_space<vmem_shared>>)
      tpu.yield
    }) : () -> ()
    %barrier3A = arith.constant 0 : index
    tpu.barrier barrier_id(%barrier3A)
    "tpu.region"() ({
      %run_scoped3A = tpu.sem_alloc : memref<!tpu.dma_semaphore, #tpu.memory_space<semaphore_mem>>
      %dma_start3A_37 = arith.constant 0 : i32
      %dma_start3A_38 = arith.constant 0 : i32
      %dma_start3A_39 = tpu.memref_slice %arg3[%add3A, %dma_start3A_37, %dma_start3A_38] : memref<32x80x128xi32, #tpu.memory_space<hbm>> -> memref<1x80x128xi32, #tpu.memory_space<hbm>>
      %dma_start3A_40 = tpu.memref_squeeze %dma_start3A_39 : memref<1x80x128xi32, #tpu.memory_space<hbm>> -> memref<80x128xi32, #tpu.memory_space<hbm>>
      %dma_start3A_41 = arith.constant 0 : i32
      %dma_start3A_42 = arith.constant 0 : i32
      %dma_start3A_43 = tpu.memref_slice %arg3[%add3A, %dma_start3A_41, %dma_start3A_42] : memref<32x80x128xi32, #tpu.memory_space<hbm>> -> memref<1x80x128xi32, #tpu.memory_space<hbm>>
      %dma_start3A_44 = tpu.memref_squeeze %dma_start3A_43 : memref<1x80x128xi32, #tpu.memory_space<hbm>> -> memref<80x128xi32, #tpu.memory_space<hbm>>
      tpu.enqueue_dma source(%dma_start3A_44 : memref<80x128xi32, #tpu.memory_space<hbm>>) target(%arg7 : memref<80x128xi32, #tpu.memory_space<vmem>>) target_semaphore(%run_scoped3A : memref<!tpu.dma_semaphore, #tpu.memory_space<semaphore_mem>>)
      %dma_wait3A_45 = arith.constant 0 : i32
      %dma_wait3A_46 = arith.constant 0 : i32
      %dma_wait3A_47 = tpu.memref_slice %arg3[%add3A, %dma_wait3A_45, %dma_wait3A_46] : memref<32x80x128xi32, #tpu.memory_space<hbm>> -> memref<1x80x128xi32, #tpu.memory_space<hbm>>
      %dma_wait3A_48 = tpu.memref_squeeze %dma_wait3A_47 : memref<1x80x128xi32, #tpu.memory_space<hbm>> -> memref<80x128xi32, #tpu.memory_space<hbm>>
      %dma_wait3A_49 = arith.constant 0 : i32
      %dma_wait3A_50 = arith.constant 0 : i32
      %dma_wait3A_51 = tpu.memref_slice %arg3[%add3A, %dma_wait3A_49, %dma_wait3A_50] : memref<32x80x128xi32, #tpu.memory_space<hbm>> -> memref<1x80x128xi32, #tpu.memory_space<hbm>>
      %dma_wait3A_52 = tpu.memref_squeeze %dma_wait3A_51 : memref<1x80x128xi32, #tpu.memory_space<hbm>> -> memref<80x128xi32, #tpu.memory_space<hbm>>
      tpu.wait_dma2 semaphore(%run_scoped3A : memref<!tpu.dma_semaphore, #tpu.memory_space<semaphore_mem>>) src(%dma_wait3A_52 : memref<80x128xi32, #tpu.memory_space<hbm>>) dst(%arg7 : memref<80x128xi32, #tpu.memory_space<vmem>>)
      tpu.yield
    }) : () -> ()
    "tpu.region"() ({
      %run_scoped3A = tpu.sem_alloc : memref<!tpu.dma_semaphore, #tpu.memory_space<semaphore_mem>>
      %dma_start3A_37 = arith.constant 0 : i32
      %dma_start3A_38 = arith.constant 0 : i32
      %dma_start3A_39 = tpu.memref_slice %arg4[%add3A, %dma_start3A_37, %dma_start3A_38] : memref<32x80x128xi32, #tpu.memory_space<hbm>> -> memref<1x80x128xi32, #tpu.memory_space<hbm>>
      %dma_start3A_40 = tpu.memref_squeeze %dma_start3A_39 : memref<1x80x128xi32, #tpu.memory_space<hbm>> -> memref<80x128xi32, #tpu.memory_space<hbm>>
      %dma_start3A_41 = arith.constant 0 : i32
      %dma_start3A_42 = arith.constant 0 : i32
      %dma_start3A_43 = tpu.memref_slice %arg4[%add3A, %dma_start3A_41, %dma_start3A_42] : memref<32x80x128xi32, #tpu.memory_space<hbm>> -> memref<1x80x128xi32, #tpu.memory_space<hbm>>
      %dma_start3A_44 = tpu.memref_squeeze %dma_start3A_43 : memref<1x80x128xi32, #tpu.memory_space<hbm>> -> memref<80x128xi32, #tpu.memory_space<hbm>>
      tpu.enqueue_dma source(%dma_start3A_44 : memref<80x128xi32, #tpu.memory_space<hbm>>) target(%arg8 : memref<80x128xi32, #tpu.memory_space<vmem>>) target_semaphore(%run_scoped3A : memref<!tpu.dma_semaphore, #tpu.memory_space<semaphore_mem>>)
      %dma_wait3A_45 = arith.constant 0 : i32
      %dma_wait3A_46 = arith.constant 0 : i32
      %dma_wait3A_47 = tpu.memref_slice %arg4[%add3A, %dma_wait3A_45, %dma_wait3A_46] : memref<32x80x128xi32, #tpu.memory_space<hbm>> -> memref<1x80x128xi32, #tpu.memory_space<hbm>>
      %dma_wait3A_48 = tpu.memref_squeeze %dma_wait3A_47 : memref<1x80x128xi32, #tpu.memory_space<hbm>> -> memref<80x128xi32, #tpu.memory_space<hbm>>
      %dma_wait3A_49 = arith.constant 0 : i32
      %dma_wait3A_50 = arith.constant 0 : i32
      %dma_wait3A_51 = tpu.memref_slice %arg4[%add3A, %dma_wait3A_49, %dma_wait3A_50] : memref<32x80x128xi32, #tpu.memory_space<hbm>> -> memref<1x80x128xi32, #tpu.memory_space<hbm>>
      %dma_wait3A_52 = tpu.memref_squeeze %dma_wait3A_51 : memref<1x80x128xi32, #tpu.memory_space<hbm>> -> memref<80x128xi32, #tpu.memory_space<hbm>>
      tpu.wait_dma2 semaphore(%run_scoped3A : memref<!tpu.dma_semaphore, #tpu.memory_space<semaphore_mem>>) src(%dma_wait3A_52 : memref<80x128xi32, #tpu.memory_space<hbm>>) dst(%arg8 : memref<80x128xi32, #tpu.memory_space<vmem>>)
      tpu.yield
    }) : () -> ()
    %dma_start3A = arith.constant 0 : i32
    %dma_start3A_3 = arith.constant 0 : i32
    %dma_start3A_4 = tpu.memref_slice %arg7[%dma_start3A, %dma_start3A_3] : memref<80x128xi32, #tpu.memory_space<vmem>> -> memref<1x128xi32, #tpu.memory_space<vmem>>
    %dma_start3A_5 = tpu.memref_squeeze %dma_start3A_4 : memref<1x128xi32, #tpu.memory_space<vmem>> -> memref<128xi32, #tpu.memory_space<vmem>>
    %dma_start3A_6 = arith.constant 0 : i32
    %dma_start3A_7 = arith.constant 0 : i32
    %dma_start3A_8 = tpu.memref_slice %arg2[%dma_start3A_6, %dma_start3A_7] : memref<50000x32xf32, #tpu.memory_space<hbm>> -> memref<50000x32xf32, #tpu.memory_space<hbm>>
    tpu.enqueue_indirect_dma source(%dma_start3A_8 : memref<50000x32xf32, #tpu.memory_space<hbm>>) target(%arg9 : memref<128x32xf32, #tpu.memory_space<vmem>>) offsets(%dma_start3A_5 : memref<128xi32, #tpu.memory_space<vmem>>) semaphore(%arg12 : memref<!tpu.dma_semaphore, #tpu.memory_space<semaphore_mem>>)
    %dma_start3A_9 = arith.constant 1 : i32
    %dma_start3A_10 = arith.constant 0 : i32
    %dma_start3A_11 = tpu.memref_slice %arg7[%dma_start3A_9, %dma_start3A_10] : memref<80x128xi32, #tpu.memory_space<vmem>> -> memref<1x128xi32, #tpu.memory_space<vmem>>
    %dma_start3A_12 = tpu.memref_squeeze %dma_start3A_11 : memref<1x128xi32, #tpu.memory_space<vmem>> -> memref<128xi32, #tpu.memory_space<vmem>>
    %dma_start3A_13 = arith.constant 0 : i32
    %dma_start3A_14 = arith.constant 0 : i32
    %dma_start3A_15 = tpu.memref_slice %arg2[%dma_start3A_13, %dma_start3A_14] : memref<50000x32xf32, #tpu.memory_space<hbm>> -> memref<50000x32xf32, #tpu.memory_space<hbm>>
    tpu.enqueue_indirect_dma source(%dma_start3A_15 : memref<50000x32xf32, #tpu.memory_space<hbm>>) target(%arg10 : memref<128x32xf32, #tpu.memory_space<vmem>>) offsets(%dma_start3A_12 : memref<128xi32, #tpu.memory_space<vmem>>) semaphore(%arg13 : memref<!tpu.dma_semaphore, #tpu.memory_space<semaphore_mem>>)
    %scan3A = arith.constant 0 : i32
    %scan3A_16 = arith.constant 0 : i32
    %scan3A_17 = arith.constant 40 : i32
    %scan3A_18 = arith.addi %scan3A_16, %scan3A_17 : i32
    %scan3A_19 = arith.constant 1 : i32
    scf.for %scan3A_37 = %scan3A_16 to %scan3A_18 step %scan3A_19  : i32 {
      %mul3A_38 = arith.constant 2 : i32
      %mul3A_39 = arith.muli %scan3A_37, %mul3A_38 : i32
      %dma_wait3A_40 = arith.constant 0 : i32
      %dma_wait3A_41 = arith.constant 0 : i32
      %dma_wait3A_42 = tpu.memref_slice %arg2[%dma_wait3A_40, %dma_wait3A_41] : memref<50000x32xf32, #tpu.memory_space<hbm>> -> memref<128x32xf32, #tpu.memory_space<hbm>>
      %dma_wait3A_43 = arith.constant 0 : i32
      %dma_wait3A_44 = arith.constant 0 : i32
      %dma_wait3A_45 = tpu.memref_slice %arg2[%dma_wait3A_43, %dma_wait3A_44] : memref<50000x32xf32, #tpu.memory_space<hbm>> -> memref<128x32xf32, #tpu.memory_space<hbm>>
      tpu.wait_dma2 semaphore(%arg12 : memref<!tpu.dma_semaphore, #tpu.memory_space<semaphore_mem>>) src(%dma_wait3A_45 : memref<128x32xf32, #tpu.memory_space<hbm>>) dst(%arg9 : memref<128x32xf32, #tpu.memory_space<vmem>>)
      %add3A_46 = arith.constant 0 : i32
      %add3A_47 = arith.addi %mul3A_39, %add3A_46 : i32
      "tpu.region"() ({
        %run_scoped3A = tpu.sem_alloc : memref<!tpu.dma_semaphore, #tpu.memory_space<semaphore_mem>>
        %dma_start3A_79 = arith.constant 0 : i32
        %dma_start3A_80 = tpu.memref_slice %arg8[%add3A_47, %dma_start3A_79] : memref<80x128xi32, #tpu.memory_space<vmem>> -> memref<1x128xi32, #tpu.memory_space<vmem>>
        %dma_start3A_81 = tpu.memref_squeeze %dma_start3A_80 : memref<1x128xi32, #tpu.memory_space<vmem>> -> memref<128xi32, #tpu.memory_space<vmem>>
        %dma_start3A_82 = arith.constant 0 : i32
        %dma_start3A_83 = arith.constant 0 : i32
        %dma_start3A_84 = tpu.memref_slice %arg11[%dma_start3A_82, %dma_start3A_83] : memref<50048x32xf32, #tpu.memory_space<vmem_shared>> -> memref<50048x32xf32, #tpu.memory_space<vmem_shared>>
        tpu.enqueue_indirect_dma source(%arg9 : memref<128x32xf32, #tpu.memory_space<vmem>>) target(%dma_start3A_84 : memref<50048x32xf32, #tpu.memory_space<vmem_shared>>) offsets(%dma_start3A_81 : memref<128xi32, #tpu.memory_space<vmem>>) semaphore(%run_scoped3A : memref<!tpu.dma_semaphore, #tpu.memory_space<semaphore_mem>>) {add = true}
        %dma_wait3A_85 = arith.constant 0 : i32
        %dma_wait3A_86 = tpu.memref_slice %arg8[%add3A_47, %dma_wait3A_85] : memref<80x128xi32, #tpu.memory_space<vmem>> -> memref<1x128xi32, #tpu.memory_space<vmem>>
        %dma_wait3A_87 = tpu.memref_squeeze %dma_wait3A_86 : memref<1x128xi32, #tpu.memory_space<vmem>> -> memref<128xi32, #tpu.memory_space<vmem>>
        %dma_wait3A_88 = arith.constant 0 : i32
        %dma_wait3A_89 = arith.constant 0 : i32
        %dma_wait3A_90 = tpu.memref_slice %arg11[%dma_wait3A_88, %dma_wait3A_89] : memref<50048x32xf32, #tpu.memory_space<vmem_shared>> -> memref<50048x32xf32, #tpu.memory_space<vmem_shared>>
        tpu.wait_indirect_dma semaphore(%run_scoped3A : memref<!tpu.dma_semaphore, #tpu.memory_space<semaphore_mem>>) src(%arg9 : memref<128x32xf32, #tpu.memory_space<vmem>>) dst(%dma_wait3A_90 : memref<50048x32xf32, #tpu.memory_space<vmem_shared>>)
        tpu.yield
      }) : () -> ()
      %add3A_48 = arith.constant 2 : i32
      %add3A_49 = arith.addi %mul3A_39, %add3A_48 : i32
      %add3A_50 = arith.constant 0 : i32
      %add3A_51 = arith.addi %add3A_49, %add3A_50 : i32
      %min3A = arith.constant 79 : i32
      %min3A_52 = arith.minsi %add3A_51, %min3A : i32
      %dma_start3A_53 = arith.constant 0 : i32
      %dma_start3A_54 = tpu.memref_slice %arg7[%min3A_52, %dma_start3A_53] : memref<80x128xi32, #tpu.memory_space<vmem>> -> memref<1x128xi32, #tpu.memory_space<vmem>>
      %dma_start3A_55 = tpu.memref_squeeze %dma_start3A_54 : memref<1x128xi32, #tpu.memory_space<vmem>> -> memref<128xi32, #tpu.memory_space<vmem>>
      %dma_start3A_56 = arith.constant 0 : i32
      %dma_start3A_57 = arith.constant 0 : i32
      %dma_start3A_58 = tpu.memref_slice %arg2[%dma_start3A_56, %dma_start3A_57] : memref<50000x32xf32, #tpu.memory_space<hbm>> -> memref<50000x32xf32, #tpu.memory_space<hbm>>
      tpu.enqueue_indirect_dma source(%dma_start3A_58 : memref<50000x32xf32, #tpu.memory_space<hbm>>) target(%arg9 : memref<128x32xf32, #tpu.memory_space<vmem>>) offsets(%dma_start3A_55 : memref<128xi32, #tpu.memory_space<vmem>>) semaphore(%arg12 : memref<!tpu.dma_semaphore, #tpu.memory_space<semaphore_mem>>)
      %dma_wait3A_59 = arith.constant 0 : i32
      %dma_wait3A_60 = arith.constant 0 : i32
      %dma_wait3A_61 = tpu.memref_slice %arg2[%dma_wait3A_59, %dma_wait3A_60] : memref<50000x32xf32, #tpu.memory_space<hbm>> -> memref<128x32xf32, #tpu.memory_space<hbm>>
      %dma_wait3A_62 = arith.constant 0 : i32
      %dma_wait3A_63 = arith.constant 0 : i32
      %dma_wait3A_64 = tpu.memref_slice %arg2[%dma_wait3A_62, %dma_wait3A_63] : memref<50000x32xf32, #tpu.memory_space<hbm>> -> memref<128x32xf32, #tpu.memory_space<hbm>>
      tpu.wait_dma2 semaphore(%arg13 : memref<!tpu.dma_semaphore, #tpu.memory_space<semaphore_mem>>) src(%dma_wait3A_64 : memref<128x32xf32, #tpu.memory_space<hbm>>) dst(%arg10 : memref<128x32xf32, #tpu.memory_space<vmem>>)
      %add3A_65 = arith.constant 1 : i32
      %add3A_66 = arith.addi %mul3A_39, %add3A_65 : i32
      "tpu.region"() ({
        %run_scoped3A = tpu.sem_alloc : memref<!tpu.dma_semaphore, #tpu.memory_space<semaphore_mem>>
        %dma_start3A_79 = arith.constant 0 : i32
        %dma_start3A_80 = tpu.memref_slice %arg8[%add3A_66, %dma_start3A_79] : memref<80x128xi32, #tpu.memory_space<vmem>> -> memref<1x128xi32, #tpu.memory_space<vmem>>
        %dma_start3A_81 = tpu.memref_squeeze %dma_start3A_80 : memref<1x128xi32, #tpu.memory_space<vmem>> -> memref<128xi32, #tpu.memory_space<vmem>>
        %dma_start3A_82 = arith.constant 0 : i32
        %dma_start3A_83 = arith.constant 0 : i32
        %dma_start3A_84 = tpu.memref_slice %arg11[%dma_start3A_82, %dma_start3A_83] : memref<50048x32xf32, #tpu.memory_space<vmem_shared>> -> memref<50048x32xf32, #tpu.memory_space<vmem_shared>>
        tpu.enqueue_indirect_dma source(%arg10 : memref<128x32xf32, #tpu.memory_space<vmem>>) target(%dma_start3A_84 : memref<50048x32xf32, #tpu.memory_space<vmem_shared>>) offsets(%dma_start3A_81 : memref<128xi32, #tpu.memory_space<vmem>>) semaphore(%run_scoped3A : memref<!tpu.dma_semaphore, #tpu.memory_space<semaphore_mem>>) {add = true}
        %dma_wait3A_85 = arith.constant 0 : i32
        %dma_wait3A_86 = tpu.memref_slice %arg8[%add3A_66, %dma_wait3A_85] : memref<80x128xi32, #tpu.memory_space<vmem>> -> memref<1x128xi32, #tpu.memory_space<vmem>>
        %dma_wait3A_87 = tpu.memref_squeeze %dma_wait3A_86 : memref<1x128xi32, #tpu.memory_space<vmem>> -> memref<128xi32, #tpu.memory_space<vmem>>
        %dma_wait3A_88 = arith.constant 0 : i32
        %dma_wait3A_89 = arith.constant 0 : i32
        %dma_wait3A_90 = tpu.memref_slice %arg11[%dma_wait3A_88, %dma_wait3A_89] : memref<50048x32xf32, #tpu.memory_space<vmem_shared>> -> memref<50048x32xf32, #tpu.memory_space<vmem_shared>>
        tpu.wait_indirect_dma semaphore(%run_scoped3A : memref<!tpu.dma_semaphore, #tpu.memory_space<semaphore_mem>>) src(%arg10 : memref<128x32xf32, #tpu.memory_space<vmem>>) dst(%dma_wait3A_90 : memref<50048x32xf32, #tpu.memory_space<vmem_shared>>)
        tpu.yield
      }) : () -> ()
      %add3A_67 = arith.constant 2 : i32
      %add3A_68 = arith.addi %mul3A_39, %add3A_67 : i32
      %add3A_69 = arith.constant 1 : i32
      %add3A_70 = arith.addi %add3A_68, %add3A_69 : i32
      %min3A_71 = arith.constant 79 : i32
      %min3A_72 = arith.minsi %add3A_70, %min3A_71 : i32
      %dma_start3A_73 = arith.constant 0 : i32
      %dma_start3A_74 = tpu.memref_slice %arg7[%min3A_72, %dma_start3A_73] : memref<80x128xi32, #tpu.memory_space<vmem>> -> memref<1x128xi32, #tpu.memory_space<vmem>>
      %dma_start3A_75 = tpu.memref_squeeze %dma_start3A_74 : memref<1x128xi32, #tpu.memory_space<vmem>> -> memref<128xi32, #tpu.memory_space<vmem>>
      %dma_start3A_76 = arith.constant 0 : i32
      %dma_start3A_77 = arith.constant 0 : i32
      %dma_start3A_78 = tpu.memref_slice %arg2[%dma_start3A_76, %dma_start3A_77] : memref<50000x32xf32, #tpu.memory_space<hbm>> -> memref<50000x32xf32, #tpu.memory_space<hbm>>
      tpu.enqueue_indirect_dma source(%dma_start3A_78 : memref<50000x32xf32, #tpu.memory_space<hbm>>) target(%arg10 : memref<128x32xf32, #tpu.memory_space<vmem>>) offsets(%dma_start3A_75 : memref<128xi32, #tpu.memory_space<vmem>>) semaphore(%arg13 : memref<!tpu.dma_semaphore, #tpu.memory_space<semaphore_mem>>)
    }
    %scan3A_20 = arith.constant 40 : i32
    %dma_wait3A = arith.constant 0 : i32
    %dma_wait3A_21 = arith.constant 0 : i32
    %dma_wait3A_22 = tpu.memref_slice %arg2[%dma_wait3A, %dma_wait3A_21] : memref<50000x32xf32, #tpu.memory_space<hbm>> -> memref<128x32xf32, #tpu.memory_space<hbm>>
    %dma_wait3A_23 = arith.constant 0 : i32
    %dma_wait3A_24 = arith.constant 0 : i32
    %dma_wait3A_25 = tpu.memref_slice %arg2[%dma_wait3A_23, %dma_wait3A_24] : memref<50000x32xf32, #tpu.memory_space<hbm>> -> memref<128x32xf32, #tpu.memory_space<hbm>>
    tpu.wait_dma2 semaphore(%arg12 : memref<!tpu.dma_semaphore, #tpu.memory_space<semaphore_mem>>) src(%dma_wait3A_25 : memref<128x32xf32, #tpu.memory_space<hbm>>) dst(%arg9 : memref<128x32xf32, #tpu.memory_space<vmem>>)
    %dma_wait3A_26 = arith.constant 0 : i32
    %dma_wait3A_27 = arith.constant 0 : i32
    %dma_wait3A_28 = tpu.memref_slice %arg2[%dma_wait3A_26, %dma_wait3A_27] : memref<50000x32xf32, #tpu.memory_space<hbm>> -> memref<128x32xf32, #tpu.memory_space<hbm>>
    %dma_wait3A_29 = arith.constant 0 : i32
    %dma_wait3A_30 = arith.constant 0 : i32
    %dma_wait3A_31 = tpu.memref_slice %arg2[%dma_wait3A_29, %dma_wait3A_30] : memref<50000x32xf32, #tpu.memory_space<hbm>> -> memref<128x32xf32, #tpu.memory_space<hbm>>
    tpu.wait_dma2 semaphore(%arg13 : memref<!tpu.dma_semaphore, #tpu.memory_space<semaphore_mem>>) src(%dma_wait3A_31 : memref<128x32xf32, #tpu.memory_space<hbm>>) dst(%arg10 : memref<128x32xf32, #tpu.memory_space<vmem>>)
    %barrier3A_32 = arith.constant 0 : index
    tpu.barrier barrier_id(%barrier3A_32)
    %mul3A_33 = arith.constant 3128 : i32
    %mul3A_34 = arith.muli %arg1, %mul3A_33 : i32
    %mul3A_35 = arith.constant 3128 : i32
    %mul3A_36 = arith.muli %arg1, %mul3A_35 : i32
    "tpu.region"() ({
      %run_scoped3A = tpu.sem_alloc : memref<!tpu.dma_semaphore, #tpu.memory_space<semaphore_mem>>
      %dma_start3A_37 = arith.constant 0 : i32
      %dma_start3A_38 = tpu.memref_slice %arg6[%arg0, %mul3A_36, %dma_start3A_37] : memref<2x50048x32xf32, #tpu.memory_space<hbm>> -> memref<1x3128x32xf32, #tpu.memory_space<hbm>>
      %dma_start3A_39 = tpu.memref_squeeze %dma_start3A_38 : memref<1x3128x32xf32, #tpu.memory_space<hbm>> -> memref<3128x32xf32, #tpu.memory_space<hbm>>
      %dma_start3A_40 = arith.constant 0 : i32
      %dma_start3A_41 = tpu.memref_slice %arg11[%mul3A_34, %dma_start3A_40] : memref<50048x32xf32, #tpu.memory_space<vmem_shared>> -> memref<3128x32xf32, #tpu.memory_space<vmem_shared>>
      tpu.enqueue_dma source(%dma_start3A_41 : memref<3128x32xf32, #tpu.memory_space<vmem_shared>>) target(%dma_start3A_39 : memref<3128x32xf32, #tpu.memory_space<hbm>>) target_semaphore(%run_scoped3A : memref<!tpu.dma_semaphore, #tpu.memory_space<semaphore_mem>>)
      %dma_wait3A_42 = arith.constant 0 : i32
      %dma_wait3A_43 = tpu.memref_slice %arg6[%arg0, %mul3A_36, %dma_wait3A_42] : memref<2x50048x32xf32, #tpu.memory_space<hbm>> -> memref<1x3128x32xf32, #tpu.memory_space<hbm>>
      %dma_wait3A_44 = tpu.memref_squeeze %dma_wait3A_43 : memref<1x3128x32xf32, #tpu.memory_space<hbm>> -> memref<3128x32xf32, #tpu.memory_space<hbm>>
      %dma_wait3A_45 = arith.constant 0 : i32
      %dma_wait3A_46 = tpu.memref_slice %arg11[%mul3A_34, %dma_wait3A_45] : memref<50048x32xf32, #tpu.memory_space<vmem_shared>> -> memref<3128x32xf32, #tpu.memory_space<vmem_shared>>
      tpu.wait_dma2 semaphore(%run_scoped3A : memref<!tpu.dma_semaphore, #tpu.memory_space<semaphore_mem>>) src(%dma_wait3A_46 : memref<3128x32xf32, #tpu.memory_space<vmem_shared>>) dst(%dma_wait3A_44 : memref<3128x32xf32, #tpu.memory_space<hbm>>)
      tpu.yield
    }) : () -> ()
    return
  }
}

#map = affine_map<(d0, d1) -> (0, 0)>
#map1 = affine_map<(d0, d1) -> (0, 0, 0)>
module attributes {stable_mosaic.version = 14 : i64} {
  func.func @_sc_edge_body(%arg0: i32, %arg1: i32, %arg2: memref<50000x32xf32, #tpu.memory_space<hbm>>, %arg3: memref<32x80x128xi32, #tpu.memory_space<hbm>>, %arg4: memref<32x80x128xi32, #tpu.memory_space<hbm>>, %arg5: memref<3128x32xf32, #tpu.memory_space<hbm>>, %arg6: memref<2x50048x32xf32, #tpu.memory_space<hbm>>, %arg7: memref<80x128xi32, #tpu.memory_space<vmem>>, %arg8: memref<80x128xi32, #tpu.memory_space<vmem>>, %arg9: memref<128x32xf32, #tpu.memory_space<vmem>>, %arg10: memref<128x32xf32, #tpu.memory_space<vmem>>, %arg11: memref<50048x32xf32, #tpu.memory_space<vmem_shared>>, %arg12: memref<!tpu.dma_semaphore, #tpu.memory_space<semaphore_mem>>, %arg13: memref<!tpu.dma_semaphore, #tpu.memory_space<semaphore_mem>>) attributes {dimension_semantics = [#tpu.dimension_semantics<core_parallel>, #tpu.dimension_semantics<subcore_parallel>], iteration_bounds = array<i64: 2, 16>, scalar_prefetch = 0 : i64, scratch_operands = 7 : i64, tpu.core_type = #tpu.core_type<sc_vector_subcore>, window_params = [{transform_indices = #map}, {transform_indices = #map1}, {transform_indices = #map1}, {transform_indices = #map}, {transform_indices = #map1}]} {
    %mul3A = arith.constant 16 : i32
    %mul3A_0 = arith.muli %arg0, %mul3A : i32
    %add3A = arith.addi %mul3A_0, %arg1 : i32
    %mul3A_1 = arith.constant 3128 : i32
    %mul3A_2 = arith.muli %arg1, %mul3A_1 : i32
    "tpu.region"() ({
      %run_scoped3A = tpu.sem_alloc : memref<!tpu.dma_semaphore, #tpu.memory_space<semaphore_mem>>
      %dma_start3A_37 = arith.constant 0 : i32
      %dma_start3A_38 = tpu.memref_slice %arg11[%mul3A_2, %dma_start3A_37] : memref<50048x32xf32, #tpu.memory_space<vmem_shared>> -> memref<3128x32xf32, #tpu.memory_space<vmem_shared>>
      tpu.enqueue_dma source(%arg5 : memref<3128x32xf32, #tpu.memory_space<hbm>>) target(%dma_start3A_38 : memref<3128x32xf32, #tpu.memory_space<vmem_shared>>) target_semaphore(%run_scoped3A : memref<!tpu.dma_semaphore, #tpu.memory_space<semaphore_mem>>)
      %dma_wait3A_39 = arith.constant 0 : i32
      %dma_wait3A_40 = tpu.memref_slice %arg11[%mul3A_2, %dma_wait3A_39] : memref<50048x32xf32, #tpu.memory_space<vmem_shared>> -> memref<3128x32xf32, #tpu.memory_space<vmem_shared>>
      tpu.wait_dma2 semaphore(%run_scoped3A : memref<!tpu.dma_semaphore, #tpu.memory_space<semaphore_mem>>) src(%arg5 : memref<3128x32xf32, #tpu.memory_space<hbm>>) dst(%dma_wait3A_40 : memref<3128x32xf32, #tpu.memory_space<vmem_shared>>)
      tpu.yield
    }) : () -> ()
    %barrier3A = arith.constant 0 : index
    tpu.barrier barrier_id(%barrier3A)
    "tpu.region"() ({
      %run_scoped3A = tpu.sem_alloc : memref<!tpu.dma_semaphore, #tpu.memory_space<semaphore_mem>>
      %dma_start3A_37 = arith.constant 0 : i32
      %dma_start3A_38 = arith.constant 0 : i32
      %dma_start3A_39 = tpu.memref_slice %arg3[%add3A, %dma_start3A_37, %dma_start3A_38] : memref<32x80x128xi32, #tpu.memory_space<hbm>> -> memref<1x80x128xi32, #tpu.memory_space<hbm>>
      %dma_start3A_40 = tpu.memref_squeeze %dma_start3A_39 : memref<1x80x128xi32, #tpu.memory_space<hbm>> -> memref<80x128xi32, #tpu.memory_space<hbm>>
      %dma_start3A_41 = arith.constant 0 : i32
      %dma_start3A_42 = arith.constant 0 : i32
      %dma_start3A_43 = tpu.memref_slice %arg3[%add3A, %dma_start3A_41, %dma_start3A_42] : memref<32x80x128xi32, #tpu.memory_space<hbm>> -> memref<1x80x128xi32, #tpu.memory_space<hbm>>
      %dma_start3A_44 = tpu.memref_squeeze %dma_start3A_43 : memref<1x80x128xi32, #tpu.memory_space<hbm>> -> memref<80x128xi32, #tpu.memory_space<hbm>>
      tpu.enqueue_dma source(%dma_start3A_44 : memref<80x128xi32, #tpu.memory_space<hbm>>) target(%arg7 : memref<80x128xi32, #tpu.memory_space<vmem>>) target_semaphore(%run_scoped3A : memref<!tpu.dma_semaphore, #tpu.memory_space<semaphore_mem>>)
      %dma_wait3A_45 = arith.constant 0 : i32
      %dma_wait3A_46 = arith.constant 0 : i32
      %dma_wait3A_47 = tpu.memref_slice %arg3[%add3A, %dma_wait3A_45, %dma_wait3A_46] : memref<32x80x128xi32, #tpu.memory_space<hbm>> -> memref<1x80x128xi32, #tpu.memory_space<hbm>>
      %dma_wait3A_48 = tpu.memref_squeeze %dma_wait3A_47 : memref<1x80x128xi32, #tpu.memory_space<hbm>> -> memref<80x128xi32, #tpu.memory_space<hbm>>
      %dma_wait3A_49 = arith.constant 0 : i32
      %dma_wait3A_50 = arith.constant 0 : i32
      %dma_wait3A_51 = tpu.memref_slice %arg3[%add3A, %dma_wait3A_49, %dma_wait3A_50] : memref<32x80x128xi32, #tpu.memory_space<hbm>> -> memref<1x80x128xi32, #tpu.memory_space<hbm>>
      %dma_wait3A_52 = tpu.memref_squeeze %dma_wait3A_51 : memref<1x80x128xi32, #tpu.memory_space<hbm>> -> memref<80x128xi32, #tpu.memory_space<hbm>>
      tpu.wait_dma2 semaphore(%run_scoped3A : memref<!tpu.dma_semaphore, #tpu.memory_space<semaphore_mem>>) src(%dma_wait3A_52 : memref<80x128xi32, #tpu.memory_space<hbm>>) dst(%arg7 : memref<80x128xi32, #tpu.memory_space<vmem>>)
      tpu.yield
    }) : () -> ()
    "tpu.region"() ({
      %run_scoped3A = tpu.sem_alloc : memref<!tpu.dma_semaphore, #tpu.memory_space<semaphore_mem>>
      %dma_start3A_37 = arith.constant 0 : i32
      %dma_start3A_38 = arith.constant 0 : i32
      %dma_start3A_39 = tpu.memref_slice %arg4[%add3A, %dma_start3A_37, %dma_start3A_38] : memref<32x80x128xi32, #tpu.memory_space<hbm>> -> memref<1x80x128xi32, #tpu.memory_space<hbm>>
      %dma_start3A_40 = tpu.memref_squeeze %dma_start3A_39 : memref<1x80x128xi32, #tpu.memory_space<hbm>> -> memref<80x128xi32, #tpu.memory_space<hbm>>
      %dma_start3A_41 = arith.constant 0 : i32
      %dma_start3A_42 = arith.constant 0 : i32
      %dma_start3A_43 = tpu.memref_slice %arg4[%add3A, %dma_start3A_41, %dma_start3A_42] : memref<32x80x128xi32, #tpu.memory_space<hbm>> -> memref<1x80x128xi32, #tpu.memory_space<hbm>>
      %dma_start3A_44 = tpu.memref_squeeze %dma_start3A_43 : memref<1x80x128xi32, #tpu.memory_space<hbm>> -> memref<80x128xi32, #tpu.memory_space<hbm>>
      tpu.enqueue_dma source(%dma_start3A_44 : memref<80x128xi32, #tpu.memory_space<hbm>>) target(%arg8 : memref<80x128xi32, #tpu.memory_space<vmem>>) target_semaphore(%run_scoped3A : memref<!tpu.dma_semaphore, #tpu.memory_space<semaphore_mem>>)
      %dma_wait3A_45 = arith.constant 0 : i32
      %dma_wait3A_46 = arith.constant 0 : i32
      %dma_wait3A_47 = tpu.memref_slice %arg4[%add3A, %dma_wait3A_45, %dma_wait3A_46] : memref<32x80x128xi32, #tpu.memory_space<hbm>> -> memref<1x80x128xi32, #tpu.memory_space<hbm>>
      %dma_wait3A_48 = tpu.memref_squeeze %dma_wait3A_47 : memref<1x80x128xi32, #tpu.memory_space<hbm>> -> memref<80x128xi32, #tpu.memory_space<hbm>>
      %dma_wait3A_49 = arith.constant 0 : i32
      %dma_wait3A_50 = arith.constant 0 : i32
      %dma_wait3A_51 = tpu.memref_slice %arg4[%add3A, %dma_wait3A_49, %dma_wait3A_50] : memref<32x80x128xi32, #tpu.memory_space<hbm>> -> memref<1x80x128xi32, #tpu.memory_space<hbm>>
      %dma_wait3A_52 = tpu.memref_squeeze %dma_wait3A_51 : memref<1x80x128xi32, #tpu.memory_space<hbm>> -> memref<80x128xi32, #tpu.memory_space<hbm>>
      tpu.wait_dma2 semaphore(%run_scoped3A : memref<!tpu.dma_semaphore, #tpu.memory_space<semaphore_mem>>) src(%dma_wait3A_52 : memref<80x128xi32, #tpu.memory_space<hbm>>) dst(%arg8 : memref<80x128xi32, #tpu.memory_space<vmem>>)
      tpu.yield
    }) : () -> ()
    %dma_start3A = arith.constant 0 : i32
    %dma_start3A_3 = arith.constant 0 : i32
    %dma_start3A_4 = tpu.memref_slice %arg7[%dma_start3A, %dma_start3A_3] : memref<80x128xi32, #tpu.memory_space<vmem>> -> memref<1x128xi32, #tpu.memory_space<vmem>>
    %dma_start3A_5 = tpu.memref_squeeze %dma_start3A_4 : memref<1x128xi32, #tpu.memory_space<vmem>> -> memref<128xi32, #tpu.memory_space<vmem>>
    %dma_start3A_6 = arith.constant 0 : i32
    %dma_start3A_7 = arith.constant 0 : i32
    %dma_start3A_8 = tpu.memref_slice %arg2[%dma_start3A_6, %dma_start3A_7] : memref<50000x32xf32, #tpu.memory_space<hbm>> -> memref<50000x32xf32, #tpu.memory_space<hbm>>
    tpu.enqueue_indirect_dma source(%dma_start3A_8 : memref<50000x32xf32, #tpu.memory_space<hbm>>) target(%arg9 : memref<128x32xf32, #tpu.memory_space<vmem>>) offsets(%dma_start3A_5 : memref<128xi32, #tpu.memory_space<vmem>>) semaphore(%arg12 : memref<!tpu.dma_semaphore, #tpu.memory_space<semaphore_mem>>)
    %dma_start3A_9 = arith.constant 1 : i32
    %dma_start3A_10 = arith.constant 0 : i32
    %dma_start3A_11 = tpu.memref_slice %arg7[%dma_start3A_9, %dma_start3A_10] : memref<80x128xi32, #tpu.memory_space<vmem>> -> memref<1x128xi32, #tpu.memory_space<vmem>>
    %dma_start3A_12 = tpu.memref_squeeze %dma_start3A_11 : memref<1x128xi32, #tpu.memory_space<vmem>> -> memref<128xi32, #tpu.memory_space<vmem>>
    %dma_start3A_13 = arith.constant 0 : i32
    %dma_start3A_14 = arith.constant 0 : i32
    %dma_start3A_15 = tpu.memref_slice %arg2[%dma_start3A_13, %dma_start3A_14] : memref<50000x32xf32, #tpu.memory_space<hbm>> -> memref<50000x32xf32, #tpu.memory_space<hbm>>
    tpu.enqueue_indirect_dma source(%dma_start3A_15 : memref<50000x32xf32, #tpu.memory_space<hbm>>) target(%arg10 : memref<128x32xf32, #tpu.memory_space<vmem>>) offsets(%dma_start3A_12 : memref<128xi32, #tpu.memory_space<vmem>>) semaphore(%arg13 : memref<!tpu.dma_semaphore, #tpu.memory_space<semaphore_mem>>)
    %scan3A = arith.constant 0 : i32
    %scan3A_16 = arith.constant 0 : i32
    %scan3A_17 = arith.constant 40 : i32
    %scan3A_18 = arith.addi %scan3A_16, %scan3A_17 : i32
    %scan3A_19 = arith.constant 1 : i32
    scf.for %scan3A_37 = %scan3A_16 to %scan3A_18 step %scan3A_19  : i32 {
      %mul3A_38 = arith.constant 2 : i32
      %mul3A_39 = arith.muli %scan3A_37, %mul3A_38 : i32
      %dma_wait3A_40 = arith.constant 0 : i32
      %dma_wait3A_41 = arith.constant 0 : i32
      %dma_wait3A_42 = tpu.memref_slice %arg2[%dma_wait3A_40, %dma_wait3A_41] : memref<50000x32xf32, #tpu.memory_space<hbm>> -> memref<128x32xf32, #tpu.memory_space<hbm>>
      %dma_wait3A_43 = arith.constant 0 : i32
      %dma_wait3A_44 = arith.constant 0 : i32
      %dma_wait3A_45 = tpu.memref_slice %arg2[%dma_wait3A_43, %dma_wait3A_44] : memref<50000x32xf32, #tpu.memory_space<hbm>> -> memref<128x32xf32, #tpu.memory_space<hbm>>
      tpu.wait_dma2 semaphore(%arg12 : memref<!tpu.dma_semaphore, #tpu.memory_space<semaphore_mem>>) src(%dma_wait3A_45 : memref<128x32xf32, #tpu.memory_space<hbm>>) dst(%arg9 : memref<128x32xf32, #tpu.memory_space<vmem>>)
      %add3A_46 = arith.constant 0 : i32
      %add3A_47 = arith.addi %mul3A_39, %add3A_46 : i32
      "tpu.region"() ({
        %run_scoped3A = tpu.sem_alloc : memref<!tpu.dma_semaphore, #tpu.memory_space<semaphore_mem>>
        %dma_start3A_79 = arith.constant 0 : i32
        %dma_start3A_80 = tpu.memref_slice %arg8[%add3A_47, %dma_start3A_79] : memref<80x128xi32, #tpu.memory_space<vmem>> -> memref<1x128xi32, #tpu.memory_space<vmem>>
        %dma_start3A_81 = tpu.memref_squeeze %dma_start3A_80 : memref<1x128xi32, #tpu.memory_space<vmem>> -> memref<128xi32, #tpu.memory_space<vmem>>
        %dma_start3A_82 = arith.constant 0 : i32
        %dma_start3A_83 = arith.constant 0 : i32
        %dma_start3A_84 = tpu.memref_slice %arg11[%dma_start3A_82, %dma_start3A_83] : memref<50048x32xf32, #tpu.memory_space<vmem_shared>> -> memref<50048x32xf32, #tpu.memory_space<vmem_shared>>
        tpu.enqueue_indirect_dma source(%arg9 : memref<128x32xf32, #tpu.memory_space<vmem>>) target(%dma_start3A_84 : memref<50048x32xf32, #tpu.memory_space<vmem_shared>>) offsets(%dma_start3A_81 : memref<128xi32, #tpu.memory_space<vmem>>) semaphore(%run_scoped3A : memref<!tpu.dma_semaphore, #tpu.memory_space<semaphore_mem>>) {add = true}
        %dma_wait3A_85 = arith.constant 0 : i32
        %dma_wait3A_86 = tpu.memref_slice %arg8[%add3A_47, %dma_wait3A_85] : memref<80x128xi32, #tpu.memory_space<vmem>> -> memref<1x128xi32, #tpu.memory_space<vmem>>
        %dma_wait3A_87 = tpu.memref_squeeze %dma_wait3A_86 : memref<1x128xi32, #tpu.memory_space<vmem>> -> memref<128xi32, #tpu.memory_space<vmem>>
        %dma_wait3A_88 = arith.constant 0 : i32
        %dma_wait3A_89 = arith.constant 0 : i32
        %dma_wait3A_90 = tpu.memref_slice %arg11[%dma_wait3A_88, %dma_wait3A_89] : memref<50048x32xf32, #tpu.memory_space<vmem_shared>> -> memref<50048x32xf32, #tpu.memory_space<vmem_shared>>
        tpu.wait_indirect_dma semaphore(%run_scoped3A : memref<!tpu.dma_semaphore, #tpu.memory_space<semaphore_mem>>) src(%arg9 : memref<128x32xf32, #tpu.memory_space<vmem>>) dst(%dma_wait3A_90 : memref<50048x32xf32, #tpu.memory_space<vmem_shared>>)
        tpu.yield
      }) : () -> ()
      %add3A_48 = arith.constant 2 : i32
      %add3A_49 = arith.addi %mul3A_39, %add3A_48 : i32
      %add3A_50 = arith.constant 0 : i32
      %add3A_51 = arith.addi %add3A_49, %add3A_50 : i32
      %min3A = arith.constant 79 : i32
      %min3A_52 = arith.minsi %add3A_51, %min3A : i32
      %dma_start3A_53 = arith.constant 0 : i32
      %dma_start3A_54 = tpu.memref_slice %arg7[%min3A_52, %dma_start3A_53] : memref<80x128xi32, #tpu.memory_space<vmem>> -> memref<1x128xi32, #tpu.memory_space<vmem>>
      %dma_start3A_55 = tpu.memref_squeeze %dma_start3A_54 : memref<1x128xi32, #tpu.memory_space<vmem>> -> memref<128xi32, #tpu.memory_space<vmem>>
      %dma_start3A_56 = arith.constant 0 : i32
      %dma_start3A_57 = arith.constant 0 : i32
      %dma_start3A_58 = tpu.memref_slice %arg2[%dma_start3A_56, %dma_start3A_57] : memref<50000x32xf32, #tpu.memory_space<hbm>> -> memref<50000x32xf32, #tpu.memory_space<hbm>>
      tpu.enqueue_indirect_dma source(%dma_start3A_58 : memref<50000x32xf32, #tpu.memory_space<hbm>>) target(%arg9 : memref<128x32xf32, #tpu.memory_space<vmem>>) offsets(%dma_start3A_55 : memref<128xi32, #tpu.memory_space<vmem>>) semaphore(%arg12 : memref<!tpu.dma_semaphore, #tpu.memory_space<semaphore_mem>>)
      %dma_wait3A_59 = arith.constant 0 : i32
      %dma_wait3A_60 = arith.constant 0 : i32
      %dma_wait3A_61 = tpu.memref_slice %arg2[%dma_wait3A_59, %dma_wait3A_60] : memref<50000x32xf32, #tpu.memory_space<hbm>> -> memref<128x32xf32, #tpu.memory_space<hbm>>
      %dma_wait3A_62 = arith.constant 0 : i32
      %dma_wait3A_63 = arith.constant 0 : i32
      %dma_wait3A_64 = tpu.memref_slice %arg2[%dma_wait3A_62, %dma_wait3A_63] : memref<50000x32xf32, #tpu.memory_space<hbm>> -> memref<128x32xf32, #tpu.memory_space<hbm>>
      tpu.wait_dma2 semaphore(%arg13 : memref<!tpu.dma_semaphore, #tpu.memory_space<semaphore_mem>>) src(%dma_wait3A_64 : memref<128x32xf32, #tpu.memory_space<hbm>>) dst(%arg10 : memref<128x32xf32, #tpu.memory_space<vmem>>)
      %add3A_65 = arith.constant 1 : i32
      %add3A_66 = arith.addi %mul3A_39, %add3A_65 : i32
      "tpu.region"() ({
        %run_scoped3A = tpu.sem_alloc : memref<!tpu.dma_semaphore, #tpu.memory_space<semaphore_mem>>
        %dma_start3A_79 = arith.constant 0 : i32
        %dma_start3A_80 = tpu.memref_slice %arg8[%add3A_66, %dma_start3A_79] : memref<80x128xi32, #tpu.memory_space<vmem>> -> memref<1x128xi32, #tpu.memory_space<vmem>>
        %dma_start3A_81 = tpu.memref_squeeze %dma_start3A_80 : memref<1x128xi32, #tpu.memory_space<vmem>> -> memref<128xi32, #tpu.memory_space<vmem>>
        %dma_start3A_82 = arith.constant 0 : i32
        %dma_start3A_83 = arith.constant 0 : i32
        %dma_start3A_84 = tpu.memref_slice %arg11[%dma_start3A_82, %dma_start3A_83] : memref<50048x32xf32, #tpu.memory_space<vmem_shared>> -> memref<50048x32xf32, #tpu.memory_space<vmem_shared>>
        tpu.enqueue_indirect_dma source(%arg10 : memref<128x32xf32, #tpu.memory_space<vmem>>) target(%dma_start3A_84 : memref<50048x32xf32, #tpu.memory_space<vmem_shared>>) offsets(%dma_start3A_81 : memref<128xi32, #tpu.memory_space<vmem>>) semaphore(%run_scoped3A : memref<!tpu.dma_semaphore, #tpu.memory_space<semaphore_mem>>) {add = true}
        %dma_wait3A_85 = arith.constant 0 : i32
        %dma_wait3A_86 = tpu.memref_slice %arg8[%add3A_66, %dma_wait3A_85] : memref<80x128xi32, #tpu.memory_space<vmem>> -> memref<1x128xi32, #tpu.memory_space<vmem>>
        %dma_wait3A_87 = tpu.memref_squeeze %dma_wait3A_86 : memref<1x128xi32, #tpu.memory_space<vmem>> -> memref<128xi32, #tpu.memory_space<vmem>>
        %dma_wait3A_88 = arith.constant 0 : i32
        %dma_wait3A_89 = arith.constant 0 : i32
        %dma_wait3A_90 = tpu.memref_slice %arg11[%dma_wait3A_88, %dma_wait3A_89] : memref<50048x32xf32, #tpu.memory_space<vmem_shared>> -> memref<50048x32xf32, #tpu.memory_space<vmem_shared>>
        tpu.wait_indirect_dma semaphore(%run_scoped3A : memref<!tpu.dma_semaphore, #tpu.memory_space<semaphore_mem>>) src(%arg10 : memref<128x32xf32, #tpu.memory_space<vmem>>) dst(%dma_wait3A_90 : memref<50048x32xf32, #tpu.memory_space<vmem_shared>>)
        tpu.yield
      }) : () -> ()
      %add3A_67 = arith.constant 2 : i32
      %add3A_68 = arith.addi %mul3A_39, %add3A_67 : i32
      %add3A_69 = arith.constant 1 : i32
      %add3A_70 = arith.addi %add3A_68, %add3A_69 : i32
      %min3A_71 = arith.constant 79 : i32
      %min3A_72 = arith.minsi %add3A_70, %min3A_71 : i32
      %dma_start3A_73 = arith.constant 0 : i32
      %dma_start3A_74 = tpu.memref_slice %arg7[%min3A_72, %dma_start3A_73] : memref<80x128xi32, #tpu.memory_space<vmem>> -> memref<1x128xi32, #tpu.memory_space<vmem>>
      %dma_start3A_75 = tpu.memref_squeeze %dma_start3A_74 : memref<1x128xi32, #tpu.memory_space<vmem>> -> memref<128xi32, #tpu.memory_space<vmem>>
      %dma_start3A_76 = arith.constant 0 : i32
      %dma_start3A_77 = arith.constant 0 : i32
      %dma_start3A_78 = tpu.memref_slice %arg2[%dma_start3A_76, %dma_start3A_77] : memref<50000x32xf32, #tpu.memory_space<hbm>> -> memref<50000x32xf32, #tpu.memory_space<hbm>>
      tpu.enqueue_indirect_dma source(%dma_start3A_78 : memref<50000x32xf32, #tpu.memory_space<hbm>>) target(%arg10 : memref<128x32xf32, #tpu.memory_space<vmem>>) offsets(%dma_start3A_75 : memref<128xi32, #tpu.memory_space<vmem>>) semaphore(%arg13 : memref<!tpu.dma_semaphore, #tpu.memory_space<semaphore_mem>>)
    }
    %scan3A_20 = arith.constant 40 : i32
    %dma_wait3A = arith.constant 0 : i32
    %dma_wait3A_21 = arith.constant 0 : i32
    %dma_wait3A_22 = tpu.memref_slice %arg2[%dma_wait3A, %dma_wait3A_21] : memref<50000x32xf32, #tpu.memory_space<hbm>> -> memref<128x32xf32, #tpu.memory_space<hbm>>
    %dma_wait3A_23 = arith.constant 0 : i32
    %dma_wait3A_24 = arith.constant 0 : i32
    %dma_wait3A_25 = tpu.memref_slice %arg2[%dma_wait3A_23, %dma_wait3A_24] : memref<50000x32xf32, #tpu.memory_space<hbm>> -> memref<128x32xf32, #tpu.memory_space<hbm>>
    tpu.wait_dma2 semaphore(%arg12 : memref<!tpu.dma_semaphore, #tpu.memory_space<semaphore_mem>>) src(%dma_wait3A_25 : memref<128x32xf32, #tpu.memory_space<hbm>>) dst(%arg9 : memref<128x32xf32, #tpu.memory_space<vmem>>)
    %dma_wait3A_26 = arith.constant 0 : i32
    %dma_wait3A_27 = arith.constant 0 : i32
    %dma_wait3A_28 = tpu.memref_slice %arg2[%dma_wait3A_26, %dma_wait3A_27] : memref<50000x32xf32, #tpu.memory_space<hbm>> -> memref<128x32xf32, #tpu.memory_space<hbm>>
    %dma_wait3A_29 = arith.constant 0 : i32
    %dma_wait3A_30 = arith.constant 0 : i32
    %dma_wait3A_31 = tpu.memref_slice %arg2[%dma_wait3A_29, %dma_wait3A_30] : memref<50000x32xf32, #tpu.memory_space<hbm>> -> memref<128x32xf32, #tpu.memory_space<hbm>>
    tpu.wait_dma2 semaphore(%arg13 : memref<!tpu.dma_semaphore, #tpu.memory_space<semaphore_mem>>) src(%dma_wait3A_31 : memref<128x32xf32, #tpu.memory_space<hbm>>) dst(%arg10 : memref<128x32xf32, #tpu.memory_space<vmem>>)
    %barrier3A_32 = arith.constant 0 : index
    tpu.barrier barrier_id(%barrier3A_32)
    %mul3A_33 = arith.constant 3128 : i32
    %mul3A_34 = arith.muli %arg1, %mul3A_33 : i32
    %mul3A_35 = arith.constant 3128 : i32
    %mul3A_36 = arith.muli %arg1, %mul3A_35 : i32
    "tpu.region"() ({
      %run_scoped3A = tpu.sem_alloc : memref<!tpu.dma_semaphore, #tpu.memory_space<semaphore_mem>>
      %dma_start3A_37 = arith.constant 0 : i32
      %dma_start3A_38 = tpu.memref_slice %arg6[%arg0, %mul3A_36, %dma_start3A_37] : memref<2x50048x32xf32, #tpu.memory_space<hbm>> -> memref<1x3128x32xf32, #tpu.memory_space<hbm>>
      %dma_start3A_39 = tpu.memref_squeeze %dma_start3A_38 : memref<1x3128x32xf32, #tpu.memory_space<hbm>> -> memref<3128x32xf32, #tpu.memory_space<hbm>>
      %dma_start3A_40 = arith.constant 0 : i32
      %dma_start3A_41 = tpu.memref_slice %arg11[%mul3A_34, %dma_start3A_40] : memref<50048x32xf32, #tpu.memory_space<vmem_shared>> -> memref<3128x32xf32, #tpu.memory_space<vmem_shared>>
      tpu.enqueue_dma source(%dma_start3A_41 : memref<3128x32xf32, #tpu.memory_space<vmem_shared>>) target(%dma_start3A_39 : memref<3128x32xf32, #tpu.memory_space<hbm>>) target_semaphore(%run_scoped3A : memref<!tpu.dma_semaphore, #tpu.memory_space<semaphore_mem>>)
      %dma_wait3A_42 = arith.constant 0 : i32
      %dma_wait3A_43 = tpu.memref_slice %arg6[%arg0, %mul3A_36, %dma_wait3A_42] : memref<2x50048x32xf32, #tpu.memory_space<hbm>> -> memref<1x3128x32xf32, #tpu.memory_space<hbm>>
      %dma_wait3A_44 = tpu.memref_squeeze %dma_wait3A_43 : memref<1x3128x32xf32, #tpu.memory_space<hbm>> -> memref<3128x32xf32, #tpu.memory_space<hbm>>
      %dma_wait3A_45 = arith.constant 0 : i32
      %dma_wait3A_46 = tpu.memref_slice %arg11[%mul3A_34, %dma_wait3A_45] : memref<50048x32xf32, #tpu.memory_space<vmem_shared>> -> memref<3128x32xf32, #tpu.memory_space<vmem_shared>>
      tpu.wait_dma2 semaphore(%run_scoped3A : memref<!tpu.dma_semaphore, #tpu.memory_space<semaphore_mem>>) src(%dma_wait3A_46 : memref<3128x32xf32, #tpu.memory_space<vmem_shared>>) dst(%dma_wait3A_44 : memref<3128x32xf32, #tpu.memory_space<hbm>>)
      tpu.yield
    }) : () -> ()
    return
  }
}

#map = affine_map<(d0, d1) -> (0, 0)>
#map1 = affine_map<(d0, d1) -> (0, 0, 0)>
module attributes {stable_mosaic.version = 14 : i64} {
  func.func @_sc_edge_body(%arg0: i32, %arg1: i32, %arg2: memref<50000x32xf32, #tpu.memory_space<hbm>>, %arg3: memref<32x80x128xi32, #tpu.memory_space<hbm>>, %arg4: memref<32x80x128xi32, #tpu.memory_space<hbm>>, %arg5: memref<3128x32xf32, #tpu.memory_space<hbm>>, %arg6: memref<2x50048x32xf32, #tpu.memory_space<hbm>>, %arg7: memref<80x128xi32, #tpu.memory_space<vmem>>, %arg8: memref<80x128xi32, #tpu.memory_space<vmem>>, %arg9: memref<128x32xf32, #tpu.memory_space<vmem>>, %arg10: memref<128x32xf32, #tpu.memory_space<vmem>>, %arg11: memref<50048x32xf32, #tpu.memory_space<vmem_shared>>, %arg12: memref<!tpu.dma_semaphore, #tpu.memory_space<semaphore_mem>>, %arg13: memref<!tpu.dma_semaphore, #tpu.memory_space<semaphore_mem>>) attributes {dimension_semantics = [#tpu.dimension_semantics<core_parallel>, #tpu.dimension_semantics<subcore_parallel>], iteration_bounds = array<i64: 2, 16>, scalar_prefetch = 0 : i64, scratch_operands = 7 : i64, tpu.core_type = #tpu.core_type<sc_vector_subcore>, window_params = [{transform_indices = #map}, {transform_indices = #map1}, {transform_indices = #map1}, {transform_indices = #map}, {transform_indices = #map1}]} {
    %mul3A = arith.constant 16 : i32
    %mul3A_0 = arith.muli %arg0, %mul3A : i32
    %add3A = arith.addi %mul3A_0, %arg1 : i32
    %mul3A_1 = arith.constant 3128 : i32
    %mul3A_2 = arith.muli %arg1, %mul3A_1 : i32
    "tpu.region"() ({
      %run_scoped3A = tpu.sem_alloc : memref<!tpu.dma_semaphore, #tpu.memory_space<semaphore_mem>>
      %dma_start3A_37 = arith.constant 0 : i32
      %dma_start3A_38 = tpu.memref_slice %arg11[%mul3A_2, %dma_start3A_37] : memref<50048x32xf32, #tpu.memory_space<vmem_shared>> -> memref<3128x32xf32, #tpu.memory_space<vmem_shared>>
      tpu.enqueue_dma source(%arg5 : memref<3128x32xf32, #tpu.memory_space<hbm>>) target(%dma_start3A_38 : memref<3128x32xf32, #tpu.memory_space<vmem_shared>>) target_semaphore(%run_scoped3A : memref<!tpu.dma_semaphore, #tpu.memory_space<semaphore_mem>>)
      %dma_wait3A_39 = arith.constant 0 : i32
      %dma_wait3A_40 = tpu.memref_slice %arg11[%mul3A_2, %dma_wait3A_39] : memref<50048x32xf32, #tpu.memory_space<vmem_shared>> -> memref<3128x32xf32, #tpu.memory_space<vmem_shared>>
      tpu.wait_dma2 semaphore(%run_scoped3A : memref<!tpu.dma_semaphore, #tpu.memory_space<semaphore_mem>>) src(%arg5 : memref<3128x32xf32, #tpu.memory_space<hbm>>) dst(%dma_wait3A_40 : memref<3128x32xf32, #tpu.memory_space<vmem_shared>>)
      tpu.yield
    }) : () -> ()
    %barrier3A = arith.constant 0 : index
    tpu.barrier barrier_id(%barrier3A)
    "tpu.region"() ({
      %run_scoped3A = tpu.sem_alloc : memref<!tpu.dma_semaphore, #tpu.memory_space<semaphore_mem>>
      %dma_start3A_37 = arith.constant 0 : i32
      %dma_start3A_38 = arith.constant 0 : i32
      %dma_start3A_39 = tpu.memref_slice %arg3[%add3A, %dma_start3A_37, %dma_start3A_38] : memref<32x80x128xi32, #tpu.memory_space<hbm>> -> memref<1x80x128xi32, #tpu.memory_space<hbm>>
      %dma_start3A_40 = tpu.memref_squeeze %dma_start3A_39 : memref<1x80x128xi32, #tpu.memory_space<hbm>> -> memref<80x128xi32, #tpu.memory_space<hbm>>
      %dma_start3A_41 = arith.constant 0 : i32
      %dma_start3A_42 = arith.constant 0 : i32
      %dma_start3A_43 = tpu.memref_slice %arg3[%add3A, %dma_start3A_41, %dma_start3A_42] : memref<32x80x128xi32, #tpu.memory_space<hbm>> -> memref<1x80x128xi32, #tpu.memory_space<hbm>>
      %dma_start3A_44 = tpu.memref_squeeze %dma_start3A_43 : memref<1x80x128xi32, #tpu.memory_space<hbm>> -> memref<80x128xi32, #tpu.memory_space<hbm>>
      tpu.enqueue_dma source(%dma_start3A_44 : memref<80x128xi32, #tpu.memory_space<hbm>>) target(%arg7 : memref<80x128xi32, #tpu.memory_space<vmem>>) target_semaphore(%run_scoped3A : memref<!tpu.dma_semaphore, #tpu.memory_space<semaphore_mem>>)
      %dma_wait3A_45 = arith.constant 0 : i32
      %dma_wait3A_46 = arith.constant 0 : i32
      %dma_wait3A_47 = tpu.memref_slice %arg3[%add3A, %dma_wait3A_45, %dma_wait3A_46] : memref<32x80x128xi32, #tpu.memory_space<hbm>> -> memref<1x80x128xi32, #tpu.memory_space<hbm>>
      %dma_wait3A_48 = tpu.memref_squeeze %dma_wait3A_47 : memref<1x80x128xi32, #tpu.memory_space<hbm>> -> memref<80x128xi32, #tpu.memory_space<hbm>>
      %dma_wait3A_49 = arith.constant 0 : i32
      %dma_wait3A_50 = arith.constant 0 : i32
      %dma_wait3A_51 = tpu.memref_slice %arg3[%add3A, %dma_wait3A_49, %dma_wait3A_50] : memref<32x80x128xi32, #tpu.memory_space<hbm>> -> memref<1x80x128xi32, #tpu.memory_space<hbm>>
      %dma_wait3A_52 = tpu.memref_squeeze %dma_wait3A_51 : memref<1x80x128xi32, #tpu.memory_space<hbm>> -> memref<80x128xi32, #tpu.memory_space<hbm>>
      tpu.wait_dma2 semaphore(%run_scoped3A : memref<!tpu.dma_semaphore, #tpu.memory_space<semaphore_mem>>) src(%dma_wait3A_52 : memref<80x128xi32, #tpu.memory_space<hbm>>) dst(%arg7 : memref<80x128xi32, #tpu.memory_space<vmem>>)
      tpu.yield
    }) : () -> ()
    "tpu.region"() ({
      %run_scoped3A = tpu.sem_alloc : memref<!tpu.dma_semaphore, #tpu.memory_space<semaphore_mem>>
      %dma_start3A_37 = arith.constant 0 : i32
      %dma_start3A_38 = arith.constant 0 : i32
      %dma_start3A_39 = tpu.memref_slice %arg4[%add3A, %dma_start3A_37, %dma_start3A_38] : memref<32x80x128xi32, #tpu.memory_space<hbm>> -> memref<1x80x128xi32, #tpu.memory_space<hbm>>
      %dma_start3A_40 = tpu.memref_squeeze %dma_start3A_39 : memref<1x80x128xi32, #tpu.memory_space<hbm>> -> memref<80x128xi32, #tpu.memory_space<hbm>>
      %dma_start3A_41 = arith.constant 0 : i32
      %dma_start3A_42 = arith.constant 0 : i32
      %dma_start3A_43 = tpu.memref_slice %arg4[%add3A, %dma_start3A_41, %dma_start3A_42] : memref<32x80x128xi32, #tpu.memory_space<hbm>> -> memref<1x80x128xi32, #tpu.memory_space<hbm>>
      %dma_start3A_44 = tpu.memref_squeeze %dma_start3A_43 : memref<1x80x128xi32, #tpu.memory_space<hbm>> -> memref<80x128xi32, #tpu.memory_space<hbm>>
      tpu.enqueue_dma source(%dma_start3A_44 : memref<80x128xi32, #tpu.memory_space<hbm>>) target(%arg8 : memref<80x128xi32, #tpu.memory_space<vmem>>) target_semaphore(%run_scoped3A : memref<!tpu.dma_semaphore, #tpu.memory_space<semaphore_mem>>)
      %dma_wait3A_45 = arith.constant 0 : i32
      %dma_wait3A_46 = arith.constant 0 : i32
      %dma_wait3A_47 = tpu.memref_slice %arg4[%add3A, %dma_wait3A_45, %dma_wait3A_46] : memref<32x80x128xi32, #tpu.memory_space<hbm>> -> memref<1x80x128xi32, #tpu.memory_space<hbm>>
      %dma_wait3A_48 = tpu.memref_squeeze %dma_wait3A_47 : memref<1x80x128xi32, #tpu.memory_space<hbm>> -> memref<80x128xi32, #tpu.memory_space<hbm>>
      %dma_wait3A_49 = arith.constant 0 : i32
      %dma_wait3A_50 = arith.constant 0 : i32
      %dma_wait3A_51 = tpu.memref_slice %arg4[%add3A, %dma_wait3A_49, %dma_wait3A_50] : memref<32x80x128xi32, #tpu.memory_space<hbm>> -> memref<1x80x128xi32, #tpu.memory_space<hbm>>
      %dma_wait3A_52 = tpu.memref_squeeze %dma_wait3A_51 : memref<1x80x128xi32, #tpu.memory_space<hbm>> -> memref<80x128xi32, #tpu.memory_space<hbm>>
      tpu.wait_dma2 semaphore(%run_scoped3A : memref<!tpu.dma_semaphore, #tpu.memory_space<semaphore_mem>>) src(%dma_wait3A_52 : memref<80x128xi32, #tpu.memory_space<hbm>>) dst(%arg8 : memref<80x128xi32, #tpu.memory_space<vmem>>)
      tpu.yield
    }) : () -> ()
    %dma_start3A = arith.constant 0 : i32
    %dma_start3A_3 = arith.constant 0 : i32
    %dma_start3A_4 = tpu.memref_slice %arg7[%dma_start3A, %dma_start3A_3] : memref<80x128xi32, #tpu.memory_space<vmem>> -> memref<1x128xi32, #tpu.memory_space<vmem>>
    %dma_start3A_5 = tpu.memref_squeeze %dma_start3A_4 : memref<1x128xi32, #tpu.memory_space<vmem>> -> memref<128xi32, #tpu.memory_space<vmem>>
    %dma_start3A_6 = arith.constant 0 : i32
    %dma_start3A_7 = arith.constant 0 : i32
    %dma_start3A_8 = tpu.memref_slice %arg2[%dma_start3A_6, %dma_start3A_7] : memref<50000x32xf32, #tpu.memory_space<hbm>> -> memref<50000x32xf32, #tpu.memory_space<hbm>>
    tpu.enqueue_indirect_dma source(%dma_start3A_8 : memref<50000x32xf32, #tpu.memory_space<hbm>>) target(%arg9 : memref<128x32xf32, #tpu.memory_space<vmem>>) offsets(%dma_start3A_5 : memref<128xi32, #tpu.memory_space<vmem>>) semaphore(%arg12 : memref<!tpu.dma_semaphore, #tpu.memory_space<semaphore_mem>>)
    %dma_start3A_9 = arith.constant 1 : i32
    %dma_start3A_10 = arith.constant 0 : i32
    %dma_start3A_11 = tpu.memref_slice %arg7[%dma_start3A_9, %dma_start3A_10] : memref<80x128xi32, #tpu.memory_space<vmem>> -> memref<1x128xi32, #tpu.memory_space<vmem>>
    %dma_start3A_12 = tpu.memref_squeeze %dma_start3A_11 : memref<1x128xi32, #tpu.memory_space<vmem>> -> memref<128xi32, #tpu.memory_space<vmem>>
    %dma_start3A_13 = arith.constant 0 : i32
    %dma_start3A_14 = arith.constant 0 : i32
    %dma_start3A_15 = tpu.memref_slice %arg2[%dma_start3A_13, %dma_start3A_14] : memref<50000x32xf32, #tpu.memory_space<hbm>> -> memref<50000x32xf32, #tpu.memory_space<hbm>>
    tpu.enqueue_indirect_dma source(%dma_start3A_15 : memref<50000x32xf32, #tpu.memory_space<hbm>>) target(%arg10 : memref<128x32xf32, #tpu.memory_space<vmem>>) offsets(%dma_start3A_12 : memref<128xi32, #tpu.memory_space<vmem>>) semaphore(%arg13 : memref<!tpu.dma_semaphore, #tpu.memory_space<semaphore_mem>>)
    %scan3A = arith.constant 0 : i32
    %scan3A_16 = arith.constant 0 : i32
    %scan3A_17 = arith.constant 40 : i32
    %scan3A_18 = arith.addi %scan3A_16, %scan3A_17 : i32
    %scan3A_19 = arith.constant 1 : i32
    scf.for %scan3A_37 = %scan3A_16 to %scan3A_18 step %scan3A_19  : i32 {
      %mul3A_38 = arith.constant 2 : i32
      %mul3A_39 = arith.muli %scan3A_37, %mul3A_38 : i32
      %dma_wait3A_40 = arith.constant 0 : i32
      %dma_wait3A_41 = arith.constant 0 : i32
      %dma_wait3A_42 = tpu.memref_slice %arg2[%dma_wait3A_40, %dma_wait3A_41] : memref<50000x32xf32, #tpu.memory_space<hbm>> -> memref<128x32xf32, #tpu.memory_space<hbm>>
      %dma_wait3A_43 = arith.constant 0 : i32
      %dma_wait3A_44 = arith.constant 0 : i32
      %dma_wait3A_45 = tpu.memref_slice %arg2[%dma_wait3A_43, %dma_wait3A_44] : memref<50000x32xf32, #tpu.memory_space<hbm>> -> memref<128x32xf32, #tpu.memory_space<hbm>>
      tpu.wait_dma2 semaphore(%arg12 : memref<!tpu.dma_semaphore, #tpu.memory_space<semaphore_mem>>) src(%dma_wait3A_45 : memref<128x32xf32, #tpu.memory_space<hbm>>) dst(%arg9 : memref<128x32xf32, #tpu.memory_space<vmem>>)
      %add3A_46 = arith.constant 0 : i32
      %add3A_47 = arith.addi %mul3A_39, %add3A_46 : i32
      "tpu.region"() ({
        %run_scoped3A = tpu.sem_alloc : memref<!tpu.dma_semaphore, #tpu.memory_space<semaphore_mem>>
        %dma_start3A_79 = arith.constant 0 : i32
        %dma_start3A_80 = tpu.memref_slice %arg8[%add3A_47, %dma_start3A_79] : memref<80x128xi32, #tpu.memory_space<vmem>> -> memref<1x128xi32, #tpu.memory_space<vmem>>
        %dma_start3A_81 = tpu.memref_squeeze %dma_start3A_80 : memref<1x128xi32, #tpu.memory_space<vmem>> -> memref<128xi32, #tpu.memory_space<vmem>>
        %dma_start3A_82 = arith.constant 0 : i32
        %dma_start3A_83 = arith.constant 0 : i32
        %dma_start3A_84 = tpu.memref_slice %arg11[%dma_start3A_82, %dma_start3A_83] : memref<50048x32xf32, #tpu.memory_space<vmem_shared>> -> memref<50048x32xf32, #tpu.memory_space<vmem_shared>>
        tpu.enqueue_indirect_dma source(%arg9 : memref<128x32xf32, #tpu.memory_space<vmem>>) target(%dma_start3A_84 : memref<50048x32xf32, #tpu.memory_space<vmem_shared>>) offsets(%dma_start3A_81 : memref<128xi32, #tpu.memory_space<vmem>>) semaphore(%run_scoped3A : memref<!tpu.dma_semaphore, #tpu.memory_space<semaphore_mem>>) {add = true}
        %dma_wait3A_85 = arith.constant 0 : i32
        %dma_wait3A_86 = tpu.memref_slice %arg8[%add3A_47, %dma_wait3A_85] : memref<80x128xi32, #tpu.memory_space<vmem>> -> memref<1x128xi32, #tpu.memory_space<vmem>>
        %dma_wait3A_87 = tpu.memref_squeeze %dma_wait3A_86 : memref<1x128xi32, #tpu.memory_space<vmem>> -> memref<128xi32, #tpu.memory_space<vmem>>
        %dma_wait3A_88 = arith.constant 0 : i32
        %dma_wait3A_89 = arith.constant 0 : i32
        %dma_wait3A_90 = tpu.memref_slice %arg11[%dma_wait3A_88, %dma_wait3A_89] : memref<50048x32xf32, #tpu.memory_space<vmem_shared>> -> memref<50048x32xf32, #tpu.memory_space<vmem_shared>>
        tpu.wait_indirect_dma semaphore(%run_scoped3A : memref<!tpu.dma_semaphore, #tpu.memory_space<semaphore_mem>>) src(%arg9 : memref<128x32xf32, #tpu.memory_space<vmem>>) dst(%dma_wait3A_90 : memref<50048x32xf32, #tpu.memory_space<vmem_shared>>)
        tpu.yield
      }) : () -> ()
      %add3A_48 = arith.constant 2 : i32
      %add3A_49 = arith.addi %mul3A_39, %add3A_48 : i32
      %add3A_50 = arith.constant 0 : i32
      %add3A_51 = arith.addi %add3A_49, %add3A_50 : i32
      %min3A = arith.constant 79 : i32
      %min3A_52 = arith.minsi %add3A_51, %min3A : i32
      %dma_start3A_53 = arith.constant 0 : i32
      %dma_start3A_54 = tpu.memref_slice %arg7[%min3A_52, %dma_start3A_53] : memref<80x128xi32, #tpu.memory_space<vmem>> -> memref<1x128xi32, #tpu.memory_space<vmem>>
      %dma_start3A_55 = tpu.memref_squeeze %dma_start3A_54 : memref<1x128xi32, #tpu.memory_space<vmem>> -> memref<128xi32, #tpu.memory_space<vmem>>
      %dma_start3A_56 = arith.constant 0 : i32
      %dma_start3A_57 = arith.constant 0 : i32
      %dma_start3A_58 = tpu.memref_slice %arg2[%dma_start3A_56, %dma_start3A_57] : memref<50000x32xf32, #tpu.memory_space<hbm>> -> memref<50000x32xf32, #tpu.memory_space<hbm>>
      tpu.enqueue_indirect_dma source(%dma_start3A_58 : memref<50000x32xf32, #tpu.memory_space<hbm>>) target(%arg9 : memref<128x32xf32, #tpu.memory_space<vmem>>) offsets(%dma_start3A_55 : memref<128xi32, #tpu.memory_space<vmem>>) semaphore(%arg12 : memref<!tpu.dma_semaphore, #tpu.memory_space<semaphore_mem>>)
      %dma_wait3A_59 = arith.constant 0 : i32
      %dma_wait3A_60 = arith.constant 0 : i32
      %dma_wait3A_61 = tpu.memref_slice %arg2[%dma_wait3A_59, %dma_wait3A_60] : memref<50000x32xf32, #tpu.memory_space<hbm>> -> memref<128x32xf32, #tpu.memory_space<hbm>>
      %dma_wait3A_62 = arith.constant 0 : i32
      %dma_wait3A_63 = arith.constant 0 : i32
      %dma_wait3A_64 = tpu.memref_slice %arg2[%dma_wait3A_62, %dma_wait3A_63] : memref<50000x32xf32, #tpu.memory_space<hbm>> -> memref<128x32xf32, #tpu.memory_space<hbm>>
      tpu.wait_dma2 semaphore(%arg13 : memref<!tpu.dma_semaphore, #tpu.memory_space<semaphore_mem>>) src(%dma_wait3A_64 : memref<128x32xf32, #tpu.memory_space<hbm>>) dst(%arg10 : memref<128x32xf32, #tpu.memory_space<vmem>>)
      %add3A_65 = arith.constant 1 : i32
      %add3A_66 = arith.addi %mul3A_39, %add3A_65 : i32
      "tpu.region"() ({
        %run_scoped3A = tpu.sem_alloc : memref<!tpu.dma_semaphore, #tpu.memory_space<semaphore_mem>>
        %dma_start3A_79 = arith.constant 0 : i32
        %dma_start3A_80 = tpu.memref_slice %arg8[%add3A_66, %dma_start3A_79] : memref<80x128xi32, #tpu.memory_space<vmem>> -> memref<1x128xi32, #tpu.memory_space<vmem>>
        %dma_start3A_81 = tpu.memref_squeeze %dma_start3A_80 : memref<1x128xi32, #tpu.memory_space<vmem>> -> memref<128xi32, #tpu.memory_space<vmem>>
        %dma_start3A_82 = arith.constant 0 : i32
        %dma_start3A_83 = arith.constant 0 : i32
        %dma_start3A_84 = tpu.memref_slice %arg11[%dma_start3A_82, %dma_start3A_83] : memref<50048x32xf32, #tpu.memory_space<vmem_shared>> -> memref<50048x32xf32, #tpu.memory_space<vmem_shared>>
        tpu.enqueue_indirect_dma source(%arg10 : memref<128x32xf32, #tpu.memory_space<vmem>>) target(%dma_start3A_84 : memref<50048x32xf32, #tpu.memory_space<vmem_shared>>) offsets(%dma_start3A_81 : memref<128xi32, #tpu.memory_space<vmem>>) semaphore(%run_scoped3A : memref<!tpu.dma_semaphore, #tpu.memory_space<semaphore_mem>>) {add = true}
        %dma_wait3A_85 = arith.constant 0 : i32
        %dma_wait3A_86 = tpu.memref_slice %arg8[%add3A_66, %dma_wait3A_85] : memref<80x128xi32, #tpu.memory_space<vmem>> -> memref<1x128xi32, #tpu.memory_space<vmem>>
        %dma_wait3A_87 = tpu.memref_squeeze %dma_wait3A_86 : memref<1x128xi32, #tpu.memory_space<vmem>> -> memref<128xi32, #tpu.memory_space<vmem>>
        %dma_wait3A_88 = arith.constant 0 : i32
        %dma_wait3A_89 = arith.constant 0 : i32
        %dma_wait3A_90 = tpu.memref_slice %arg11[%dma_wait3A_88, %dma_wait3A_89] : memref<50048x32xf32, #tpu.memory_space<vmem_shared>> -> memref<50048x32xf32, #tpu.memory_space<vmem_shared>>
        tpu.wait_indirect_dma semaphore(%run_scoped3A : memref<!tpu.dma_semaphore, #tpu.memory_space<semaphore_mem>>) src(%arg10 : memref<128x32xf32, #tpu.memory_space<vmem>>) dst(%dma_wait3A_90 : memref<50048x32xf32, #tpu.memory_space<vmem_shared>>)
        tpu.yield
      }) : () -> ()
      %add3A_67 = arith.constant 2 : i32
      %add3A_68 = arith.addi %mul3A_39, %add3A_67 : i32
      %add3A_69 = arith.constant 1 : i32
      %add3A_70 = arith.addi %add3A_68, %add3A_69 : i32
      %min3A_71 = arith.constant 79 : i32
      %min3A_72 = arith.minsi %add3A_70, %min3A_71 : i32
      %dma_start3A_73 = arith.constant 0 : i32
      %dma_start3A_74 = tpu.memref_slice %arg7[%min3A_72, %dma_start3A_73] : memref<80x128xi32, #tpu.memory_space<vmem>> -> memref<1x128xi32, #tpu.memory_space<vmem>>
      %dma_start3A_75 = tpu.memref_squeeze %dma_start3A_74 : memref<1x128xi32, #tpu.memory_space<vmem>> -> memref<128xi32, #tpu.memory_space<vmem>>
      %dma_start3A_76 = arith.constant 0 : i32
      %dma_start3A_77 = arith.constant 0 : i32
      %dma_start3A_78 = tpu.memref_slice %arg2[%dma_start3A_76, %dma_start3A_77] : memref<50000x32xf32, #tpu.memory_space<hbm>> -> memref<50000x32xf32, #tpu.memory_space<hbm>>
      tpu.enqueue_indirect_dma source(%dma_start3A_78 : memref<50000x32xf32, #tpu.memory_space<hbm>>) target(%arg10 : memref<128x32xf32, #tpu.memory_space<vmem>>) offsets(%dma_start3A_75 : memref<128xi32, #tpu.memory_space<vmem>>) semaphore(%arg13 : memref<!tpu.dma_semaphore, #tpu.memory_space<semaphore_mem>>)
    }
    %scan3A_20 = arith.constant 40 : i32
    %dma_wait3A = arith.constant 0 : i32
    %dma_wait3A_21 = arith.constant 0 : i32
    %dma_wait3A_22 = tpu.memref_slice %arg2[%dma_wait3A, %dma_wait3A_21] : memref<50000x32xf32, #tpu.memory_space<hbm>> -> memref<128x32xf32, #tpu.memory_space<hbm>>
    %dma_wait3A_23 = arith.constant 0 : i32
    %dma_wait3A_24 = arith.constant 0 : i32
    %dma_wait3A_25 = tpu.memref_slice %arg2[%dma_wait3A_23, %dma_wait3A_24] : memref<50000x32xf32, #tpu.memory_space<hbm>> -> memref<128x32xf32, #tpu.memory_space<hbm>>
    tpu.wait_dma2 semaphore(%arg12 : memref<!tpu.dma_semaphore, #tpu.memory_space<semaphore_mem>>) src(%dma_wait3A_25 : memref<128x32xf32, #tpu.memory_space<hbm>>) dst(%arg9 : memref<128x32xf32, #tpu.memory_space<vmem>>)
    %dma_wait3A_26 = arith.constant 0 : i32
    %dma_wait3A_27 = arith.constant 0 : i32
    %dma_wait3A_28 = tpu.memref_slice %arg2[%dma_wait3A_26, %dma_wait3A_27] : memref<50000x32xf32, #tpu.memory_space<hbm>> -> memref<128x32xf32, #tpu.memory_space<hbm>>
    %dma_wait3A_29 = arith.constant 0 : i32
    %dma_wait3A_30 = arith.constant 0 : i32
    %dma_wait3A_31 = tpu.memref_slice %arg2[%dma_wait3A_29, %dma_wait3A_30] : memref<50000x32xf32, #tpu.memory_space<hbm>> -> memref<128x32xf32, #tpu.memory_space<hbm>>
    tpu.wait_dma2 semaphore(%arg13 : memref<!tpu.dma_semaphore, #tpu.memory_space<semaphore_mem>>) src(%dma_wait3A_31 : memref<128x32xf32, #tpu.memory_space<hbm>>) dst(%arg10 : memref<128x32xf32, #tpu.memory_space<vmem>>)
    %barrier3A_32 = arith.constant 0 : index
    tpu.barrier barrier_id(%barrier3A_32)
    %mul3A_33 = arith.constant 3128 : i32
    %mul3A_34 = arith.muli %arg1, %mul3A_33 : i32
    %mul3A_35 = arith.constant 3128 : i32
    %mul3A_36 = arith.muli %arg1, %mul3A_35 : i32
    "tpu.region"() ({
      %run_scoped3A = tpu.sem_alloc : memref<!tpu.dma_semaphore, #tpu.memory_space<semaphore_mem>>
      %dma_start3A_37 = arith.constant 0 : i32
      %dma_start3A_38 = tpu.memref_slice %arg6[%arg0, %mul3A_36, %dma_start3A_37] : memref<2x50048x32xf32, #tpu.memory_space<hbm>> -> memref<1x3128x32xf32, #tpu.memory_space<hbm>>
      %dma_start3A_39 = tpu.memref_squeeze %dma_start3A_38 : memref<1x3128x32xf32, #tpu.memory_space<hbm>> -> memref<3128x32xf32, #tpu.memory_space<hbm>>
      %dma_start3A_40 = arith.constant 0 : i32
      %dma_start3A_41 = tpu.memref_slice %arg11[%mul3A_34, %dma_start3A_40] : memref<50048x32xf32, #tpu.memory_space<vmem_shared>> -> memref<3128x32xf32, #tpu.memory_space<vmem_shared>>
      tpu.enqueue_dma source(%dma_start3A_41 : memref<3128x32xf32, #tpu.memory_space<vmem_shared>>) target(%dma_start3A_39 : memref<3128x32xf32, #tpu.memory_space<hbm>>) target_semaphore(%run_scoped3A : memref<!tpu.dma_semaphore, #tpu.memory_space<semaphore_mem>>)
      %dma_wait3A_42 = arith.constant 0 : i32
      %dma_wait3A_43 = tpu.memref_slice %arg6[%arg0, %mul3A_36, %dma_wait3A_42] : memref<2x50048x32xf32, #tpu.memory_space<hbm>> -> memref<1x3128x32xf32, #tpu.memory_space<hbm>>
      %dma_wait3A_44 = tpu.memref_squeeze %dma_wait3A_43 : memref<1x3128x32xf32, #tpu.memory_space<hbm>> -> memref<3128x32xf32, #tpu.memory_space<hbm>>
      %dma_wait3A_45 = arith.constant 0 : i32
      %dma_wait3A_46 = tpu.memref_slice %arg11[%mul3A_34, %dma_wait3A_45] : memref<50048x32xf32, #tpu.memory_space<vmem_shared>> -> memref<3128x32xf32, #tpu.memory_space<vmem_shared>>
      tpu.wait_dma2 semaphore(%run_scoped3A : memref<!tpu.dma_semaphore, #tpu.memory_space<semaphore_mem>>) src(%dma_wait3A_46 : memref<3128x32xf32, #tpu.memory_space<vmem_shared>>) dst(%dma_wait3A_44 : memref<3128x32xf32, #tpu.memory_space<hbm>>)
      tpu.yield
    }) : () -> ()
    return
  }
}

module attributes {stable_mosaic.version = 14 : i64} {
  func.func @_mm_body(%arg0: memref<2500x512xf32, #tpu.memory_space<vmem>>, %arg1: memref<2x512x128xf32, #tpu.memory_space<vmem>>, %arg2: memref<5x2xf32, #tpu.memory_space<vmem>>, %arg3: memref<512x128xf32, #tpu.memory_space<vmem>>, %arg4: memref<1x128xf32, #tpu.memory_space<vmem>>, %arg5: memref<12500x128xf32, #tpu.memory_space<vmem>>, %arg6: memref<2500x128xf32, #tpu.memory_space<vmem>>) attributes {dimension_semantics = [], scalar_prefetch = 0 : i64, scratch_operands = 0 : i64, tpu.core_type = #tpu.core_type<tc>} {
    %get3A = arith.constant 0 : index
    %get3A_0 = arith.constant 0 : index
    %get3A_1 = vector.load %arg0[%get3A, %get3A_0] : memref<2500x512xf32, #tpu.memory_space<vmem>>, vector<2500x512xf32>
    %get3A_2 = arith.constant 0 : index
    %get3A_3 = arith.constant 0 : index
    %get3A_4 = vector.load %arg2[%get3A_2, %get3A_3] : memref<5x2xf32, #tpu.memory_space<vmem>>, vector<5x2xf32>
    %get3A_5 = arith.constant 0 : index
    %get3A_6 = arith.constant 0 : index
    %get3A_7 = arith.constant 0 : index
    %get3A_8 = vector.load %arg1[%get3A_5, %get3A_6, %get3A_7] : memref<2x512x128xf32, #tpu.memory_space<vmem>>, vector<2x512x128xf32>
    %dot_general3A = arith.constant dense<0.000000e+00> : vector<5x512x128xf32>
    %dot_general3A_9 = tpu.matmul %get3A_4, %get3A_8, %dot_general3A {dimension_numbers = #tpu.dot_dimension_numbers<[1], [0], [0], [1, 2], [0, 0, 1, 1, 1, 2], [], []>, transpose_lhs_hint = false} : vector<5x2xf32>, vector<2x512x128xf32>, vector<5x512x128xf32> -> vector<5x512x128xf32>
    %slice3A = vector.extract_strided_slice %dot_general3A_9 {offsets = [0, 0, 0], sizes = [1, 512, 128], strides = [1, 1, 1]} : vector<5x512x128xf32> to vector<1x512x128xf32>
    %squeeze3A = vector.shape_cast %slice3A : vector<1x512x128xf32> to vector<512x128xf32>
    %dot_general3A_10 = arith.constant dense<0.000000e+00> : vector<2500x128xf32>
    %dot_general3A_11 = tpu.matmul %get3A_1, %squeeze3A, %dot_general3A_10 {dimension_numbers = #tpu.dot_dimension_numbers<[1], [0], [0], [1], [0, 0, 1, 1], [], []>, transpose_lhs_hint = false} : vector<2500x512xf32>, vector<512x128xf32>, vector<2500x128xf32> -> vector<2500x128xf32>
    %swap3A = arith.constant 0 : index
    %swap3A_12 = arith.constant 0 : index
    %swap3A_13 = vector.load %arg5[%swap3A, %swap3A_12] : memref<12500x128xf32, #tpu.memory_space<vmem>>, vector<2500x128xf32>
    tpu.vector_store %arg5[%swap3A, %swap3A_12], %dot_general3A_11 {strides = array<i32>} : memref<12500x128xf32, #tpu.memory_space<vmem>>, vector<2500x128xf32>,
    %slice3A_14 = vector.extract_strided_slice %dot_general3A_9 {offsets = [1, 0, 0], sizes = [1, 512, 128], strides = [1, 1, 1]} : vector<5x512x128xf32> to vector<1x512x128xf32>
    %squeeze3A_15 = vector.shape_cast %slice3A_14 : vector<1x512x128xf32> to vector<512x128xf32>
    %dot_general3A_16 = arith.constant dense<0.000000e+00> : vector<2500x128xf32>
    %dot_general3A_17 = tpu.matmul %get3A_1, %squeeze3A_15, %dot_general3A_16 {dimension_numbers = #tpu.dot_dimension_numbers<[1], [0], [0], [1], [0, 0, 1, 1], [], []>, transpose_lhs_hint = false} : vector<2500x512xf32>, vector<512x128xf32>, vector<2500x128xf32> -> vector<2500x128xf32>
    %swap3A_18 = arith.constant 2500 : index
    %swap3A_19 = arith.constant 0 : index
    %swap3A_20 = vector.load %arg5[%swap3A_18, %swap3A_19] : memref<12500x128xf32, #tpu.memory_space<vmem>>, vector<2500x128xf32>
    tpu.vector_store %arg5[%swap3A_18, %swap3A_19], %dot_general3A_17 {strides = array<i32>} : memref<12500x128xf32, #tpu.memory_space<vmem>>, vector<2500x128xf32>,
    %slice3A_21 = vector.extract_strided_slice %dot_general3A_9 {offsets = [2, 0, 0], sizes = [1, 512, 128], strides = [1, 1, 1]} : vector<5x512x128xf32> to vector<1x512x128xf32>
    %squeeze3A_22 = vector.shape_cast %slice3A_21 : vector<1x512x128xf32> to vector<512x128xf32>
    %dot_general3A_23 = arith.constant dense<0.000000e+00> : vector<2500x128xf32>
    %dot_general3A_24 = tpu.matmul %get3A_1, %squeeze3A_22, %dot_general3A_23 {dimension_numbers = #tpu.dot_dimension_numbers<[1], [0], [0], [1], [0, 0, 1, 1], [], []>, transpose_lhs_hint = false} : vector<2500x512xf32>, vector<512x128xf32>, vector<2500x128xf32> -> vector<2500x128xf32>
    %swap3A_25 = arith.constant 5000 : index
    %swap3A_26 = arith.constant 0 : index
    %swap3A_27 = vector.load %arg5[%swap3A_25, %swap3A_26] : memref<12500x128xf32, #tpu.memory_space<vmem>>, vector<2500x128xf32>
    tpu.vector_store %arg5[%swap3A_25, %swap3A_26], %dot_general3A_24 {strides = array<i32>} : memref<12500x128xf32, #tpu.memory_space<vmem>>, vector<2500x128xf32>,
    %slice3A_28 = vector.extract_strided_slice %dot_general3A_9 {offsets = [3, 0, 0], sizes = [1, 512, 128], strides = [1, 1, 1]} : vector<5x512x128xf32> to vector<1x512x128xf32>
    %squeeze3A_29 = vector.shape_cast %slice3A_28 : vector<1x512x128xf32> to vector<512x128xf32>
    %dot_general3A_30 = arith.constant dense<0.000000e+00> : vector<2500x128xf32>
    %dot_general3A_31 = tpu.matmul %get3A_1, %squeeze3A_29, %dot_general3A_30 {dimension_numbers = #tpu.dot_dimension_numbers<[1], [0], [0], [1], [0, 0, 1, 1], [], []>, transpose_lhs_hint = false} : vector<2500x512xf32>, vector<512x128xf32>, vector<2500x128xf32> -> vector<2500x128xf32>
    %swap3A_32 = arith.constant 7500 : index
    %swap3A_33 = arith.constant 0 : index
    %swap3A_34 = vector.load %arg5[%swap3A_32, %swap3A_33] : memref<12500x128xf32, #tpu.memory_space<vmem>>, vector<2500x128xf32>
    tpu.vector_store %arg5[%swap3A_32, %swap3A_33], %dot_general3A_31 {strides = array<i32>} : memref<12500x128xf32, #tpu.memory_space<vmem>>, vector<2500x128xf32>,
    %slice3A_35 = vector.extract_strided_slice %dot_general3A_9 {offsets = [4, 0, 0], sizes = [1, 512, 128], strides = [1, 1, 1]} : vector<5x512x128xf32> to vector<1x512x128xf32>
    %squeeze3A_36 = vector.shape_cast %slice3A_35 : vector<1x512x128xf32> to vector<512x128xf32>
    %dot_general3A_37 = arith.constant dense<0.000000e+00> : vector<2500x128xf32>
    %dot_general3A_38 = tpu.matmul %get3A_1, %squeeze3A_36, %dot_general3A_37 {dimension_numbers = #tpu.dot_dimension_numbers<[1], [0], [0], [1], [0, 0, 1, 1], [], []>, transpose_lhs_hint = false} : vector<2500x512xf32>, vector<512x128xf32>, vector<2500x128xf32> -> vector<2500x128xf32>
    %swap3A_39 = arith.constant 10000 : index
    %swap3A_40 = arith.constant 0 : index
    %swap3A_41 = vector.load %arg5[%swap3A_39, %swap3A_40] : memref<12500x128xf32, #tpu.memory_space<vmem>>, vector<2500x128xf32>
    tpu.vector_store %arg5[%swap3A_39, %swap3A_40], %dot_general3A_38 {strides = array<i32>} : memref<12500x128xf32, #tpu.memory_space<vmem>>, vector<2500x128xf32>,
    %get3A_42 = arith.constant 0 : index
    %get3A_43 = arith.constant 0 : index
    %get3A_44 = vector.load %arg3[%get3A_42, %get3A_43] : memref<512x128xf32, #tpu.memory_space<vmem>>, vector<512x128xf32>
    %dot_general3A_45 = arith.constant dense<0.000000e+00> : vector<2500x128xf32>
    %dot_general3A_46 = tpu.matmul %get3A_1, %get3A_44, %dot_general3A_45 {dimension_numbers = #tpu.dot_dimension_numbers<[1], [0], [0], [1], [0, 0, 1, 1], [], []>, transpose_lhs_hint = false} : vector<2500x512xf32>, vector<512x128xf32>, vector<2500x128xf32> -> vector<2500x128xf32>
    %get3A_47 = arith.constant 0 : index
    %get3A_48 = arith.constant 0 : index
    %get3A_49 = vector.load %arg4[%get3A_47, %get3A_48] : memref<1x128xf32, #tpu.memory_space<vmem>>, vector<1x128xf32>
    %add3A = vector.broadcast %get3A_49 : vector<1x128xf32> to vector<2500x128xf32>
    %add3A_50 = arith.addf %dot_general3A_46, %add3A : vector<2500x128xf32>
    %swap3A_51 = arith.constant 0 : index
    %swap3A_52 = arith.constant 0 : index
    %swap3A_53 = vector.load %arg6[%swap3A_51, %swap3A_52] : memref<2500x128xf32, #tpu.memory_space<vmem>>, vector<2500x128xf32>
    tpu.vector_store %arg6[%swap3A_51, %swap3A_52], %add3A_50 {strides = array<i32>} : memref<2500x128xf32, #tpu.memory_space<vmem>>, vector<2500x128xf32>,
    return
  }
}

module attributes {stable_mosaic.version = 14 : i64} {
  func.func @_prep_body(%arg0: memref<2x12512x128xf32, #tpu.memory_space<vmem>>, %arg1: memref<12512x128xf32, #tpu.memory_space<vmem>>) attributes {dimension_semantics = [], scalar_prefetch = 0 : i64, scratch_operands = 0 : i64, tpu.core_type = #tpu.core_type<tc>} {
    %get3A = arith.constant 0 : index
    %get3A_0 = arith.constant 0 : index
    %get3A_1 = arith.constant 0 : index
    %get3A_2 = vector.load %arg0[%get3A, %get3A_0, %get3A_1] : memref<2x12512x128xf32, #tpu.memory_space<vmem>>, vector<1x12512x128xf32>
    %get3A_3 = vector.shape_cast %get3A_2 : vector<1x12512x128xf32> to vector<12512x128xf32>
    %get3A_4 = arith.constant 1 : index
    %get3A_5 = arith.constant 0 : index
    %get3A_6 = arith.constant 0 : index
    %get3A_7 = vector.load %arg0[%get3A_4, %get3A_5, %get3A_6] : memref<2x12512x128xf32, #tpu.memory_space<vmem>>, vector<1x12512x128xf32>
    %get3A_8 = vector.shape_cast %get3A_7 : vector<1x12512x128xf32> to vector<12512x128xf32>
    %add3A = arith.addf %get3A_3, %get3A_8 : vector<12512x128xf32>
    %max3A = arith.constant 1.000000e+00 : f32
    %max3A_9 = vector.broadcast %max3A : f32 to vector<12512x128xf32>
    %max3A_10 = arith.maximumf %add3A, %max3A_9 : vector<12512x128xf32>
    %div3A = arith.constant 1.000000e+00 : f32
    %div3A_11 = vector.broadcast %div3A : f32 to vector<12512x128xf32>
    %div3A_12 = arith.divf %div3A_11, %max3A_10 : vector<12512x128xf32>
    %swap3A = arith.constant 0 : index
    %swap3A_13 = arith.constant 0 : index
    %swap3A_14 = vector.load %arg1[%swap3A, %swap3A_13] : memref<12512x128xf32, #tpu.memory_space<vmem>>, vector<12512x128xf32>
    tpu.vector_store %arg1[%swap3A, %swap3A_13], %div3A_12 {strides = array<i32>} : memref<12512x128xf32, #tpu.memory_space<vmem>>, vector<12512x128xf32>,
    return
  }
}

module attributes {stable_mosaic.version = 14 : i64} {
  func.func @_agg_mm_body(%arg0: memref<2x12512x128xf32, #tpu.memory_space<vmem>>, %arg1: memref<12512x128xf32, #tpu.memory_space<vmem>>, %arg2: memref<2500x128xf32, #tpu.memory_space<vmem>>, %arg3: memref<500x2500xf32, #tpu.memory_space<vmem>>, %arg4: memref<500x2500xf32, #tpu.memory_space<vmem>>, %arg5: memref<128x32xf32, #tpu.memory_space<vmem>>, %arg6: memref<1x128xf32, #tpu.memory_space<vmem>>, %arg7: memref<1x128xf32, #tpu.memory_space<vmem>>, %arg8: memref<1x128xf32, #tpu.memory_space<vmem>>, %arg9: memref<2x128x128xf32, #tpu.memory_space<vmem>>, %arg10: memref<5x2xf32, #tpu.memory_space<vmem>>, %arg11: memref<128x128xf32, #tpu.memory_space<vmem>>, %arg12: memref<1x128xf32, #tpu.memory_space<vmem>>, %arg13: memref<500x128xf32, #tpu.memory_space<vmem>>, %arg14: memref<12500x128xf32, #tpu.memory_space<vmem>>, %arg15: memref<2500x128xf32, #tpu.memory_space<vmem>>) attributes {dimension_semantics = [], scalar_prefetch = 0 : i64, scratch_operands = 0 : i64, tpu.core_type = #tpu.core_type<tc>} {
    %get3A = arith.constant 0 : index
    %get3A_0 = arith.constant 0 : index
    %get3A_1 = vector.load %arg2[%get3A, %get3A_0] : memref<2500x128xf32, #tpu.memory_space<vmem>>, vector<2500x128xf32>
    %get3A_2 = arith.constant 0 : index
    %get3A_3 = arith.constant 0 : index
    %get3A_4 = arith.constant 0 : index
    %get3A_5 = vector.load %arg0[%get3A_2, %get3A_3, %get3A_4] : memref<2x12512x128xf32, #tpu.memory_space<vmem>>, vector<1x2500x128xf32>
    %get3A_6 = vector.shape_cast %get3A_5 : vector<1x2500x128xf32> to vector<2500x128xf32>
    %get3A_7 = arith.constant 1 : index
    %get3A_8 = arith.constant 0 : index
    %get3A_9 = arith.constant 0 : index
    %get3A_10 = vector.load %arg0[%get3A_7, %get3A_8, %get3A_9] : memref<2x12512x128xf32, #tpu.memory_space<vmem>>, vector<1x2500x128xf32>
    %get3A_11 = vector.shape_cast %get3A_10 : vector<1x2500x128xf32> to vector<2500x128xf32>
    %add3A = arith.addf %get3A_6, %get3A_11 : vector<2500x128xf32>
    %get3A_12 = arith.constant 0 : index
    %get3A_13 = arith.constant 0 : index
    %get3A_14 = vector.load %arg1[%get3A_12, %get3A_13] : memref<12512x128xf32, #tpu.memory_space<vmem>>, vector<2500x128xf32>
    %mul3A = arith.mulf %add3A, %get3A_14 : vector<2500x128xf32>
    %add3A_15 = arith.addf %get3A_1, %mul3A : vector<2500x128xf32>
    %get3A_16 = arith.constant 0 : index
    %get3A_17 = arith.constant 2500 : index
    %get3A_18 = arith.constant 0 : index
    %get3A_19 = vector.load %arg0[%get3A_16, %get3A_17, %get3A_18] : memref<2x12512x128xf32, #tpu.memory_space<vmem>>, vector<1x2500x128xf32>
    %get3A_20 = vector.shape_cast %get3A_19 : vector<1x2500x128xf32> to vector<2500x128xf32>
    %get3A_21 = arith.constant 1 : index
    %get3A_22 = arith.constant 2500 : index
    %get3A_23 = arith.constant 0 : index
    %get3A_24 = vector.load %arg0[%get3A_21, %get3A_22, %get3A_23] : memref<2x12512x128xf32, #tpu.memory_space<vmem>>, vector<1x2500x128xf32>
    %get3A_25 = vector.shape_cast %get3A_24 : vector<1x2500x128xf32> to vector<2500x128xf32>
    %add3A_26 = arith.addf %get3A_20, %get3A_25 : vector<2500x128xf32>
    %get3A_27 = arith.constant 2500 : index
    %get3A_28 = arith.constant 0 : index
    %get3A_29 = vector.load %arg1[%get3A_27, %get3A_28] : memref<12512x128xf32, #tpu.memory_space<vmem>>, vector<2500x128xf32>
    %mul3A_30 = arith.mulf %add3A_26, %get3A_29 : vector<2500x128xf32>
    %add3A_31 = arith.addf %add3A_15, %mul3A_30 : vector<2500x128xf32>
    %get3A_32 = arith.constant 0 : index
    %get3A_33 = arith.constant 5000 : index
    %get3A_34 = arith.constant 0 : index
    %get3A_35 = vector.load %arg0[%get3A_32, %get3A_33, %get3A_34] : memref<2x12512x128xf32, #tpu.memory_space<vmem>>, vector<1x2500x128xf32>
    %get3A_36 = vector.shape_cast %get3A_35 : vector<1x2500x128xf32> to vector<2500x128xf32>
    %get3A_37 = arith.constant 1 : index
    %get3A_38 = arith.constant 5000 : index
    %get3A_39 = arith.constant 0 : index
    %get3A_40 = vector.load %arg0[%get3A_37, %get3A_38, %get3A_39] : memref<2x12512x128xf32, #tpu.memory_space<vmem>>, vector<1x2500x128xf32>
    %get3A_41 = vector.shape_cast %get3A_40 : vector<1x2500x128xf32> to vector<2500x128xf32>
    %add3A_42 = arith.addf %get3A_36, %get3A_41 : vector<2500x128xf32>
    %get3A_43 = arith.constant 5000 : index
    %get3A_44 = arith.constant 0 : index
    %get3A_45 = vector.load %arg1[%get3A_43, %get3A_44] : memref<12512x128xf32, #tpu.memory_space<vmem>>, vector<2500x128xf32>
    %mul3A_46 = arith.mulf %add3A_42, %get3A_45 : vector<2500x128xf32>
    %add3A_47 = arith.addf %add3A_31, %mul3A_46 : vector<2500x128xf32>
    %get3A_48 = arith.constant 0 : index
    %get3A_49 = arith.constant 7500 : index
    %get3A_50 = arith.constant 0 : index
    %get3A_51 = vector.load %arg0[%get3A_48, %get3A_49, %get3A_50] : memref<2x12512x128xf32, #tpu.memory_space<vmem>>, vector<1x2500x128xf32>
    %get3A_52 = vector.shape_cast %get3A_51 : vector<1x2500x128xf32> to vector<2500x128xf32>
    %get3A_53 = arith.constant 1 : index
    %get3A_54 = arith.constant 7500 : index
    %get3A_55 = arith.constant 0 : index
    %get3A_56 = vector.load %arg0[%get3A_53, %get3A_54, %get3A_55] : memref<2x12512x128xf32, #tpu.memory_space<vmem>>, vector<1x2500x128xf32>
    %get3A_57 = vector.shape_cast %get3A_56 : vector<1x2500x128xf32> to vector<2500x128xf32>
    %add3A_58 = arith.addf %get3A_52, %get3A_57 : vector<2500x128xf32>
    %get3A_59 = arith.constant 7500 : index
    %get3A_60 = arith.constant 0 : index
    %get3A_61 = vector.load %arg1[%get3A_59, %get3A_60] : memref<12512x128xf32, #tpu.memory_space<vmem>>, vector<2500x128xf32>
    %mul3A_62 = arith.mulf %add3A_58, %get3A_61 : vector<2500x128xf32>
    %add3A_63 = arith.addf %add3A_47, %mul3A_62 : vector<2500x128xf32>
    %get3A_64 = arith.constant 0 : index
    %get3A_65 = arith.constant 10000 : index
    %get3A_66 = arith.constant 0 : index
    %get3A_67 = vector.load %arg0[%get3A_64, %get3A_65, %get3A_66] : memref<2x12512x128xf32, #tpu.memory_space<vmem>>, vector<1x2500x128xf32>
    %get3A_68 = vector.shape_cast %get3A_67 : vector<1x2500x128xf32> to vector<2500x128xf32>
    %get3A_69 = arith.constant 1 : index
    %get3A_70 = arith.constant 10000 : index
    %get3A_71 = arith.constant 0 : index
    %get3A_72 = vector.load %arg0[%get3A_69, %get3A_70, %get3A_71] : memref<2x12512x128xf32, #tpu.memory_space<vmem>>, vector<1x2500x128xf32>
    %get3A_73 = vector.shape_cast %get3A_72 : vector<1x2500x128xf32> to vector<2500x128xf32>
    %add3A_74 = arith.addf %get3A_68, %get3A_73 : vector<2500x128xf32>
    %get3A_75 = arith.constant 10000 : index
    %get3A_76 = arith.constant 0 : index
    %get3A_77 = vector.load %arg1[%get3A_75, %get3A_76] : memref<12512x128xf32, #tpu.memory_space<vmem>>, vector<2500x128xf32>
    %mul3A_78 = arith.mulf %add3A_74, %get3A_77 : vector<2500x128xf32>
    %add3A_79 = arith.addf %add3A_63, %mul3A_78 : vector<2500x128xf32>
    %get3A_80 = arith.constant 0 : index
    %get3A_81 = arith.constant 0 : index
    %get3A_82 = vector.load %arg3[%get3A_80, %get3A_81] : memref<500x2500xf32, #tpu.memory_space<vmem>>, vector<500x2500xf32>
    %get3A_83 = arith.constant 0 : index
    %get3A_84 = arith.constant 0 : index
    %get3A_85 = vector.load %arg5[%get3A_83, %get3A_84] : memref<128x32xf32, #tpu.memory_space<vmem>>, vector<128x32xf32>
    %dot_general3A = arith.constant dense<0.000000e+00> : vector<2500x32xf32>
    %dot_general3A_86 = tpu.matmul %add3A_79, %get3A_85, %dot_general3A {dimension_numbers = #tpu.dot_dimension_numbers<[1], [0], [0], [1], [0, 0, 1, 1], [], []>, transpose_lhs_hint = false} : vector<2500x128xf32>, vector<128x32xf32>, vector<2500x32xf32> -> vector<2500x32xf32>
    %dot_general3A_87 = arith.constant dense<0.000000e+00> : vector<500x32xf32>
    %dot_general3A_88 = tpu.matmul %get3A_82, %dot_general3A_86, %dot_general3A_87 {dimension_numbers = #tpu.dot_dimension_numbers<[1], [0], [0], [1], [0, 0, 1, 1], [], []>, transpose_lhs_hint = false} : vector<500x2500xf32>, vector<2500x32xf32>, vector<500x32xf32> -> vector<500x32xf32>
    %mul3A_89 = arith.constant 5.000000e-02 : f32
    %mul3A_90 = vector.broadcast %mul3A_89 : f32 to vector<500x32xf32>
    %mul3A_91 = arith.mulf %dot_general3A_88, %mul3A_90 : vector<500x32xf32>
    %dot_general3A_92 = arith.constant dense<0.000000e+00> : vector<500x128xf32>
    %dot_general3A_93 = tpu.matmul %mul3A_91, %get3A_85, %dot_general3A_92 {dimension_numbers = #tpu.dot_dimension_numbers<[1], [1], [0], [0], [0, 0, 1, 0], [], []>, transpose_lhs_hint = false} : vector<500x32xf32>, vector<128x32xf32>, vector<500x128xf32> -> vector<500x128xf32>
    %dot_general3A_94 = arith.constant dense<0.000000e+00> : vector<2500x128xf32>
    %dot_general3A_95 = tpu.matmul %get3A_82, %dot_general3A_93, %dot_general3A_94 {dimension_numbers = #tpu.dot_dimension_numbers<[0], [0], [1], [1], [0, 1, 1, 1], [], []>, transpose_lhs_hint = false} : vector<500x2500xf32>, vector<500x128xf32>, vector<2500x128xf32> -> vector<2500x128xf32>
    %get3A_96 = arith.constant 0 : index
    %get3A_97 = arith.constant 0 : index
    %get3A_98 = vector.load %arg8[%get3A_96, %get3A_97] : memref<1x128xf32, #tpu.memory_space<vmem>>, vector<1x128xf32>
    %mul3A_99 = vector.broadcast %get3A_98 : vector<1x128xf32> to vector<2500x128xf32>
    %mul3A_100 = arith.mulf %dot_general3A_95, %mul3A_99 : vector<2500x128xf32>
    %sub3A = arith.subf %add3A_79, %mul3A_100 : vector<2500x128xf32>
    %mul3A_101 = arith.mulf %sub3A, %sub3A : vector<2500x128xf32>
    %dot_general3A_102 = arith.constant dense<0.000000e+00> : vector<2500x32xf32>
    %dot_general3A_103 = tpu.matmul %mul3A_101, %get3A_85, %dot_general3A_102 {dimension_numbers = #tpu.dot_dimension_numbers<[1], [0], [0], [1], [0, 0, 1, 1], [], []>, transpose_lhs_hint = false} : vector<2500x128xf32>, vector<128x32xf32>, vector<2500x32xf32> -> vector<2500x32xf32>
    %dot_general3A_104 = arith.constant dense<0.000000e+00> : vector<500x32xf32>
    %dot_general3A_105 = tpu.matmul %get3A_82, %dot_general3A_103, %dot_general3A_104 {dimension_numbers = #tpu.dot_dimension_numbers<[1], [0], [0], [1], [0, 0, 1, 1], [], []>, transpose_lhs_hint = false} : vector<500x2500xf32>, vector<2500x32xf32>, vector<500x32xf32> -> vector<500x32xf32>
    %mul3A_106 = arith.constant 5.000000e-02 : f32
    %mul3A_107 = vector.broadcast %mul3A_106 : f32 to vector<500x32xf32>
    %mul3A_108 = arith.mulf %dot_general3A_105, %mul3A_107 : vector<500x32xf32>
    %dot_general3A_109 = arith.constant dense<0.000000e+00> : vector<500x128xf32>
    %dot_general3A_110 = tpu.matmul %mul3A_108, %get3A_85, %dot_general3A_109 {dimension_numbers = #tpu.dot_dimension_numbers<[1], [1], [0], [0], [0, 0, 1, 0], [], []>, transpose_lhs_hint = false} : vector<500x32xf32>, vector<128x32xf32>, vector<500x128xf32> -> vector<500x128xf32>
    %dot_general3A_111 = arith.constant dense<0.000000e+00> : vector<2500x128xf32>
    %dot_general3A_112 = tpu.matmul %get3A_82, %dot_general3A_110, %dot_general3A_111 {dimension_numbers = #tpu.dot_dimension_numbers<[0], [0], [1], [1], [0, 1, 1, 1], [], []>, transpose_lhs_hint = false} : vector<500x2500xf32>, vector<500x128xf32>, vector<2500x128xf32> -> vector<2500x128xf32>
    %get3A_113 = arith.constant 0 : index
    %get3A_114 = arith.constant 0 : index
    %get3A_115 = vector.load %arg6[%get3A_113, %get3A_114] : memref<1x128xf32, #tpu.memory_space<vmem>>, vector<1x128xf32>
    %mul3A_116 = vector.broadcast %get3A_115 : vector<1x128xf32> to vector<2500x128xf32>
    %mul3A_117 = arith.mulf %mul3A_116, %sub3A : vector<2500x128xf32>
    %add3A_118 = arith.constant 9.99999997E-7 : f32
    %add3A_119 = vector.broadcast %add3A_118 : f32 to vector<2500x128xf32>
    %add3A_120 = arith.addf %dot_general3A_112, %add3A_119 : vector<2500x128xf32>
    %sqrt3A = math.sqrt %add3A_120 : vector<2500x128xf32>
    %div3A = arith.divf %mul3A_117, %sqrt3A : vector<2500x128xf32>
    %get3A_121 = arith.constant 0 : index
    %get3A_122 = arith.constant 0 : index
    %get3A_123 = vector.load %arg7[%get3A_121, %get3A_122] : memref<1x128xf32, #tpu.memory_space<vmem>>, vector<1x128xf32>
    %add3A_124 = vector.broadcast %get3A_123 : vector<1x128xf32> to vector<2500x128xf32>
    %add3A_125 = arith.addf %div3A, %add3A_124 : vector<2500x128xf32>
    %tanh3A = math.tanh %add3A_125 : vector<2500x128xf32>
    %get3A_126 = arith.constant 0 : index
    %get3A_127 = arith.constant 0 : index
    %get3A_128 = vector.load %arg4[%get3A_126, %get3A_127] : memref<500x2500xf32, #tpu.memory_space<vmem>>, vector<500x2500xf32>
    %dot_general3A_129 = arith.constant dense<0.000000e+00> : vector<500x128xf32>
    %dot_general3A_130 = tpu.matmul %get3A_128, %tanh3A, %dot_general3A_129 {dimension_numbers = #tpu.dot_dimension_numbers<[1], [0], [0], [1], [0, 0, 1, 1], [], []>, transpose_lhs_hint = false} : vector<500x2500xf32>, vector<2500x128xf32>, vector<500x128xf32> -> vector<500x128xf32>
    %swap3A = arith.constant 0 : index
    %swap3A_131 = arith.constant 0 : index
    %swap3A_132 = vector.load %arg13[%swap3A, %swap3A_131] : memref<500x128xf32, #tpu.memory_space<vmem>>, vector<500x128xf32>
    tpu.vector_store %arg13[%swap3A, %swap3A_131], %dot_general3A_130 {strides = array<i32>} : memref<500x128xf32, #tpu.memory_space<vmem>>, vector<500x128xf32>,
    %get3A_133 = arith.constant 0 : index
    %get3A_134 = arith.constant 0 : index
    %get3A_135 = vector.load %arg10[%get3A_133, %get3A_134] : memref<5x2xf32, #tpu.memory_space<vmem>>, vector<5x2xf32>
    %get3A_136 = arith.constant 0 : index
    %get3A_137 = arith.constant 0 : index
    %get3A_138 = arith.constant 0 : index
    %get3A_139 = vector.load %arg9[%get3A_136, %get3A_137, %get3A_138] : memref<2x128x128xf32, #tpu.memory_space<vmem>>, vector<2x128x128xf32>
    %dot_general3A_140 = arith.constant dense<0.000000e+00> : vector<5x128x128xf32>
    %dot_general3A_141 = tpu.matmul %get3A_135, %get3A_139, %dot_general3A_140 {dimension_numbers = #tpu.dot_dimension_numbers<[1], [0], [0], [1, 2], [0, 0, 1, 1, 1, 2], [], []>, transpose_lhs_hint = false} : vector<5x2xf32>, vector<2x128x128xf32>, vector<5x128x128xf32> -> vector<5x128x128xf32>
    %slice3A = vector.extract_strided_slice %dot_general3A_141 {offsets = [0, 0, 0], sizes = [1, 128, 128], strides = [1, 1, 1]} : vector<5x128x128xf32> to vector<1x128x128xf32>
    %squeeze3A = vector.shape_cast %slice3A : vector<1x128x128xf32> to vector<128x128xf32>
    %dot_general3A_142 = arith.constant dense<0.000000e+00> : vector<2500x128xf32>
    %dot_general3A_143 = tpu.matmul %tanh3A, %squeeze3A, %dot_general3A_142 {dimension_numbers = #tpu.dot_dimension_numbers<[1], [0], [0], [1], [0, 0, 1, 1], [], []>, transpose_lhs_hint = false} : vector<2500x128xf32>, vector<128x128xf32>, vector<2500x128xf32> -> vector<2500x128xf32>
    %swap3A_144 = arith.constant 0 : index
    %swap3A_145 = arith.constant 0 : index
    %swap3A_146 = vector.load %arg14[%swap3A_144, %swap3A_145] : memref<12500x128xf32, #tpu.memory_space<vmem>>, vector<2500x128xf32>
    tpu.vector_store %arg14[%swap3A_144, %swap3A_145], %dot_general3A_143 {strides = array<i32>} : memref<12500x128xf32, #tpu.memory_space<vmem>>, vector<2500x128xf32>,
    %slice3A_147 = vector.extract_strided_slice %dot_general3A_141 {offsets = [1, 0, 0], sizes = [1, 128, 128], strides = [1, 1, 1]} : vector<5x128x128xf32> to vector<1x128x128xf32>
    %squeeze3A_148 = vector.shape_cast %slice3A_147 : vector<1x128x128xf32> to vector<128x128xf32>
    %dot_general3A_149 = arith.constant dense<0.000000e+00> : vector<2500x128xf32>
    %dot_general3A_150 = tpu.matmul %tanh3A, %squeeze3A_148, %dot_general3A_149 {dimension_numbers = #tpu.dot_dimension_numbers<[1], [0], [0], [1], [0, 0, 1, 1], [], []>, transpose_lhs_hint = false} : vector<2500x128xf32>, vector<128x128xf32>, vector<2500x128xf32> -> vector<2500x128xf32>
    %swap3A_151 = arith.constant 2500 : index
    %swap3A_152 = arith.constant 0 : index
    %swap3A_153 = vector.load %arg14[%swap3A_151, %swap3A_152] : memref<12500x128xf32, #tpu.memory_space<vmem>>, vector<2500x128xf32>
    tpu.vector_store %arg14[%swap3A_151, %swap3A_152], %dot_general3A_150 {strides = array<i32>} : memref<12500x128xf32, #tpu.memory_space<vmem>>, vector<2500x128xf32>,
    %slice3A_154 = vector.extract_strided_slice %dot_general3A_141 {offsets = [2, 0, 0], sizes = [1, 128, 128], strides = [1, 1, 1]} : vector<5x128x128xf32> to vector<1x128x128xf32>
    %squeeze3A_155 = vector.shape_cast %slice3A_154 : vector<1x128x128xf32> to vector<128x128xf32>
    %dot_general3A_156 = arith.constant dense<0.000000e+00> : vector<2500x128xf32>
    %dot_general3A_157 = tpu.matmul %tanh3A, %squeeze3A_155, %dot_general3A_156 {dimension_numbers = #tpu.dot_dimension_numbers<[1], [0], [0], [1], [0, 0, 1, 1], [], []>, transpose_lhs_hint = false} : vector<2500x128xf32>, vector<128x128xf32>, vector<2500x128xf32> -> vector<2500x128xf32>
    %swap3A_158 = arith.constant 5000 : index
    %swap3A_159 = arith.constant 0 : index
    %swap3A_160 = vector.load %arg14[%swap3A_158, %swap3A_159] : memref<12500x128xf32, #tpu.memory_space<vmem>>, vector<2500x128xf32>
    tpu.vector_store %arg14[%swap3A_158, %swap3A_159], %dot_general3A_157 {strides = array<i32>} : memref<12500x128xf32, #tpu.memory_space<vmem>>, vector<2500x128xf32>,
    %slice3A_161 = vector.extract_strided_slice %dot_general3A_141 {offsets = [3, 0, 0], sizes = [1, 128, 128], strides = [1, 1, 1]} : vector<5x128x128xf32> to vector<1x128x128xf32>
    %squeeze3A_162 = vector.shape_cast %slice3A_161 : vector<1x128x128xf32> to vector<128x128xf32>
    %dot_general3A_163 = arith.constant dense<0.000000e+00> : vector<2500x128xf32>
    %dot_general3A_164 = tpu.matmul %tanh3A, %squeeze3A_162, %dot_general3A_163 {dimension_numbers = #tpu.dot_dimension_numbers<[1], [0], [0], [1], [0, 0, 1, 1], [], []>, transpose_lhs_hint = false} : vector<2500x128xf32>, vector<128x128xf32>, vector<2500x128xf32> -> vector<2500x128xf32>
    %swap3A_165 = arith.constant 7500 : index
    %swap3A_166 = arith.constant 0 : index
    %swap3A_167 = vector.load %arg14[%swap3A_165, %swap3A_166] : memref<12500x128xf32, #tpu.memory_space<vmem>>, vector<2500x128xf32>
    tpu.vector_store %arg14[%swap3A_165, %swap3A_166], %dot_general3A_164 {strides = array<i32>} : memref<12500x128xf32, #tpu.memory_space<vmem>>, vector<2500x128xf32>,
    %slice3A_168 = vector.extract_strided_slice %dot_general3A_141 {offsets = [4, 0, 0], sizes = [1, 128, 128], strides = [1, 1, 1]} : vector<5x128x128xf32> to vector<1x128x128xf32>
    %squeeze3A_169 = vector.shape_cast %slice3A_168 : vector<1x128x128xf32> to vector<128x128xf32>
    %dot_general3A_170 = arith.constant dense<0.000000e+00> : vector<2500x128xf32>
    %dot_general3A_171 = tpu.matmul %tanh3A, %squeeze3A_169, %dot_general3A_170 {dimension_numbers = #tpu.dot_dimension_numbers<[1], [0], [0], [1], [0, 0, 1, 1], [], []>, transpose_lhs_hint = false} : vector<2500x128xf32>, vector<128x128xf32>, vector<2500x128xf32> -> vector<2500x128xf32>
    %swap3A_172 = arith.constant 10000 : index
    %swap3A_173 = arith.constant 0 : index
    %swap3A_174 = vector.load %arg14[%swap3A_172, %swap3A_173] : memref<12500x128xf32, #tpu.memory_space<vmem>>, vector<2500x128xf32>
    tpu.vector_store %arg14[%swap3A_172, %swap3A_173], %dot_general3A_171 {strides = array<i32>} : memref<12500x128xf32, #tpu.memory_space<vmem>>, vector<2500x128xf32>,
    %get3A_175 = arith.constant 0 : index
    %get3A_176 = arith.constant 0 : index
    %get3A_177 = vector.load %arg11[%get3A_175, %get3A_176] : memref<128x128xf32, #tpu.memory_space<vmem>>, vector<128x128xf32>
    %dot_general3A_178 = arith.constant dense<0.000000e+00> : vector<2500x128xf32>
    %dot_general3A_179 = tpu.matmul %tanh3A, %get3A_177, %dot_general3A_178 {dimension_numbers = #tpu.dot_dimension_numbers<[1], [0], [0], [1], [0, 0, 1, 1], [], []>, transpose_lhs_hint = false} : vector<2500x128xf32>, vector<128x128xf32>, vector<2500x128xf32> -> vector<2500x128xf32>
    %get3A_180 = arith.constant 0 : index
    %get3A_181 = arith.constant 0 : index
    %get3A_182 = vector.load %arg12[%get3A_180, %get3A_181] : memref<1x128xf32, #tpu.memory_space<vmem>>, vector<1x128xf32>
    %add3A_183 = vector.broadcast %get3A_182 : vector<1x128xf32> to vector<2500x128xf32>
    %add3A_184 = arith.addf %dot_general3A_179, %add3A_183 : vector<2500x128xf32>
    %swap3A_185 = arith.constant 0 : index
    %swap3A_186 = arith.constant 0 : index
    %swap3A_187 = vector.load %arg15[%swap3A_185, %swap3A_186] : memref<2500x128xf32, #tpu.memory_space<vmem>>, vector<2500x128xf32>
    tpu.vector_store %arg15[%swap3A_185, %swap3A_186], %add3A_184 {strides = array<i32>} : memref<2500x128xf32, #tpu.memory_space<vmem>>, vector<2500x128xf32>,
    return
  }
}

module attributes {stable_mosaic.version = 14 : i64} {
  func.func @_agg_norm_body(%arg0: memref<2x12512x128xf32, #tpu.memory_space<vmem>>, %arg1: memref<12512x128xf32, #tpu.memory_space<vmem>>, %arg2: memref<2500x128xf32, #tpu.memory_space<vmem>>, %arg3: memref<500x2500xf32, #tpu.memory_space<vmem>>, %arg4: memref<500x2500xf32, #tpu.memory_space<vmem>>, %arg5: memref<128x32xf32, #tpu.memory_space<vmem>>, %arg6: memref<1x128xf32, #tpu.memory_space<vmem>>, %arg7: memref<1x128xf32, #tpu.memory_space<vmem>>, %arg8: memref<1x128xf32, #tpu.memory_space<vmem>>, %arg9: memref<500x128xf32, #tpu.memory_space<vmem>>) attributes {dimension_semantics = [], scalar_prefetch = 0 : i64, scratch_operands = 0 : i64, tpu.core_type = #tpu.core_type<tc>} {
    %get3A = arith.constant 0 : index
    %get3A_0 = arith.constant 0 : index
    %get3A_1 = vector.load %arg2[%get3A, %get3A_0] : memref<2500x128xf32, #tpu.memory_space<vmem>>, vector<2500x128xf32>
    %get3A_2 = arith.constant 0 : index
    %get3A_3 = arith.constant 0 : index
    %get3A_4 = arith.constant 0 : index
    %get3A_5 = vector.load %arg0[%get3A_2, %get3A_3, %get3A_4] : memref<2x12512x128xf32, #tpu.memory_space<vmem>>, vector<1x2500x128xf32>
    %get3A_6 = vector.shape_cast %get3A_5 : vector<1x2500x128xf32> to vector<2500x128xf32>
    %get3A_7 = arith.constant 1 : index
    %get3A_8 = arith.constant 0 : index
    %get3A_9 = arith.constant 0 : index
    %get3A_10 = vector.load %arg0[%get3A_7, %get3A_8, %get3A_9] : memref<2x12512x128xf32, #tpu.memory_space<vmem>>, vector<1x2500x128xf32>
    %get3A_11 = vector.shape_cast %get3A_10 : vector<1x2500x128xf32> to vector<2500x128xf32>
    %add3A = arith.addf %get3A_6, %get3A_11 : vector<2500x128xf32>
    %get3A_12 = arith.constant 0 : index
    %get3A_13 = arith.constant 0 : index
    %get3A_14 = vector.load %arg1[%get3A_12, %get3A_13] : memref<12512x128xf32, #tpu.memory_space<vmem>>, vector<2500x128xf32>
    %mul3A = arith.mulf %add3A, %get3A_14 : vector<2500x128xf32>
    %add3A_15 = arith.addf %get3A_1, %mul3A : vector<2500x128xf32>
    %get3A_16 = arith.constant 0 : index
    %get3A_17 = arith.constant 2500 : index
    %get3A_18 = arith.constant 0 : index
    %get3A_19 = vector.load %arg0[%get3A_16, %get3A_17, %get3A_18] : memref<2x12512x128xf32, #tpu.memory_space<vmem>>, vector<1x2500x128xf32>
    %get3A_20 = vector.shape_cast %get3A_19 : vector<1x2500x128xf32> to vector<2500x128xf32>
    %get3A_21 = arith.constant 1 : index
    %get3A_22 = arith.constant 2500 : index
    %get3A_23 = arith.constant 0 : index
    %get3A_24 = vector.load %arg0[%get3A_21, %get3A_22, %get3A_23] : memref<2x12512x128xf32, #tpu.memory_space<vmem>>, vector<1x2500x128xf32>
    %get3A_25 = vector.shape_cast %get3A_24 : vector<1x2500x128xf32> to vector<2500x128xf32>
    %add3A_26 = arith.addf %get3A_20, %get3A_25 : vector<2500x128xf32>
    %get3A_27 = arith.constant 2500 : index
    %get3A_28 = arith.constant 0 : index
    %get3A_29 = vector.load %arg1[%get3A_27, %get3A_28] : memref<12512x128xf32, #tpu.memory_space<vmem>>, vector<2500x128xf32>
    %mul3A_30 = arith.mulf %add3A_26, %get3A_29 : vector<2500x128xf32>
    %add3A_31 = arith.addf %add3A_15, %mul3A_30 : vector<2500x128xf32>
    %get3A_32 = arith.constant 0 : index
    %get3A_33 = arith.constant 5000 : index
    %get3A_34 = arith.constant 0 : index
    %get3A_35 = vector.load %arg0[%get3A_32, %get3A_33, %get3A_34] : memref<2x12512x128xf32, #tpu.memory_space<vmem>>, vector<1x2500x128xf32>
    %get3A_36 = vector.shape_cast %get3A_35 : vector<1x2500x128xf32> to vector<2500x128xf32>
    %get3A_37 = arith.constant 1 : index
    %get3A_38 = arith.constant 5000 : index
    %get3A_39 = arith.constant 0 : index
    %get3A_40 = vector.load %arg0[%get3A_37, %get3A_38, %get3A_39] : memref<2x12512x128xf32, #tpu.memory_space<vmem>>, vector<1x2500x128xf32>
    %get3A_41 = vector.shape_cast %get3A_40 : vector<1x2500x128xf32> to vector<2500x128xf32>
    %add3A_42 = arith.addf %get3A_36, %get3A_41 : vector<2500x128xf32>
    %get3A_43 = arith.constant 5000 : index
    %get3A_44 = arith.constant 0 : index
    %get3A_45 = vector.load %arg1[%get3A_43, %get3A_44] : memref<12512x128xf32, #tpu.memory_space<vmem>>, vector<2500x128xf32>
    %mul3A_46 = arith.mulf %add3A_42, %get3A_45 : vector<2500x128xf32>
    %add3A_47 = arith.addf %add3A_31, %mul3A_46 : vector<2500x128xf32>
    %get3A_48 = arith.constant 0 : index
    %get3A_49 = arith.constant 7500 : index
    %get3A_50 = arith.constant 0 : index
    %get3A_51 = vector.load %arg0[%get3A_48, %get3A_49, %get3A_50] : memref<2x12512x128xf32, #tpu.memory_space<vmem>>, vector<1x2500x128xf32>
    %get3A_52 = vector.shape_cast %get3A_51 : vector<1x2500x128xf32> to vector<2500x128xf32>
    %get3A_53 = arith.constant 1 : index
    %get3A_54 = arith.constant 7500 : index
    %get3A_55 = arith.constant 0 : index
    %get3A_56 = vector.load %arg0[%get3A_53, %get3A_54, %get3A_55] : memref<2x12512x128xf32, #tpu.memory_space<vmem>>, vector<1x2500x128xf32>
    %get3A_57 = vector.shape_cast %get3A_56 : vector<1x2500x128xf32> to vector<2500x128xf32>
    %add3A_58 = arith.addf %get3A_52, %get3A_57 : vector<2500x128xf32>
    %get3A_59 = arith.constant 7500 : index
    %get3A_60 = arith.constant 0 : index
    %get3A_61 = vector.load %arg1[%get3A_59, %get3A_60] : memref<12512x128xf32, #tpu.memory_space<vmem>>, vector<2500x128xf32>
    %mul3A_62 = arith.mulf %add3A_58, %get3A_61 : vector<2500x128xf32>
    %add3A_63 = arith.addf %add3A_47, %mul3A_62 : vector<2500x128xf32>
    %get3A_64 = arith.constant 0 : index
    %get3A_65 = arith.constant 10000 : index
    %get3A_66 = arith.constant 0 : index
    %get3A_67 = vector.load %arg0[%get3A_64, %get3A_65, %get3A_66] : memref<2x12512x128xf32, #tpu.memory_space<vmem>>, vector<1x2500x128xf32>
    %get3A_68 = vector.shape_cast %get3A_67 : vector<1x2500x128xf32> to vector<2500x128xf32>
    %get3A_69 = arith.constant 1 : index
    %get3A_70 = arith.constant 10000 : index
    %get3A_71 = arith.constant 0 : index
    %get3A_72 = vector.load %arg0[%get3A_69, %get3A_70, %get3A_71] : memref<2x12512x128xf32, #tpu.memory_space<vmem>>, vector<1x2500x128xf32>
    %get3A_73 = vector.shape_cast %get3A_72 : vector<1x2500x128xf32> to vector<2500x128xf32>
    %add3A_74 = arith.addf %get3A_68, %get3A_73 : vector<2500x128xf32>
    %get3A_75 = arith.constant 10000 : index
    %get3A_76 = arith.constant 0 : index
    %get3A_77 = vector.load %arg1[%get3A_75, %get3A_76] : memref<12512x128xf32, #tpu.memory_space<vmem>>, vector<2500x128xf32>
    %mul3A_78 = arith.mulf %add3A_74, %get3A_77 : vector<2500x128xf32>
    %add3A_79 = arith.addf %add3A_63, %mul3A_78 : vector<2500x128xf32>
    %get3A_80 = arith.constant 0 : index
    %get3A_81 = arith.constant 0 : index
    %get3A_82 = vector.load %arg3[%get3A_80, %get3A_81] : memref<500x2500xf32, #tpu.memory_space<vmem>>, vector<500x2500xf32>
    %get3A_83 = arith.constant 0 : index
    %get3A_84 = arith.constant 0 : index
    %get3A_85 = vector.load %arg5[%get3A_83, %get3A_84] : memref<128x32xf32, #tpu.memory_space<vmem>>, vector<128x32xf32>
    %dot_general3A = arith.constant dense<0.000000e+00> : vector<2500x32xf32>
    %dot_general3A_86 = tpu.matmul %add3A_79, %get3A_85, %dot_general3A {dimension_numbers = #tpu.dot_dimension_numbers<[1], [0], [0], [1], [0, 0, 1, 1], [], []>, transpose_lhs_hint = false} : vector<2500x128xf32>, vector<128x32xf32>, vector<2500x32xf32> -> vector<2500x32xf32>
    %dot_general3A_87 = arith.constant dense<0.000000e+00> : vector<500x32xf32>
    %dot_general3A_88 = tpu.matmul %get3A_82, %dot_general3A_86, %dot_general3A_87 {dimension_numbers = #tpu.dot_dimension_numbers<[1], [0], [0], [1], [0, 0, 1, 1], [], []>, transpose_lhs_hint = false} : vector<500x2500xf32>, vector<2500x32xf32>, vector<500x32xf32> -> vector<500x32xf32>
    %mul3A_89 = arith.constant 5.000000e-02 : f32
    %mul3A_90 = vector.broadcast %mul3A_89 : f32 to vector<500x32xf32>
    %mul3A_91 = arith.mulf %dot_general3A_88, %mul3A_90 : vector<500x32xf32>
    %dot_general3A_92 = arith.constant dense<0.000000e+00> : vector<500x128xf32>
    %dot_general3A_93 = tpu.matmul %mul3A_91, %get3A_85, %dot_general3A_92 {dimension_numbers = #tpu.dot_dimension_numbers<[1], [1], [0], [0], [0, 0, 1, 0], [], []>, transpose_lhs_hint = false} : vector<500x32xf32>, vector<128x32xf32>, vector<500x128xf32> -> vector<500x128xf32>
    %dot_general3A_94 = arith.constant dense<0.000000e+00> : vector<2500x128xf32>
    %dot_general3A_95 = tpu.matmul %get3A_82, %dot_general3A_93, %dot_general3A_94 {dimension_numbers = #tpu.dot_dimension_numbers<[0], [0], [1], [1], [0, 1, 1, 1], [], []>, transpose_lhs_hint = false} : vector<500x2500xf32>, vector<500x128xf32>, vector<2500x128xf32> -> vector<2500x128xf32>
    %get3A_96 = arith.constant 0 : index
    %get3A_97 = arith.constant 0 : index
    %get3A_98 = vector.load %arg8[%get3A_96, %get3A_97] : memref<1x128xf32, #tpu.memory_space<vmem>>, vector<1x128xf32>
    %mul3A_99 = vector.broadcast %get3A_98 : vector<1x128xf32> to vector<2500x128xf32>
    %mul3A_100 = arith.mulf %dot_general3A_95, %mul3A_99 : vector<2500x128xf32>
    %sub3A = arith.subf %add3A_79, %mul3A_100 : vector<2500x128xf32>
    %mul3A_101 = arith.mulf %sub3A, %sub3A : vector<2500x128xf32>
    %dot_general3A_102 = arith.constant dense<0.000000e+00> : vector<2500x32xf32>
    %dot_general3A_103 = tpu.matmul %mul3A_101, %get3A_85, %dot_general3A_102 {dimension_numbers = #tpu.dot_dimension_numbers<[1], [0], [0], [1], [0, 0, 1, 1], [], []>, transpose_lhs_hint = false} : vector<2500x128xf32>, vector<128x32xf32>, vector<2500x32xf32> -> vector<2500x32xf32>
    %dot_general3A_104 = arith.constant dense<0.000000e+00> : vector<500x32xf32>
    %dot_general3A_105 = tpu.matmul %get3A_82, %dot_general3A_103, %dot_general3A_104 {dimension_numbers = #tpu.dot_dimension_numbers<[1], [0], [0], [1], [0, 0, 1, 1], [], []>, transpose_lhs_hint = false} : vector<500x2500xf32>, vector<2500x32xf32>, vector<500x32xf32> -> vector<500x32xf32>
    %mul3A_106 = arith.constant 5.000000e-02 : f32
    %mul3A_107 = vector.broadcast %mul3A_106 : f32 to vector<500x32xf32>
    %mul3A_108 = arith.mulf %dot_general3A_105, %mul3A_107 : vector<500x32xf32>
    %dot_general3A_109 = arith.constant dense<0.000000e+00> : vector<500x128xf32>
    %dot_general3A_110 = tpu.matmul %mul3A_108, %get3A_85, %dot_general3A_109 {dimension_numbers = #tpu.dot_dimension_numbers<[1], [1], [0], [0], [0, 0, 1, 0], [], []>, transpose_lhs_hint = false} : vector<500x32xf32>, vector<128x32xf32>, vector<500x128xf32> -> vector<500x128xf32>
    %dot_general3A_111 = arith.constant dense<0.000000e+00> : vector<2500x128xf32>
    %dot_general3A_112 = tpu.matmul %get3A_82, %dot_general3A_110, %dot_general3A_111 {dimension_numbers = #tpu.dot_dimension_numbers<[0], [0], [1], [1], [0, 1, 1, 1], [], []>, transpose_lhs_hint = false} : vector<500x2500xf32>, vector<500x128xf32>, vector<2500x128xf32> -> vector<2500x128xf32>
    %get3A_113 = arith.constant 0 : index
    %get3A_114 = arith.constant 0 : index
    %get3A_115 = vector.load %arg6[%get3A_113, %get3A_114] : memref<1x128xf32, #tpu.memory_space<vmem>>, vector<1x128xf32>
    %mul3A_116 = vector.broadcast %get3A_115 : vector<1x128xf32> to vector<2500x128xf32>
    %mul3A_117 = arith.mulf %mul3A_116, %sub3A : vector<2500x128xf32>
    %add3A_118 = arith.constant 9.99999997E-7 : f32
    %add3A_119 = vector.broadcast %add3A_118 : f32 to vector<2500x128xf32>
    %add3A_120 = arith.addf %dot_general3A_112, %add3A_119 : vector<2500x128xf32>
    %sqrt3A = math.sqrt %add3A_120 : vector<2500x128xf32>
    %div3A = arith.divf %mul3A_117, %sqrt3A : vector<2500x128xf32>
    %get3A_121 = arith.constant 0 : index
    %get3A_122 = arith.constant 0 : index
    %get3A_123 = vector.load %arg7[%get3A_121, %get3A_122] : memref<1x128xf32, #tpu.memory_space<vmem>>, vector<1x128xf32>
    %add3A_124 = vector.broadcast %get3A_123 : vector<1x128xf32> to vector<2500x128xf32>
    %add3A_125 = arith.addf %div3A, %add3A_124 : vector<2500x128xf32>
    %tanh3A = math.tanh %add3A_125 : vector<2500x128xf32>
    %get3A_126 = arith.constant 0 : index
    %get3A_127 = arith.constant 0 : index
    %get3A_128 = vector.load %arg4[%get3A_126, %get3A_127] : memref<500x2500xf32, #tpu.memory_space<vmem>>, vector<500x2500xf32>
    %dot_general3A_129 = arith.constant dense<0.000000e+00> : vector<500x128xf32>
    %dot_general3A_130 = tpu.matmul %get3A_128, %tanh3A, %dot_general3A_129 {dimension_numbers = #tpu.dot_dimension_numbers<[1], [0], [0], [1], [0, 0, 1, 1], [], []>, transpose_lhs_hint = false} : vector<500x2500xf32>, vector<2500x128xf32>, vector<500x128xf32> -> vector<500x128xf32>
    %swap3A = arith.constant 0 : index
    %swap3A_131 = arith.constant 0 : index
    %swap3A_132 = vector.load %arg9[%swap3A, %swap3A_131] : memref<500x128xf32, #tpu.memory_space<vmem>>, vector<500x128xf32>
    tpu.vector_store %arg9[%swap3A, %swap3A_131], %dot_general3A_130 {strides = array<i32>} : memref<500x128xf32, #tpu.memory_space<vmem>>, vector<500x128xf32>,
    return
  }
}

module attributes {stable_mosaic.version = 14 : i64} {
  func.func @_mlp_body(%arg0: memref<500x128xf32, #tpu.memory_space<vmem>>, %arg1: memref<500x128xf32, #tpu.memory_space<vmem>>, %arg2: memref<500x128xf32, #tpu.memory_space<vmem>>, %arg3: memref<500x128xf32, #tpu.memory_space<vmem>>, %arg4: memref<256x128xf32, #tpu.memory_space<vmem>>, %arg5: memref<1x128xf32, #tpu.memory_space<vmem>>, %arg6: memref<128x5xf32, #tpu.memory_space<vmem>>, %arg7: memref<1x5xf32, #tpu.memory_space<vmem>>, %arg8: memref<500x5xf32, #tpu.memory_space<vmem>>) attributes {dimension_semantics = [], scalar_prefetch = 0 : i64, scratch_operands = 0 : i64, tpu.core_type = #tpu.core_type<tc>} {
    %get3A = arith.constant 0 : index
    %get3A_0 = arith.constant 0 : index
    %get3A_1 = vector.load %arg0[%get3A, %get3A_0] : memref<500x128xf32, #tpu.memory_space<vmem>>, vector<500x32xf32>
    %get3A_2 = arith.constant 0 : index
    %get3A_3 = arith.constant 0 : index
    %get3A_4 = vector.load %arg1[%get3A_2, %get3A_3] : memref<500x128xf32, #tpu.memory_space<vmem>>, vector<500x32xf32>
    %get3A_5 = arith.constant 0 : index
    %get3A_6 = arith.constant 0 : index
    %get3A_7 = vector.load %arg2[%get3A_5, %get3A_6] : memref<500x128xf32, #tpu.memory_space<vmem>>, vector<500x32xf32>
    %get3A_8 = arith.constant 0 : index
    %get3A_9 = arith.constant 0 : index
    %get3A_10 = vector.load %arg3[%get3A_8, %get3A_9] : memref<500x128xf32, #tpu.memory_space<vmem>>, vector<500x32xf32>
    %get3A_11 = arith.constant 0 : index
    %get3A_12 = arith.constant 32 : index
    %get3A_13 = vector.load %arg0[%get3A_11, %get3A_12] : memref<500x128xf32, #tpu.memory_space<vmem>>, vector<500x32xf32>
    %get3A_14 = arith.constant 0 : index
    %get3A_15 = arith.constant 32 : index
    %get3A_16 = vector.load %arg1[%get3A_14, %get3A_15] : memref<500x128xf32, #tpu.memory_space<vmem>>, vector<500x32xf32>
    %get3A_17 = arith.constant 0 : index
    %get3A_18 = arith.constant 32 : index
    %get3A_19 = vector.load %arg2[%get3A_17, %get3A_18] : memref<500x128xf32, #tpu.memory_space<vmem>>, vector<500x32xf32>
    %get3A_20 = arith.constant 0 : index
    %get3A_21 = arith.constant 32 : index
    %get3A_22 = vector.load %arg3[%get3A_20, %get3A_21] : memref<500x128xf32, #tpu.memory_space<vmem>>, vector<500x32xf32>
    %concatenate3A = tpu.concatenate %get3A_1, %get3A_4, %get3A_7, %get3A_10, %get3A_13, %get3A_16, %get3A_19, %get3A_22 in 1 : vector<500x32xf32>, vector<500x32xf32>, vector<500x32xf32>, vector<500x32xf32>, vector<500x32xf32>, vector<500x32xf32>, vector<500x32xf32>, vector<500x32xf32> -> vector<500x256xf32>
    %get3A_23 = arith.constant 0 : index
    %get3A_24 = arith.constant 0 : index
    %get3A_25 = vector.load %arg4[%get3A_23, %get3A_24] : memref<256x128xf32, #tpu.memory_space<vmem>>, vector<256x128xf32>
    %dot_general3A = arith.constant dense<0.000000e+00> : vector<500x128xf32>
    %dot_general3A_26 = tpu.matmul %concatenate3A, %get3A_25, %dot_general3A {dimension_numbers = #tpu.dot_dimension_numbers<[1], [0], [0], [1], [0, 0, 1, 1], [], []>, transpose_lhs_hint = false} : vector<500x256xf32>, vector<256x128xf32>, vector<500x128xf32> -> vector<500x128xf32>
    %get3A_27 = arith.constant 0 : index
    %get3A_28 = arith.constant 0 : index
    %get3A_29 = vector.load %arg5[%get3A_27, %get3A_28] : memref<1x128xf32, #tpu.memory_space<vmem>>, vector<1x128xf32>
    %add3A = vector.broadcast %get3A_29 : vector<1x128xf32> to vector<500x128xf32>
    %add3A_30 = arith.addf %dot_general3A_26, %add3A : vector<500x128xf32>
    %max3A = arith.constant 0.000000e+00 : f32
    %max3A_31 = vector.broadcast %max3A : f32 to vector<500x128xf32>
    %max3A_32 = arith.maximumf %add3A_30, %max3A_31 : vector<500x128xf32>
    %get3A_33 = arith.constant 0 : index
    %get3A_34 = arith.constant 0 : index
    %get3A_35 = vector.load %arg6[%get3A_33, %get3A_34] : memref<128x5xf32, #tpu.memory_space<vmem>>, vector<128x5xf32>
    %dot_general3A_36 = arith.constant dense<0.000000e+00> : vector<500x5xf32>
    %dot_general3A_37 = tpu.matmul %max3A_32, %get3A_35, %dot_general3A_36 {dimension_numbers = #tpu.dot_dimension_numbers<[1], [0], [0], [1], [0, 0, 1, 1], [], []>, transpose_lhs_hint = false} : vector<500x128xf32>, vector<128x5xf32>, vector<500x5xf32> -> vector<500x5xf32>
    %get3A_38 = arith.constant 0 : index
    %get3A_39 = arith.constant 0 : index
    %get3A_40 = vector.load %arg7[%get3A_38, %get3A_39] : memref<1x5xf32, #tpu.memory_space<vmem>>, vector<1x5xf32>
    %add3A_41 = vector.broadcast %get3A_40 : vector<1x5xf32> to vector<500x5xf32>
    %add3A_42 = arith.addf %dot_general3A_37, %add3A_41 : vector<500x5xf32>
    %reduce_max3A = arith.constant dense<0xFF800000> : vector<500xf32>
    %reduce_max3A_43 = vector.multi_reduction <maximumf>, %add3A_42, %reduce_max3A [1] : vector<500x5xf32> to vector<500xf32>
    %broadcast_in_dim3A = vector.shape_cast %reduce_max3A_43 : vector<500xf32> to vector<500x1xf32>
    %sub3A = vector.broadcast %broadcast_in_dim3A : vector<500x1xf32> to vector<500x5xf32>
    %sub3A_44 = arith.subf %add3A_42, %sub3A : vector<500x5xf32>
    %exp3A = math.exp %sub3A_44 : vector<500x5xf32>
    %reduce_sum3A = arith.constant dense<0.000000e+00> : vector<500xf32>
    %reduce_sum3A_45 = vector.multi_reduction <add>, %exp3A, %reduce_sum3A [1] : vector<500x5xf32> to vector<500xf32>
    %broadcast_in_dim3A_46 = vector.shape_cast %reduce_sum3A_45 : vector<500xf32> to vector<500x1xf32>
    %log3A = math.log %broadcast_in_dim3A_46 : vector<500x1xf32>
    %sub3A_47 = vector.broadcast %log3A : vector<500x1xf32> to vector<500x5xf32>
    %sub3A_48 = arith.subf %sub3A_44, %sub3A_47 : vector<500x5xf32>
    %swap3A = arith.constant 0 : index
    %swap3A_49 = arith.constant 0 : index
    %swap3A_50 = vector.load %arg8[%swap3A, %swap3A_49] : memref<500x5xf32, #tpu.memory_space<vmem>>, vector<500x5xf32>
    tpu.vector_store %arg8[%swap3A, %swap3A_49], %sub3A_48 {strides = array<i32>} : memref<500x5xf32, #tpu.memory_space<vmem>>, vector<500x5xf32>,
    return
  }
}

</mosaic_0001>

<sc_bundles>
// kernel: kernel.14.cloned.1.call-start
scs
__scs_entry_jumppad:
0x0: {  	(pc) =	sbr.rel $0x88, $3  }
0x1: {  	(tag) =	ssettag $0x0;
	lr =	simm.s32 $0x1  }
0x2: {  	[smem:$0x3F8F] =	sst lr;
	_ =	strace $0xD0000000  }
0x3: {  	_ = 	snop  }
0x4: {  	_ = 	snop  }
0x5: {  	_ = 	snop  }
0x6: {  	_ = 	snop  }
0x7: {  	_ = 	snop  }
__scs_overlays_trampoline_lowered:
0x8: {  	[smem:$0x3F9E] =	sst s0  }
0x9: {  	[smem:$0x3F9F] =	sst s1  }
0xa: {  	[smem:$0x3FA0] =	sst s2  }
0xb: {  	[smem:$0x3FA1] =	sst s3  }
0xc: {  	[smem:$0x3FA2] =	sst s4  }
0xd: {  	[smem:$0x3FA3] =	sst s5  }
0xe: {  	[smem:$0x3FA4] =	sst s6  }
0xf: {  	[smem:$0x3FA5] =	sst s7  }
0x10: {  	[smem:$0x3FA6] =	sst s8  }
0x11: {  	[smem:$0x3FA7] =	sst s9;
	s0 =	simm.s32 @!p0 $0x0  }
0x12: {  	s1 =	sld [smem:$0x3F8D];
	s0 =	simm.s32 @p0 $0x1  }
0x13: {  	[smem:$0x3FA8] =	sst s0;
	s0 =	simm.s32 @!p1 $0x0  }
0x14: {  	s2 =	sld [smem:$0x3F8C];
	s0 =	simm.s32 @p1 $0x1  }
0x15: {  	[smem:$0x3FA9] =	sst s0;
	s0 =	simm.s32 @!p2 $0x0  }
0x16: {  	s3 =	sld [smem:$0x3FDB];
	s0 =	simm.s32 @p2 $0x1  }
0x17: {  	s4 =	simm.s32 $0x1BF5;
	[smem:$0x3FAB] =	sst s0  }
0x18: {  	s0 =	sld [smem:$0x3F8E];
	_ =	swait.ge [sflag:s4], $0x0  }
0x19: {  	s7 =	sld [smem:$0x3F8F]  }
0x1a: {  	s8 =	sadd.s32 $0xFFFFE003, lr  }
0x1b: {  	s9 =	sadd.s32 $0xFFFFFEF7, lr;
	s5 =	simm.s32 $0xFFFFFFFF;
	p2 =	slt.u32 s8, $0xFFFFF086  }
0x1c: {  	p1 =	slt.u32 s9, $0xF7A;
	s5 =	simm.s32 @!p2 $0x0  }
0x1d: {  	s5 =	simm.s32 @p1 $0x1;
	p0 =	seq.s32 s7, s2  }
0x1e: {  	s7 =	smul.u32 @!p0 $0xF7A, s2;
	p2 =	seq.s32 @!p0 s5, $0x0  }
0x1f: {  	s9 =	smul.u32 $0xF7A, s1;
	s8 =	simm.s32 @!p0 $0x1BF5;
	p2 =	por !p2, p0  }
0x20: {  	[sflag:s8] =	ssyncset.s32 @!p0 $0xFFFFF086;
	s6 =	sadd.s32 @!p0 s3, s7;
	s7 =	simm.s32 @!p0 $0x108  }
0x21: {  	s3 =	sadd.s32 s3, s9;
	s6 =	sadd.s32 @!p0 $0x88, s6;
	s7 =	simm.s32 @p2 $0x1082  }
0x22: {  	[simem:s7], [sflag:s8] =	dma.local @!p0 [hbm:s6], $0xF7A  }
0x23: {  	s9 =	sor.u32 $0xD0000000, s2;
	s6 =	simm.s32 $0x108;
	_ =	swait.ge @!p0 [sflag:s8], $0x0  }
0x24: {  	s3 =	sadd.s32 $0x88, s3;
	s6 =	simm.s32 @!p1 $0x1082;
	[sflag:s4] =	ssyncset.s32 $0xFFFFF086  }
0x25: {  	[simem:s6], [sflag:s4] =	dma.local [hbm:s3], $0xF7A  }
0x26: {  	[smem:$0x3F8F] =	sst s1;
	(tag) =	ssettag s2;
	_ =	strace s9  }
0x27: {  	s1 =	sld [smem:$0x3F9F]  }
0x28: {  	s2 =	sld [smem:$0x3FA0]  }
0x29: {  	s4 =	sld [smem:$0x3FA2]  }
0x2a: {  	p0 =	seq.s32 s5, $0x0;
	s5 =	sld [smem:$0x3FA3]  }
0x2b: {  	s6 =	sld [smem:$0x3FA4]  }
0x2c: {  	s7 =	sld [smem:$0x3FA5]  }
0x2d: {  	s3 =	simm.s32 $0x108;
	s8 =	sld [smem:$0x3FA6]  }
0x2e: {  	s3 =	simm.s32 @!p0 $0x1082;
	s9 =	sld [smem:$0x3FA7]  }
0x2f: {  	lr =	sadd.s32 s0, s3;
	s0 =	sld [smem:$0x3F9E]  }
0x30: {  	s3 =	sld [smem:$0x3FA1]  }
0x31: {  	[smem:$0x3FAA] =	sst s10  }
0x32: {  	s10 =	sld [smem:$0x3FA8];
	_ =	sdelay $0x3  }
0x33: {  	p0 =	seq.s32 s10, $0x1;
	s10 =	sld [smem:$0x3FAA];
	_ =	sdelay $0x3  }
0x34: {  	[smem:$0x3FAA] =	sst s10  }
0x35: {  	s10 =	sld [smem:$0x3FA9];
	_ =	sdelay $0x3  }
0x36: {  	p1 =	seq.s32 s10, $0x1;
	s10 =	sld [smem:$0x3FAA];
	_ =	sdelay $0x3  }
0x37: {  	[smem:$0x3FAA] =	sst s10  }
0x38: {  	s10 =	sld [smem:$0x3FAB]  }
0x39: {  	_ = 	snop;
	(pc) =	sbr.ind lr, $3  }
0x3a: {  	_ = 	snop  }
0x3b: {  	_ = 	snop  }
0x3c: {  	p2 =	seq.s32 s10, $0x1;
	s10 =	sld [smem:$0x3FAA]  }
0x3d: {  	_ =	shalt  }
0x3e: {  	_ =	shalt  }
0x3f: {  	_ =	shalt  }
0x40: {  	_ =	shalt  }
0x41: {  	_ =	shalt  }
0x42: {  	_ =	shalt  }
0x43: {  	_ =	shalt  }
0x44: {  	_ =	shalt  }
0x45: {  	_ =	shalt  }
0x46: {  	_ =	shalt  }
0x47: {  	_ =	shalt  }
0x48: {  	_ =	shalt  }
0x49: {  	_ =	shalt  }
0x4a: {  	_ =	shalt  }
0x4b: {  	_ =	shalt  }
0x4c: {  	_ =	shalt  }
0x4d: {  	_ =	shalt  }
0x4e: {  	_ =	shalt  }
0x4f: {  	_ =	shalt  }
0x50: {  	_ =	shalt  }
0x51: {  	_ =	shalt  }
0x52: {  	_ =	shalt  }
0x53: {  	_ =	shalt  }
0x54: {  	_ =	shalt  }
0x55: {  	_ =	shalt  }
0x56: {  	_ =	shalt  }
0x57: {  	_ =	shalt  }
0x58: {  	_ =	shalt  }
0x59: {  	_ =	shalt  }
0x5a: {  	_ =	shalt  }
0x5b: {  	_ =	shalt  }
0x5c: {  	_ =	shalt  }
0x5d: {  	_ =	shalt  }
0x5e: {  	_ =	shalt  }
0x5f: {  	_ =	shalt  }
0x60: {  	_ =	shalt  }
0x61: {  	_ =	shalt  }
0x62: {  	_ =	shalt  }
0x63: {  	_ =	shalt  }
0x64: {  	_ =	shalt  }
0x65: {  	_ =	shalt  }
0x66: {  	_ =	shalt  }
0x67: {  	_ =	shalt  }
0x68: {  	_ =	shalt  }
0x69: {  	_ =	shalt  }
0x6a: {  	_ =	shalt  }
0x6b: {  	_ =	shalt  }
0x6c: {  	_ =	shalt  }
0x6d: {  	_ =	shalt  }
0x6e: {  	_ =	shalt  }
0x6f: {  	_ =	shalt  }
0x70: {  	_ =	shalt  }
0x71: {  	_ =	shalt  }
0x72: {  	_ =	shalt  }
0x73: {  	_ =	shalt  }
0x74: {  	_ =	shalt  }
0x75: {  	_ =	shalt  }
0x76: {  	_ =	shalt  }
0x77: {  	_ =	shalt  }
0x78: {  	_ =	shalt  }
0x79: {  	_ =	shalt  }
0x7a: {  	_ =	shalt  }
0x7b: {  	_ =	shalt  }
0x7c: {  	_ =	shalt  }
0x7d: {  	_ =	shalt  }
0x7e: {  	_ =	shalt  }
0x7f: {  	_ =	shalt  }
0x80: {  	_ =	shalt  }
0x81: {  	_ =	shalt  }
0x82: {  	_ =	shalt  }
0x83: {  	_ =	shalt  }
0x84: {  	_ =	shalt  }
0x85: {  	_ =	shalt  }
0x86: {  	_ =	shalt  }
0x87: {  	_ =	shalt  }
.Lfunc_end0:
.L_simem_size_0:
called_computation_lowered:
.L_overlay_start_0:
0x88: {  	s2 =	sld [smem:$0x3FD9]  }
0x89: {  	s3 =	sld [smem:$0x3FFE];
	_ =	sdelay $0x1  }
0x8a: {  	s1 =	srdreg.scid  }
0x8b: {  	s0 =	sand.u32 $0x1, s1  }
0x8c: {  	s17 =	sshll.u32 s0, $0xA;
	s2 =	sadd.s32 s3, s2  }
0x8d: {  	s2 =	sadd.s32 s2, s17  }
0x8e: {  	[smem:$0x3FB6] =	sst s2  }
0x8f: {  	_ = 	snop  }
0x90: {  	s2 =	sld [smem:$0x3FD0];
	(tm) =	ssettm $0x1  }
0x91: {  	s18 =	sld [smem:$0x3FFB];
	_ =	sdelay $0x3  }
0x92: {  	_ =	strace s18  }
0x93: {  	s3 =	sld [smem:$0x3FFC];
	_ =	sdelay $0x3  }
0x94: {  	_ =	strace s3  }
0x95: {  	s3 =	sld [smem:$0x3FFD];
	_ =	sdelay $0x3  }
0x96: {  	_ =	strace s3  }
0x97: {  	_ =	strace $0x8FFFFFFF  }
0x98: {  	s19 =	sld [smem:$0x3FDB];
	_ =	sdelay $0x1  }
0x99: {  	s4 =	simm.s32 $_scs_section_size  }
0x9a: {  	s5 =	simm.s32 $_size__tile_overlayer_lowered;
	s6 =	simm.s32 $_tile_overlayer_lowered  }
0x9b: {  	s22 =	simm.s32 $0x1BFF;
	s21 =	sshll.u32 s6, $0x1;
	s3 =	sadd.s32 s4, s19  }
0x9c: {  	s7 =	simm.s32 $0x0;
	s20 =	sshll.u32 s5, $0x1;
	s5 =	sadd.s32 s21, s3  }
0x9d: {  	[timem:s7], [sflag:s22] =	dma.local [hbm:s5], s20  }
0x9e: {  	_ =	swait.ge [sflag:s22], s20  }
0x9f: {  	s4 =	ssub.s32 $0x0, s20;
	[sflag:s22] =	ssyncset.done $0x0  }
0xa0: {  	[sflag:s22] =	ssyncadd.s32 s4;
	_ =	sdelay $0x1  }
0xa1: {  	s23 =	simm.s32 $0x1B8B  }
0xa2: {  	_ =	swait.ge [sflag:s23], $0x1  }
0xa3: {  	[sflag:s23] =	ssyncset.done $0x0  }
0xa4: {  	s25 =	simm.s32 $0x1B8E;
	s24 =	sld [smem:$0x3FFE];
	[sflag:s23] =	ssyncadd.s32 $0xFFFFFFFF  }
0xa5: {  	s26 =	simm.s32 $execute0_lowered;
	[smem:$0x3FD2] =	sst s25  }
0xa6: {  	s5 =	sshll.u32 s26, $0x1;
	_ =	strace $0x80000046;
	[dreg:$0x1] =	wrdreg $0xFFFFFFFF  }
0xa7: {  	s28 =	simm.s32 $_size_execute0_lowered;
	s3 =	sadd.s32 s3, s5;
	[dreg:$0x0] =	wrdreg $0x0  }
0xa8: {  	s5 =	sshll.u32 s28, $0x1;
	[dreg:$0x2] =	wrdreg s3  }
0xa9: {  	[dreg:$0x3] =	wrdreg s5  }
0xaa: {  	[dreg:$0x4] =	wrdreg $0xC0  }
0xab: {  	_ =	task [dreg:s7], $0x5FFFF  }
0xac: {  	[dreg:$0x1] =	wrdreg $0xFFFFFFFF  }
0xad: {  	[dreg:$0x0] =	wrdreg $0x60  }
0xae: {  	[dreg:$0x2] =	wrdreg s24  }
0xaf: {  	[dreg:$0x3] =	wrdreg s2  }
0xb0: {  	[dreg:$0x4] =	wrdreg $0x38000  }
0xb1: {  	[dreg:$0x5] =	wrdreg $0x9  }
0xb2: {  	_ =	task.clear_ibuf [dreg:s7], $0x6FFFF;
	_ =	strace $0x90000046  }
0xb3: {  	s29 =	simm.s32 $0x9;
	_ =	strace $0x80000048  }
0xb4: {  	_ =	swait.ge [sflag:s29], $0x1  }
0xb5: {  	[sflag:s29] =	ssyncadd.s32 $0xFFFFFFFF  }
0xb6: {  	_ =	strace $0x90000048  }
0xb7: {  	_ =	sfence  }
0xb8: {  	s30 =	sld [smem:$0x0];
	_ =	sdelay $0x2  }
0xb9: {  	s31 =	sshll.u32 s1, $0xD;
	s1 =	sshrl.u32 s1, $0x2  }
0xba: {  	s3 =	sand.u32 $0x4000, s31;
	s1 =	sadd.s32 s1, s30  }
0xbb: {  	s0 =	sor.u32 s3, s0;
	s1 =	sshll.u32 s1, $0x11  }
0xbc: {  	s0 =	sor.u32 s1, s0  }
0xbd: {  	s0 =	sadd.s32 $0x8F2B, s0  }
0xbe: {  	[sflag:s0] =	ssyncadd.remote.s32 $0x1  }
0xbf: {  	_ =	sfence.sel $0xFFFF  }
0xc0: {  	[dreg:$0x0] =	wrdreg $0xFFFFFFFF;
	(pc) =	sbr.abs _section_cstart, $3  }
0xc1: {  	[dreg:$0x1] =	wrdreg $0xFFFFFFFF  }
0xc2: {  	_ =	task.clear_ibuf [dreg:s7], $0x2FFFF;
	_ =	strace $0x9FFFFFFF  }
0xc3: {  	(tm) =	ssettm $0x7FFFFFFF  }
tec
execute0_lowered:
.L_overlay_start_1:
0x0: {  	(tag) =	ssettag $0x1  }
0x1: {  	s7 =	rddreg [dreg:$0x0]  }
0x2: {  	s2 =	rddreg [dreg:$0x1]  }
0x3: {  	s0 =	srdreg.scid;
	s3 =	rddreg [dreg:$0x2];
	s4 =	simm.s32 $0x0  }
0x4: {  	s14 =	simm.s32 $0x1;
	s6 =	sand.u32 $0x1, s0;
	s0 =	stileid.u32  }
0x5: {  	s15 =	simm.s32 $0x0;
	[smem:$0x7FF] =	sst s4;
	s8 =	smul.u32 $0x18700, s0  }
0x6: {  	s1 =	sshll.u32 s6, $0x4;
	s9 =	smul.u32 $0x187000, s6;
	s6 =	ssub.s32 $0x2, s6  }
0x7: {  	s11 =	sshll.u32 s0, $0x6;
	s1 =	sor.u32 s0, s1;
	s31 =	sshrl.u32 s6, $0x1  }
0x8: {  	s5 =	smul.u32 $0x500, s1;
	s1 =	rddreg [dreg:$0x3];
	_ =	strace $0x80000047  }
0x9: {  	s9 =	sadd.s32 s8, s9;
	s12 =	ssub.s32 s6, s31;
	s13 =	sadd.s32 s8, s3  }
0xa: {  	s6 =	sor.u32 $0x1C02, s11;
	s11 =	simm.s32 $0x2;
	s9 =	sshrl.u32 s9, $0x3  }
0xb: {  	s10 =	sadd.s32 s5, s7;
	s5 =	sadd.s32 $0x10600, s7;
	s9 =	sadd.s32 s9, s7  }
0xc: {  	s7 =	sadd.s32 $0x6600, s10;
	s8 =	sadd.s32 $0x13800, s9;
	s9 =	smax.u32 s12, $0x1  }
0xd: {  	s10 =	sshrl.u32 s13, $0x3;
	s12 =	simm.s32 $0x2800;
	s13 =	simm.s32 $0x80  }
.LBB2_1:
0xe: {  	[spmem:s10], [sflag:s6] =	dma.local [hbm:s5], $0x30E0  }
0xf: {  	_ =	swait.ge [sflag:s11], $0x30E0  }
0x10: {  	[sflag:s11] =	ssyncset.done $0x0  }
0x11: {  	[sflag:s11] =	ssyncadd.s32 $0xFFFFCF20  }
0x12: {  	[bflag:$0x0] =	sbarrier.arrive $0xFFFF  }
0x13: {  	[tilespmem:s4], [sflag:$0x2] =	stream.linear.gather [hbm4b:s7+s4], $0x2800, $0x38;
	[tilespmem:$0x1BF00] =	vst v63  }
0x14: {  	_ =	swait.ge [sflag:s11], $0x2800  }
0x15: {  	[sflag:s11] =	ssyncset.done $0x0  }
0x16: {  	[sflag:s11] =	ssyncadd.s32 $0xFFFFD800  }
0x17: {  	[tilespmem:s12], [sflag:$0x2] =	stream.linear.gather [hbm4b:s2+s4], $0x1000, $0x38;
	[tilespmem:$0x1BF00] =	vst v63  }
0x18: {  	_ =	swait.ge [sflag:s11], $0x1000  }
0x19: {  	[sflag:s11] =	ssyncset.done $0x0  }
0x1a: {  	s16 =	simm.s32 $0x0;
	[sflag:s11] =	ssyncadd.s32 $0xFFFFF000  }
.LBB2_2:
0x1b: {  	p0 =	sne.s32 s16, $0x9E00  }
.Ltmp0:
0x1c: {  	_ = 	snop;
	(pc) =	sbr.rel @p0 .LBB2_2-.Ltmp0, $3  }
0x1d: {  	_ =	sdelay $0x1  }
0x1e: {  	s17 =	sshra.s32 s16, $0x2;
	s16 =	sadd.s32 $0x200, s16  }
0x1f: {  	[spmem:s3] =	stream.indirect.scatter.add.f32 [tilespmem:s12], [sflag:$0x1], $0x20, s17, s13, $0xb8;
	[tilespmem:$0x1BF00] =	vst v63  }
0x20: {  	_ =	swait.ge [sflag:s14], $0x1000  }
0x21: {  	s16 =	simm.s32 $0x4F;
	[sflag:s14] =	ssyncset.done $0x0  }
.LBB2_4:
0x22: {  	p0 =	sne.s32 s16, $0x1;
	s16 =	sadd.s32 $0xFFFFFFFF, s16;
	[sflag:s14] =	ssyncadd.s32 $0xFFFFF000  }
.Ltmp1:
0x23: {  	(pc) =	sbr.rel @p0 .LBB2_4-.Ltmp1, $3  }
0x24: {  	_ =	sdelay $0x1  }
0x25: {  	_ =	swait.ge [sflag:s14], $0x1000  }
0x26: {  	[sflag:s14] =	ssyncset.done $0x0  }
0x27: {  	s15 =	sadd.s32 $0x1, s15  }
0x28: {  	[sflag:s14] =	ssyncadd.s32 $0xFFFFF000;
	p0 =	sne.s32 s15, s9  }
.Ltmp2:
0x29: {  	[bflag:$0x0] =	sbarrier.arrive $0xFFFF;
	(pc) =	sbr.rel @p0 .LBB2_1-.Ltmp2, $4  }
0x2a: {  	[hbm:s8], [sflag:s6] =	dma.local [spmem:s10], $0x30E0  }
0x2b: {  	_ =	swait.ge [sflag:s11], $0x30E0  }
0x2c: {  	[sflag:s11] =	ssyncset.done $0x0  }
0x2d: {  	[sflag:s11] =	ssyncadd.s32 $0xFFFFCF20  }
0x2e: {  	_ =	sfence.sel $0x180000  }
0x2f: {  	[bflag:$0x0] =	sbarrier.arrive $0xFFFF  }
0x30: {  	p0 =	sne.s32 s0, $0x0;
	_ =	strace $0x90000047  }
0x31: {  	s0 =	sadd.s32 @!p0 $0x100000, s1;
	[bflag:$0x2] =	sbarrier.arrive $0xFFFF  }
0x32: {  	[sflag:s0] =	ssyncadd.tile.s32 @!p0 $0x1;
	_ =	shalt  }
.Lfunc_end2:
_tile_overlayer_lowered:
.L_overlay_start_2:
0x33: {  	(tag) =	ssettag $0x2  }
0x34: {  	s0 =	rddreg [dreg:$0x0];
	s2 =	stileid.u32  }
0x35: {  	s1 =	rddreg [dreg:$0x1];
	p0 =	sne.s32 s2, $0x0  }
0x36: {  	s3 =	rddreg [dreg:$0x2];
	[bflag:$0x3] =	sbarrier.arrive $0xFFFF;
	s2 =	simm.s32 @!p0 $0x1C02  }
0x37: {  	[timem:s3], [sflag:s2] =	dma.local @!p0 [hbm:s0], s1  }
0x38: {  	s0 =	simm.s32 @!p0 $0x2  }
0x39: {  	_ =	swait.ge @!p0 [sflag:s0], s1  }
0x3a: {  	s1 =	ssub.s32 @!p0 $0x0, s1;
	[sflag:s0] =	ssyncset.done @!p0 $0x0  }
0x3b: {  	[sflag:s0] =	ssyncadd.s32 @!p0 s1  }
0x3c: {  	[bflag:$0x3] =	sbarrier.arrive $0xFFFF  }
0x3d: {  	_ =	shalt  }

// kernel: kernel.17.cloned.1.call-start
scs
__scs_entry_jumppad:
0x0: {  	(pc) =	sbr.rel $0x88, $3  }
0x1: {  	(tag) =	ssettag $0x0;
	lr =	simm.s32 $0x1  }
0x2: {  	[smem:$0x3F8F] =	sst lr;
	_ =	strace $0xD0000000  }
0x3: {  	_ = 	snop  }
0x4: {  	_ = 	snop  }
0x5: {  	_ = 	snop  }
0x6: {  	_ = 	snop  }
0x7: {  	_ = 	snop  }
__scs_overlays_trampoline_lowered:
0x8: {  	[smem:$0x3F9E] =	sst s0  }
0x9: {  	[smem:$0x3F9F] =	sst s1  }
0xa: {  	[smem:$0x3FA0] =	sst s2  }
0xb: {  	[smem:$0x3FA1] =	sst s3  }
0xc: {  	[smem:$0x3FA2] =	sst s4  }
0xd: {  	[smem:$0x3FA3] =	sst s5  }
0xe: {  	[smem:$0x3FA4] =	sst s6  }
0xf: {  	[smem:$0x3FA5] =	sst s7  }
0x10: {  	[smem:$0x3FA6] =	sst s8  }
0x11: {  	[smem:$0x3FA7] =	sst s9;
	s0 =	simm.s32 @!p0 $0x0  }
0x12: {  	s1 =	sld [smem:$0x3F8D];
	s0 =	simm.s32 @p0 $0x1  }
0x13: {  	[smem:$0x3FA8] =	sst s0;
	s0 =	simm.s32 @!p1 $0x0  }
0x14: {  	s2 =	sld [smem:$0x3F8C];
	s0 =	simm.s32 @p1 $0x1  }
0x15: {  	[smem:$0x3FA9] =	sst s0;
	s0 =	simm.s32 @!p2 $0x0  }
0x16: {  	s3 =	sld [smem:$0x3FDB];
	s0 =	simm.s32 @p2 $0x1  }
0x17: {  	s4 =	simm.s32 $0x1BF5;
	[smem:$0x3FAB] =	sst s0  }
0x18: {  	s0 =	sld [smem:$0x3F8E];
	_ =	swait.ge [sflag:s4], $0x0  }
0x19: {  	s7 =	sld [smem:$0x3F8F]  }
0x1a: {  	s8 =	sadd.s32 $0xFFFFE003, lr  }
0x1b: {  	s9 =	sadd.s32 $0xFFFFFEF7, lr;
	s5 =	simm.s32 $0xFFFFFFFF;
	p2 =	slt.u32 s8, $0xFFFFF086  }
0x1c: {  	p1 =	slt.u32 s9, $0xF7A;
	s5 =	simm.s32 @!p2 $0x0  }
0x1d: {  	s5 =	simm.s32 @p1 $0x1;
	p0 =	seq.s32 s7, s2  }
0x1e: {  	s7 =	smul.u32 @!p0 $0xF7A, s2;
	p2 =	seq.s32 @!p0 s5, $0x0  }
0x1f: {  	s9 =	smul.u32 $0xF7A, s1;
	s8 =	simm.s32 @!p0 $0x1BF5;
	p2 =	por !p2, p0  }
0x20: {  	[sflag:s8] =	ssyncset.s32 @!p0 $0xFFFFF086;
	s6 =	sadd.s32 @!p0 s3, s7;
	s7 =	simm.s32 @!p0 $0x108  }
0x21: {  	s3 =	sadd.s32 s3, s9;
	s6 =	sadd.s32 @!p0 $0x88, s6;
	s7 =	simm.s32 @p2 $0x1082  }
0x22: {  	[simem:s7], [sflag:s8] =	dma.local @!p0 [hbm:s6], $0xF7A  }
0x23: {  	s9 =	sor.u32 $0xD0000000, s2;
	s6 =	simm.s32 $0x108;
	_ =	swait.ge @!p0 [sflag:s8], $0x0  }
0x24: {  	s3 =	sadd.s32 $0x88, s3;
	s6 =	simm.s32 @!p1 $0x1082;
	[sflag:s4] =	ssyncset.s32 $0xFFFFF086  }
0x25: {  	[simem:s6], [sflag:s4] =	dma.local [hbm:s3], $0xF7A  }
0x26: {  	[smem:$0x3F8F] =	sst s1;
	(tag) =	ssettag s2;
	_ =	strace s9  }
0x27: {  	s1 =	sld [smem:$0x3F9F]  }
0x28: {  	s2 =	sld [smem:$0x3FA0]  }
0x29: {  	s4 =	sld [smem:$0x3FA2]  }
0x2a: {  	p0 =	seq.s32 s5, $0x0;
	s5 =	sld [smem:$0x3FA3]  }
0x2b: {  	s6 =	sld [smem:$0x3FA4]  }
0x2c: {  	s7 =	sld [smem:$0x3FA5]  }
0x2d: {  	s3 =	simm.s32 $0x108;
	s8 =	sld [smem:$0x3FA6]  }
0x2e: {  	s3 =	simm.s32 @!p0 $0x1082;
	s9 =	sld [smem:$0x3FA7]  }
0x2f: {  	lr =	sadd.s32 s0, s3;
	s0 =	sld [smem:$0x3F9E]  }
0x30: {  	s3 =	sld [smem:$0x3FA1]  }
0x31: {  	[smem:$0x3FAA] =	sst s10  }
0x32: {  	s10 =	sld [smem:$0x3FA8];
	_ =	sdelay $0x3  }
0x33: {  	p0 =	seq.s32 s10, $0x1;
	s10 =	sld [smem:$0x3FAA];
	_ =	sdelay $0x3  }
0x34: {  	[smem:$0x3FAA] =	sst s10  }
0x35: {  	s10 =	sld [smem:$0x3FA9];
	_ =	sdelay $0x3  }
0x36: {  	p1 =	seq.s32 s10, $0x1;
	s10 =	sld [smem:$0x3FAA];
	_ =	sdelay $0x3  }
0x37: {  	[smem:$0x3FAA] =	sst s10  }
0x38: {  	s10 =	sld [smem:$0x3FAB]  }
0x39: {  	_ = 	snop;
	(pc) =	sbr.ind lr, $3  }
0x3a: {  	_ = 	snop  }
0x3b: {  	_ = 	snop  }
0x3c: {  	p2 =	seq.s32 s10, $0x1;
	s10 =	sld [smem:$0x3FAA]  }
0x3d: {  	_ =	shalt  }
0x3e: {  	_ =	shalt  }
0x3f: {  	_ =	shalt  }
0x40: {  	_ =	shalt  }
0x41: {  	_ =	shalt  }
0x42: {  	_ =	shalt  }
0x43: {  	_ =	shalt  }
0x44: {  	_ =	shalt  }
0x45: {  	_ =	shalt  }
0x46: {  	_ =	shalt  }
0x47: {  	_ =	shalt  }
0x48: {  	_ =	shalt  }
0x49: {  	_ =	shalt  }
0x4a: {  	_ =	shalt  }
0x4b: {  	_ =	shalt  }
0x4c: {  	_ =	shalt  }
0x4d: {  	_ =	shalt  }
0x4e: {  	_ =	shalt  }
0x4f: {  	_ =	shalt  }
0x50: {  	_ =	shalt  }
0x51: {  	_ =	shalt  }
0x52: {  	_ =	shalt  }
0x53: {  	_ =	shalt  }
0x54: {  	_ =	shalt  }
0x55: {  	_ =	shalt  }
0x56: {  	_ =	shalt  }
0x57: {  	_ =	shalt  }
0x58: {  	_ =	shalt  }
0x59: {  	_ =	shalt  }
0x5a: {  	_ =	shalt  }
0x5b: {  	_ =	shalt  }
0x5c: {  	_ =	shalt  }
0x5d: {  	_ =	shalt  }
0x5e: {  	_ =	shalt  }
0x5f: {  	_ =	shalt  }
0x60: {  	_ =	shalt  }
0x61: {  	_ =	shalt  }
0x62: {  	_ =	shalt  }
0x63: {  	_ =	shalt  }
0x64: {  	_ =	shalt  }
0x65: {  	_ =	shalt  }
0x66: {  	_ =	shalt  }
0x67: {  	_ =	shalt  }
0x68: {  	_ =	shalt  }
0x69: {  	_ =	shalt  }
0x6a: {  	_ =	shalt  }
0x6b: {  	_ =	shalt  }
0x6c: {  	_ =	shalt  }
0x6d: {  	_ =	shalt  }
0x6e: {  	_ =	shalt  }
0x6f: {  	_ =	shalt  }
0x70: {  	_ =	shalt  }
0x71: {  	_ =	shalt  }
0x72: {  	_ =	shalt  }
0x73: {  	_ =	shalt  }
0x74: {  	_ =	shalt  }
0x75: {  	_ =	shalt  }
0x76: {  	_ =	shalt  }
0x77: {  	_ =	shalt  }
0x78: {  	_ =	shalt  }
0x79: {  	_ =	shalt  }
0x7a: {  	_ =	shalt  }
0x7b: {  	_ =	shalt  }
0x7c: {  	_ =	shalt  }
0x7d: {  	_ =	shalt  }
0x7e: {  	_ =	shalt  }
0x7f: {  	_ =	shalt  }
0x80: {  	_ =	shalt  }
0x81: {  	_ =	shalt  }
0x82: {  	_ =	shalt  }
0x83: {  	_ =	shalt  }
0x84: {  	_ =	shalt  }
0x85: {  	_ =	shalt  }
0x86: {  	_ =	shalt  }
0x87: {  	_ =	shalt  }
.Lfunc_end0:
.L_simem_size_0:
called_computation.1_lowered:
.L_overlay_start_0:
0x88: {  	s2 =	sld [smem:$0x3FD9]  }
0x89: {  	s3 =	sld [smem:$0x3FFE];
	_ =	sdelay $0x1  }
0x8a: {  	s1 =	srdreg.scid  }
0x8b: {  	s0 =	sand.u32 $0x1, s1  }
0x8c: {  	s17 =	sshll.u32 s0, $0xA;
	s2 =	sadd.s32 s3, s2  }
0x8d: {  	s2 =	sadd.s32 s2, s17  }
0x8e: {  	[smem:$0x3FB6] =	sst s2  }
0x8f: {  	_ = 	snop  }
0x90: {  	(tm) =	ssettm $0x1  }
0x91: {  	s18 =	sld [smem:$0x3FFB];
	_ =	sdelay $0x3  }
0x92: {  	_ =	strace s18  }
0x93: {  	s2 =	sld [smem:$0x3FFC];
	_ =	sdelay $0x3  }
0x94: {  	_ =	strace s2  }
0x95: {  	s2 =	sld [smem:$0x3FFD];
	_ =	sdelay $0x3  }
0x96: {  	_ =	strace s2  }
0x97: {  	_ =	strace $0x8FFFFFFF  }
0x98: {  	s19 =	sld [smem:$0x3FDB];
	_ =	sdelay $0x1  }
0x99: {  	s20 =	simm.s32 $_scs_section_size  }
0x9a: {  	s4 =	simm.s32 $_size__tile_overlayer_lowered;
	s5 =	simm.s32 $_tile_overlayer_lowered  }
0x9b: {  	s6 =	simm.s32 $0x1BFF;
	s21 =	sshll.u32 s5, $0x1;
	s3 =	sadd.s32 s20, s19  }
0x9c: {  	s22 =	simm.s32 $0x0;
	s4 =	sshll.u32 s4, $0x1;
	s5 =	sadd.s32 s21, s3  }
0x9d: {  	[timem:s22], [sflag:s6] =	dma.local [hbm:s5], s4  }
0x9e: {  	_ =	swait.ge [sflag:s6], s4  }
0x9f: {  	s4 =	ssub.s32 $0x0, s4;
	[sflag:s6] =	ssyncset.done $0x0  }
0xa0: {  	[sflag:s6] =	ssyncadd.s32 s4;
	_ =	sdelay $0x1  }
0xa1: {  	s23 =	simm.s32 $0x1B8B  }
0xa2: {  	_ =	swait.ge [sflag:s23], $0x1  }
0xa3: {  	[sflag:s23] =	ssyncset.done $0x0  }
0xa4: {  	[sflag:s23] =	ssyncadd.s32 $0xFFFFFFFF  }
0xa5: {  	s4 =	sld [smem:$0x0]  }
0xa6: {  	s5 =	sand.u32 $0xFFFFFFFE, s1  }
0xa7: {  	p0 =	sne.s32 s1, s5  }
0xa8: {  	s5 =	sshll.u32 @p0 s5, $0xE  }
0xa9: {  	s5 =	sadd.s32 @p0 $0x11B8D, s5;
	s6 =	sshll.u32 @p0 s4, $0x11  }
0xaa: {  	s5 =	sor.u32 @p0 s6, s5  }
0xab: {  	[sflag:s5] =	ssyncadd.remote.s32 @p0 $0x1;
	_ =	sdelay $0x1  }
0xac: {  	s5 =	simm.s32 @p0 $0x1B8D  }
0xad: {  	_ =	swait.eq @p0 [sflag:s5], $0x1  }
0xae: {  	[sflag:s5] =	ssyncadd.s32 @p0 $0xFFFFFFFF  }
0xaf: {  	s6 =	sshll.u32 @!p0 s1, $0xE  }
0xb0: {  	s6 =	sor.u32 @!p0 $0x4000, s6;
	s5 =	simm.s32 @!p0 $0x1B8D  }
0xb1: {  	s4 =	sshll.u32 @!p0 s4, $0x11;
	s6 =	sadd.s32 @!p0 $0x11B8D, s6;
	_ =	swait.eq @!p0 [sflag:s5], $0x1  }
0xb2: {  	s4 =	sor.u32 @!p0 s4, s6;
	[sflag:s5] =	ssyncadd.s32 @!p0 $0xFFFFFFFF  }
0xb3: {  	s25 =	simm.s32 $0x1B8E;
	s24 =	sld [smem:$0x3FFE];
	[sflag:s4] =	ssyncadd.remote.s32 @!p0 $0x1  }
0xb4: {  	s26 =	simm.s32 $execute0_lowered;
	[smem:$0x3FD2] =	sst s25  }
0xb5: {  	s5 =	sshll.u32 s26, $0x1;
	_ =	strace $0x80000049;
	[dreg:$0x1] =	wrdreg $0xFFFFFFFF  }
0xb6: {  	s28 =	simm.s32 $_size_execute0_lowered;
	s3 =	sadd.s32 s3, s5;
	[dreg:$0x0] =	wrdreg $0x0  }
0xb7: {  	s5 =	sshll.u32 s28, $0x1;
	[dreg:$0x2] =	wrdreg s3  }
0xb8: {  	[dreg:$0x3] =	wrdreg s5  }
0xb9: {  	[dreg:$0x4] =	wrdreg $0xC0  }
0xba: {  	_ =	task [dreg:s22], $0x5FFFF  }
0xbb: {  	[dreg:$0x1] =	wrdreg $0xFFFFFFFF  }
0xbc: {  	[dreg:$0x0] =	wrdreg $0x60  }
0xbd: {  	[dreg:$0x2] =	wrdreg s24  }
0xbe: {  	[dreg:$0x3] =	wrdreg $0x70000  }
0xbf: {  	[dreg:$0x4] =	wrdreg $0xA  }
0xc0: {  	_ =	task.clear_ibuf [dreg:s22], $0x5FFFF;
	_ =	strace $0x90000049  }
0xc1: {  	s29 =	simm.s32 $0xA;
	_ =	strace $0x8000004B  }
0xc2: {  	_ =	swait.ge [sflag:s29], $0x1  }
0xc3: {  	[sflag:s29] =	ssyncadd.s32 $0xFFFFFFFF  }
0xc4: {  	_ =	strace $0x9000004B  }
0xc5: {  	_ =	sfence  }
0xc6: {  	s30 =	sld [smem:$0x0];
	_ =	sdelay $0x2  }
0xc7: {  	s31 =	sshll.u32 s1, $0xD;
	s1 =	sshrl.u32 s1, $0x2  }
0xc8: {  	s4 =	sand.u32 $0x4000, s31;
	s1 =	sadd.s32 s1, s30  }
0xc9: {  	s0 =	sor.u32 s4, s0;
	s1 =	sshll.u32 s1, $0x11  }
0xca: {  	s0 =	sor.u32 s1, s0  }
0xcb: {  	s0 =	sadd.s32 $0x8F2B, s0  }
0xcc: {  	[sflag:s0] =	ssyncadd.remote.s32 $0x1  }
0xcd: {  	_ =	sfence.sel $0xFFFF  }
0xce: {  	[dreg:$0x0] =	wrdreg $0xFFFFFFFF;
	(pc) =	sbr.abs _section_cstart, $3  }
0xcf: {  	[dreg:$0x1] =	wrdreg $0xFFFFFFFF  }
0xd0: {  	_ =	task.clear_ibuf [dreg:s22], $0x2FFFF;
	_ =	strace $0x9FFFFFFF  }
0xd1: {  	(tm) =	ssettm $0x7FFFFFFF  }
tec
execute0_lowered:
.L_overlay_start_1:
0x0: {  	(tag) =	ssettag $0x1  }
0x1: {  	s6 =	rddreg [dreg:$0x0]  }
0x2: {  	s0 =	srdreg.scid;
	s2 =	rddreg [dreg:$0x1]  }
0x3: {  	s3 =	simm.s32 $0x0;
	s14 =	simm.s32 $0x80;
	s15 =	simm.s32 $0x5000  }
0x4: {  	s16 =	simm.s32 $0x6000;
	s17 =	simm.s32 $0x1;
	s18 =	simm.s32 $0x2  }
0x5: {  	s19 =	simm.s32 $0x4E00;
	s20 =	simm.s32 $0x2700;
	s21 =	simm.s32 $0x4E80  }
0x6: {  	s22 =	simm.s32 $0x2780;
	s23 =	simm.s32 $0x4F00;
	s24 =	simm.s32 $0x4F80  }
0x7: {  	s25 =	simm.s32 $0x0;
	s5 =	sand.u32 $0x1, s0;
	s0 =	stileid.u32  }
0x8: {  	[smem:$0x7FF] =	sst s3;
	s4 =	sadd.s32 $0x7F400, s6;
	s8 =	smul.u32 $0x18700, s0  }
0x9: {  	s1 =	sshll.u32 s5, $0x4;
	s9 =	smul.u32 $0x187000, s5;
	s30 =	ssub.s32 $0x2, s5  }
0xa: {  	s5 =	sadd.s32 $0x10600, s6;
	s31 =	sshll.u32 s0, $0x6;
	s1 =	sor.u32 s0, s1  }
0xb: {  	s11 =	sshrl.u32 s30, $0x1;
	s7 =	smul.u32 $0x500, s1;
	s1 =	rddreg [dreg:$0x2]  }
0xc: {  	_ =	strace $0x8000004A;
	s29 =	sadd.s32 s8, s9;
	s11 =	ssub.s32 s30, s11  }
0xd: {  	s13 =	sadd.s32 s8, s2;
	s10 =	sadd.s32 s7, s6;
	s7 =	sshrl.u32 s29, $0x3  }
0xe: {  	s12 =	sadd.s32 s7, s6;
	s6 =	sor.u32 $0x1C03, s31;
	s7 =	sadd.s32 $0x75400, s10  }
0xf: {  	s8 =	sadd.s32 $0x6600, s10;
	s10 =	smax.u32 s11, $0x1;
	s11 =	sshrl.u32 s13, $0x3  }
0x10: {  	s13 =	simm.s32 $0x2800;
	s9 =	sadd.s32 $0xB0200, s12;
	s12 =	simm.s32 $0x3  }
.LBB2_1:
0x11: {  	[spmem:s11], [sflag:s6] =	dma.local [hbm:s5], $0x30E0  }
0x12: {  	_ =	swait.ge [sflag:s12], $0x30E0  }
0x13: {  	[sflag:s12] =	ssyncset.done $0x0  }
0x14: {  	[sflag:s12] =	ssyncadd.s32 $0xFFFFCF20  }
0x15: {  	[bflag:$0x0] =	sbarrier.arrive $0xFFFF  }
0x16: {  	[tilespmem:s3], [sflag:$0x3] =	stream.linear.gather [hbm4b:s7+s3], $0x2800, $0x38;
	[tilespmem:$0x1F700] =	vst v63  }
0x17: {  	_ =	swait.ge [sflag:s12], $0x2800  }
0x18: {  	[sflag:s12] =	ssyncset.done $0x0  }
0x19: {  	[sflag:s12] =	ssyncadd.s32 $0xFFFFD800  }
0x1a: {  	[tilespmem:s13], [sflag:$0x3] =	stream.linear.gather [hbm4b:s8+s3], $0x2800, $0x38;
	[tilespmem:$0x1F700] =	vst v63  }
0x1b: {  	_ =	swait.ge [sflag:s12], $0x2800  }
0x1c: {  	[sflag:s12] =	ssyncset.done $0x0  }
0x1d: {  	[sflag:s12] =	ssyncadd.s32 $0xFFFFD800  }
0x1e: {  	[tilespmem:s15], [sflag:$0x1] =	stream.indirect.gather [hbm4b:s4+s14], $0x20, s3, s14, $0xb8;
	[tilespmem:$0x1F700] =	vst v63  }
0x1f: {  	_ = 	snop  }
0x20: {  	[tilespmem:s16], [sflag:$0x2] =	stream.indirect.gather [hbm4b:s4+s14], $0x20, s14, s14, $0xb8;
	[tilespmem:$0x1F700] =	vst v63  }
0x21: {  	_ =	swait.ge [sflag:s17], $0x1000  }
0x22: {  	[sflag:s17] =	ssyncset.done $0x0  }
0x23: {  	s26 =	simm.s32 $0x2800;
	[sflag:s17] =	ssyncadd.s32 $0xFFFFF000  }
0x24: {  	[spmem:s2] =	stream.indirect.scatter.add.f32 [tilespmem:s15], [sflag:$0x3], $0x20, s26, s14, $0xb8;
	[tilespmem:$0x1F700] =	vst v63  }
0x25: {  	_ =	swait.ge [sflag:s12], $0x1000  }
0x26: {  	[sflag:s12] =	ssyncset.done $0x0  }
0x27: {  	s30 =	simm.s32 $0x100;
	[sflag:s12] =	ssyncadd.s32 $0xFFFFF000  }
0x28: {  	[tilespmem:s15], [sflag:$0x1] =	stream.indirect.gather [hbm4b:s4+s14], $0x20, s30, s14, $0xb8;
	[tilespmem:$0x1F700] =	vst v63  }
0x29: {  	_ =	swait.ge [sflag:s18], $0x1000  }
0x2a: {  	[sflag:s18] =	ssyncset.done $0x0  }
0x2b: {  	s31 =	simm.s32 $0x2880;
	[sflag:s18] =	ssyncadd.s32 $0xFFFFF000  }
0x2c: {  	[spmem:s2] =	stream.indirect.scatter.add.f32 [tilespmem:s16], [sflag:$0x3], $0x20, s31, s14, $0xb8;
	[tilespmem:$0x1F700] =	vst v63  }
0x2d: {  	_ =	swait.ge [sflag:s12], $0x1000  }
0x2e: {  	[sflag:s12] =	ssyncset.done $0x0  }
0x2f: {  	s28 =	simm.s32 $0x180;
	s26 =	simm.s32 $0x400;
	[sflag:s12] =	ssyncadd.s32 $0xFFFFF000  }
.LBB2_2:
0x30: {  	[tilespmem:s16], [sflag:$0x2] =	stream.indirect.gather [hbm4b:s4+s14], $0x20, s28, s14, $0xb8;
	[tilespmem:$0x1F700] =	vst v63  }
0x31: {  	s28 =	smov.u32 s26  }
0x32: {  	p0 =	sne.s32 s26, $0x9400;
	s26 =	sadd.s32 $0x400, s26;
	_ =	swait.ge [sflag:s17], $0x1000  }
0x33: {  	s28 =	sshra.s32 s28, $0x2;
	[sflag:s17] =	ssyncset.done $0x0  }
0x34: {  	s29 =	sadd.s32 $0x2800, s28;
	[sflag:s17] =	ssyncadd.s32 $0xFFFFF000  }
0x35: {  	[spmem:s2] =	stream.indirect.scatter.add.f32 [tilespmem:s15], [sflag:$0x3], $0x20, s29, s14, $0xb8;
	[tilespmem:$0x1F700] =	vst v63  }
0x36: {  	_ =	swait.ge [sflag:s12], $0x1000  }
0x37: {  	[sflag:s12] =	ssyncset.done $0x0  }
0x38: {  	s29 =	sadd.s32 $0x100, s28;
	[sflag:s12] =	ssyncadd.s32 $0xFFFFF000  }
0x39: {  	[tilespmem:s15], [sflag:$0x1] =	stream.indirect.gather [hbm4b:s4+s14], $0x20, s29, s14, $0xb8;
	[tilespmem:$0x1F700] =	vst v63  }
0x3a: {  	_ =	swait.ge [sflag:s18], $0x1000  }
0x3b: {  	[sflag:s18] =	ssyncset.done $0x0  }
.Ltmp0:
0x3c: {  	s29 =	sadd.s32 $0x2880, s28;
	[sflag:s18] =	ssyncadd.s32 $0xFFFFF000;
	(pc) =	sbr.rel @p0 .LBB2_2-.Ltmp0, $4  }
0x3d: {  	[spmem:s2] =	stream.indirect.scatter.add.f32 [tilespmem:s16], [sflag:$0x3], $0x20, s29, s14, $0xb8;
	[tilespmem:$0x1F700] =	vst v63  }
0x3e: {  	_ =	swait.ge [sflag:s12], $0x1000  }
0x3f: {  	[sflag:s12] =	ssyncset.done $0x0  }
0x40: {  	s28 =	sadd.s32 $0x180, s28;
	[sflag:s12] =	ssyncadd.s32 $0xFFFFF000  }
0x41: {  	[tilespmem:s16], [sflag:$0x2] =	stream.indirect.gather [hbm4b:s4+s14], $0x20, s28, s14, $0xb8;
	[tilespmem:$0x1F700] =	vst v63  }
0x42: {  	_ =	swait.ge [sflag:s17], $0x1000  }
0x43: {  	[sflag:s17] =	ssyncset.done $0x0  }
0x44: {  	[sflag:s17] =	ssyncadd.s32 $0xFFFFF000  }
0x45: {  	[spmem:s2] =	stream.indirect.scatter.add.f32 [tilespmem:s15], [sflag:$0x3], $0x20, s19, s14, $0xb8;
	[tilespmem:$0x1F700] =	vst v63  }
0x46: {  	_ =	swait.ge [sflag:s12], $0x1000  }
0x47: {  	[sflag:s12] =	ssyncset.done $0x0  }
0x48: {  	[sflag:s12] =	ssyncadd.s32 $0xFFFFF000  }
0x49: {  	[tilespmem:s15], [sflag:$0x1] =	stream.indirect.gather [hbm4b:s4+s14], $0x20, s20, s14, $0xb8;
	[tilespmem:$0x1F700] =	vst v63  }
0x4a: {  	_ =	swait.ge [sflag:s18], $0x1000  }
0x4b: {  	[sflag:s18] =	ssyncset.done $0x0  }
0x4c: {  	[sflag:s18] =	ssyncadd.s32 $0xFFFFF000  }
0x4d: {  	[spmem:s2] =	stream.indirect.scatter.add.f32 [tilespmem:s16], [sflag:$0x3], $0x20, s21, s14, $0xb8;
	[tilespmem:$0x1F700] =	vst v63  }
0x4e: {  	_ =	swait.ge [sflag:s12], $0x1000  }
0x4f: {  	[sflag:s12] =	ssyncset.done $0x0  }
0x50: {  	[sflag:s12] =	ssyncadd.s32 $0xFFFFF000  }
0x51: {  	[tilespmem:s16], [sflag:$0x2] =	stream.indirect.gather [hbm4b:s4+s14], $0x20, s22, s14, $0xb8;
	[tilespmem:$0x1F700] =	vst v63  }
0x52: {  	_ =	swait.ge [sflag:s17], $0x1000  }
0x53: {  	[sflag:s17] =	ssyncset.done $0x0  }
0x54: {  	[sflag:s17] =	ssyncadd.s32 $0xFFFFF000  }
0x55: {  	[spmem:s2] =	stream.indirect.scatter.add.f32 [tilespmem:s15], [sflag:$0x3], $0x20, s23, s14, $0xb8;
	[tilespmem:$0x1F700] =	vst v63  }
0x56: {  	_ =	swait.ge [sflag:s12], $0x1000  }
0x57: {  	[sflag:s12] =	ssyncset.done $0x0  }
0x58: {  	[sflag:s12] =	ssyncadd.s32 $0xFFFFF000  }
0x59: {  	[tilespmem:s15], [sflag:$0x1] =	stream.indirect.gather [hbm4b:s4+s14], $0x20, s22, s14, $0xb8;
	[tilespmem:$0x1F700] =	vst v63  }
0x5a: {  	_ =	swait.ge [sflag:s18], $0x1000  }
0x5b: {  	[sflag:s18] =	ssyncset.done $0x0  }
0x5c: {  	[sflag:s18] =	ssyncadd.s32 $0xFFFFF000  }
0x5d: {  	[spmem:s2] =	stream.indirect.scatter.add.f32 [tilespmem:s16], [sflag:$0x3], $0x20, s24, s14, $0xb8;
	[tilespmem:$0x1F700] =	vst v63  }
0x5e: {  	_ =	swait.ge [sflag:s12], $0x1000  }
0x5f: {  	[sflag:s12] =	ssyncset.done $0x0  }
0x60: {  	[sflag:s12] =	ssyncadd.s32 $0xFFFFF000  }
0x61: {  	[tilespmem:s16], [sflag:$0x2] =	stream.indirect.gather [hbm4b:s4+s14], $0x20, s22, s14, $0xb8;
	[tilespmem:$0x1F700] =	vst v63  }
0x62: {  	_ =	swait.ge [sflag:s17], $0x1000  }
0x63: {  	[sflag:s17] =	ssyncset.done $0x0  }
0x64: {  	[sflag:s17] =	ssyncadd.s32 $0xFFFFF000  }
0x65: {  	_ =	swait.ge [sflag:s18], $0x1000  }
0x66: {  	s25 =	sadd.s32 $0x1, s25;
	[sflag:s18] =	ssyncset.done $0x0  }
0x67: {  	p0 =	sne.s32 s25, s10;
	[sflag:s18] =	ssyncadd.s32 $0xFFFFF000  }
.Ltmp1:
0x68: {  	[bflag:$0x0] =	sbarrier.arrive $0xFFFF;
	(pc) =	sbr.rel @p0 .LBB2_1-.Ltmp1, $4  }
0x69: {  	[hbm:s9], [sflag:s6] =	dma.local [spmem:s11], $0x30E0  }
0x6a: {  	_ =	swait.ge [sflag:s12], $0x30E0  }
0x6b: {  	[sflag:s12] =	ssyncset.done $0x0  }
0x6c: {  	[sflag:s12] =	ssyncadd.s32 $0xFFFFCF20  }
0x6d: {  	_ =	sfence.sel $0x180000  }
0x6e: {  	[bflag:$0x0] =	sbarrier.arrive $0xFFFF  }
0x6f: {  	p0 =	sne.s32 s0, $0x0;
	_ =	strace $0x9000004A  }
0x70: {  	s0 =	sadd.s32 @!p0 $0x100000, s1;
	[bflag:$0x2] =	sbarrier.arrive $0xFFFF  }
0x71: {  	[sflag:s0] =	ssyncadd.tile.s32 @!p0 $0x1;
	_ =	shalt  }
.Lfunc_end2:
_tile_overlayer_lowered:
.L_overlay_start_2:
0x72: {  	(tag) =	ssettag $0x2  }
0x73: {  	s0 =	rddreg [dreg:$0x0];
	s2 =	stileid.u32  }
0x74: {  	s1 =	rddreg [dreg:$0x1];
	p0 =	sne.s32 s2, $0x0  }
0x75: {  	s3 =	rddreg [dreg:$0x2];
	[bflag:$0x3] =	sbarrier.arrive $0xFFFF;
	s2 =	simm.s32 @!p0 $0x1C03  }
0x76: {  	[timem:s3], [sflag:s2] =	dma.local @!p0 [hbm:s0], s1  }
0x77: {  	s0 =	simm.s32 @!p0 $0x3  }
0x78: {  	_ =	swait.ge @!p0 [sflag:s0], s1  }
0x79: {  	s1 =	ssub.s32 @!p0 $0x0, s1;
	[sflag:s0] =	ssyncset.done @!p0 $0x0  }
0x7a: {  	[sflag:s0] =	ssyncadd.s32 @!p0 s1  }
0x7b: {  	[bflag:$0x3] =	sbarrier.arrive $0xFFFF  }
0x7c: {  	_ =	shalt  }

// kernel: kernel.20.cloned.1.call-start
scs
__scs_entry_jumppad:
0x0: {  	(pc) =	sbr.rel $0x88, $3  }
0x1: {  	(tag) =	ssettag $0x0;
	lr =	simm.s32 $0x1  }
0x2: {  	[smem:$0x3F8F] =	sst lr;
	_ =	strace $0xD0000000  }
0x3: {  	_ = 	snop  }
0x4: {  	_ = 	snop  }
0x5: {  	_ = 	snop  }
0x6: {  	_ = 	snop  }
0x7: {  	_ = 	snop  }
__scs_overlays_trampoline_lowered:
0x8: {  	[smem:$0x3F9E] =	sst s0  }
0x9: {  	[smem:$0x3F9F] =	sst s1  }
0xa: {  	[smem:$0x3FA0] =	sst s2  }
0xb: {  	[smem:$0x3FA1] =	sst s3  }
0xc: {  	[smem:$0x3FA2] =	sst s4  }
0xd: {  	[smem:$0x3FA3] =	sst s5  }
0xe: {  	[smem:$0x3FA4] =	sst s6  }
0xf: {  	[smem:$0x3FA5] =	sst s7  }
0x10: {  	[smem:$0x3FA6] =	sst s8  }
0x11: {  	[smem:$0x3FA7] =	sst s9;
	s0 =	simm.s32 @!p0 $0x0  }
0x12: {  	s1 =	sld [smem:$0x3F8D];
	s0 =	simm.s32 @p0 $0x1  }
0x13: {  	[smem:$0x3FA8] =	sst s0;
	s0 =	simm.s32 @!p1 $0x0  }
0x14: {  	s2 =	sld [smem:$0x3F8C];
	s0 =	simm.s32 @p1 $0x1  }
0x15: {  	[smem:$0x3FA9] =	sst s0;
	s0 =	simm.s32 @!p2 $0x0  }
0x16: {  	s3 =	sld [smem:$0x3FDB];
	s0 =	simm.s32 @p2 $0x1  }
0x17: {  	s4 =	simm.s32 $0x1BF5;
	[smem:$0x3FAB] =	sst s0  }
0x18: {  	s0 =	sld [smem:$0x3F8E];
	_ =	swait.ge [sflag:s4], $0x0  }
0x19: {  	s7 =	sld [smem:$0x3F8F]  }
0x1a: {  	s8 =	sadd.s32 $0xFFFFE003, lr  }
0x1b: {  	s9 =	sadd.s32 $0xFFFFFEF7, lr;
	s5 =	simm.s32 $0xFFFFFFFF;
	p2 =	slt.u32 s8, $0xFFFFF086  }
0x1c: {  	p1 =	slt.u32 s9, $0xF7A;
	s5 =	simm.s32 @!p2 $0x0  }
0x1d: {  	s5 =	simm.s32 @p1 $0x1;
	p0 =	seq.s32 s7, s2  }
0x1e: {  	s7 =	smul.u32 @!p0 $0xF7A, s2;
	p2 =	seq.s32 @!p0 s5, $0x0  }
0x1f: {  	s9 =	smul.u32 $0xF7A, s1;
	s8 =	simm.s32 @!p0 $0x1BF5;
	p2 =	por !p2, p0  }
0x20: {  	[sflag:s8] =	ssyncset.s32 @!p0 $0xFFFFF086;
	s6 =	sadd.s32 @!p0 s3, s7;
	s7 =	simm.s32 @!p0 $0x108  }
0x21: {  	s3 =	sadd.s32 s3, s9;
	s6 =	sadd.s32 @!p0 $0x88, s6;
	s7 =	simm.s32 @p2 $0x1082  }
0x22: {  	[simem:s7], [sflag:s8] =	dma.local @!p0 [hbm:s6], $0xF7A  }
0x23: {  	s9 =	sor.u32 $0xD0000000, s2;
	s6 =	simm.s32 $0x108;
	_ =	swait.ge @!p0 [sflag:s8], $0x0  }
0x24: {  	s3 =	sadd.s32 $0x88, s3;
	s6 =	simm.s32 @!p1 $0x1082;
	[sflag:s4] =	ssyncset.s32 $0xFFFFF086  }
0x25: {  	[simem:s6], [sflag:s4] =	dma.local [hbm:s3], $0xF7A  }
0x26: {  	[smem:$0x3F8F] =	sst s1;
	(tag) =	ssettag s2;
	_ =	strace s9  }
0x27: {  	s1 =	sld [smem:$0x3F9F]  }
0x28: {  	s2 =	sld [smem:$0x3FA0]  }
0x29: {  	s4 =	sld [smem:$0x3FA2]  }
0x2a: {  	p0 =	seq.s32 s5, $0x0;
	s5 =	sld [smem:$0x3FA3]  }
0x2b: {  	s6 =	sld [smem:$0x3FA4]  }
0x2c: {  	s7 =	sld [smem:$0x3FA5]  }
0x2d: {  	s3 =	simm.s32 $0x108;
	s8 =	sld [smem:$0x3FA6]  }
0x2e: {  	s3 =	simm.s32 @!p0 $0x1082;
	s9 =	sld [smem:$0x3FA7]  }
0x2f: {  	lr =	sadd.s32 s0, s3;
	s0 =	sld [smem:$0x3F9E]  }
0x30: {  	s3 =	sld [smem:$0x3FA1]  }
0x31: {  	[smem:$0x3FAA] =	sst s10  }
0x32: {  	s10 =	sld [smem:$0x3FA8];
	_ =	sdelay $0x3  }
0x33: {  	p0 =	seq.s32 s10, $0x1;
	s10 =	sld [smem:$0x3FAA];
	_ =	sdelay $0x3  }
0x34: {  	[smem:$0x3FAA] =	sst s10  }
0x35: {  	s10 =	sld [smem:$0x3FA9];
	_ =	sdelay $0x3  }
0x36: {  	p1 =	seq.s32 s10, $0x1;
	s10 =	sld [smem:$0x3FAA];
	_ =	sdelay $0x3  }
0x37: {  	[smem:$0x3FAA] =	sst s10  }
0x38: {  	s10 =	sld [smem:$0x3FAB]  }
0x39: {  	_ = 	snop;
	(pc) =	sbr.ind lr, $3  }
0x3a: {  	_ = 	snop  }
0x3b: {  	_ = 	snop  }
0x3c: {  	p2 =	seq.s32 s10, $0x1;
	s10 =	sld [smem:$0x3FAA]  }
0x3d: {  	_ =	shalt  }
0x3e: {  	_ =	shalt  }
0x3f: {  	_ =	shalt  }
0x40: {  	_ =	shalt  }
0x41: {  	_ =	shalt  }
0x42: {  	_ =	shalt  }
0x43: {  	_ =	shalt  }
0x44: {  	_ =	shalt  }
0x45: {  	_ =	shalt  }
0x46: {  	_ =	shalt  }
0x47: {  	_ =	shalt  }
0x48: {  	_ =	shalt  }
0x49: {  	_ =	shalt  }
0x4a: {  	_ =	shalt  }
0x4b: {  	_ =	shalt  }
0x4c: {  	_ =	shalt  }
0x4d: {  	_ =	shalt  }
0x4e: {  	_ =	shalt  }
0x4f: {  	_ =	shalt  }
0x50: {  	_ =	shalt  }
0x51: {  	_ =	shalt  }
0x52: {  	_ =	shalt  }
0x53: {  	_ =	shalt  }
0x54: {  	_ =	shalt  }
0x55: {  	_ =	shalt  }
0x56: {  	_ =	shalt  }
0x57: {  	_ =	shalt  }
0x58: {  	_ =	shalt  }
0x59: {  	_ =	shalt  }
0x5a: {  	_ =	shalt  }
0x5b: {  	_ =	shalt  }
0x5c: {  	_ =	shalt  }
0x5d: {  	_ =	shalt  }
0x5e: {  	_ =	shalt  }
0x5f: {  	_ =	shalt  }
0x60: {  	_ =	shalt  }
0x61: {  	_ =	shalt  }
0x62: {  	_ =	shalt  }
0x63: {  	_ =	shalt  }
0x64: {  	_ =	shalt  }
0x65: {  	_ =	shalt  }
0x66: {  	_ =	shalt  }
0x67: {  	_ =	shalt  }
0x68: {  	_ =	shalt  }
0x69: {  	_ =	shalt  }
0x6a: {  	_ =	shalt  }
0x6b: {  	_ =	shalt  }
0x6c: {  	_ =	shalt  }
0x6d: {  	_ =	shalt  }
0x6e: {  	_ =	shalt  }
0x6f: {  	_ =	shalt  }
0x70: {  	_ =	shalt  }
0x71: {  	_ =	shalt  }
0x72: {  	_ =	shalt  }
0x73: {  	_ =	shalt  }
0x74: {  	_ =	shalt  }
0x75: {  	_ =	shalt  }
0x76: {  	_ =	shalt  }
0x77: {  	_ =	shalt  }
0x78: {  	_ =	shalt  }
0x79: {  	_ =	shalt  }
0x7a: {  	_ =	shalt  }
0x7b: {  	_ =	shalt  }
0x7c: {  	_ =	shalt  }
0x7d: {  	_ =	shalt  }
0x7e: {  	_ =	shalt  }
0x7f: {  	_ =	shalt  }
0x80: {  	_ =	shalt  }
0x81: {  	_ =	shalt  }
0x82: {  	_ =	shalt  }
0x83: {  	_ =	shalt  }
0x84: {  	_ =	shalt  }
0x85: {  	_ =	shalt  }
0x86: {  	_ =	shalt  }
0x87: {  	_ =	shalt  }
.Lfunc_end0:
.L_simem_size_0:
called_computation.2_lowered:
.L_overlay_start_0:
0x88: {  	s2 =	sld [smem:$0x3FD9]  }
0x89: {  	s3 =	sld [smem:$0x3FFE];
	_ =	sdelay $0x1  }
0x8a: {  	s1 =	srdreg.scid  }
0x8b: {  	s0 =	sand.u32 $0x1, s1  }
0x8c: {  	s16 =	sshll.u32 s0, $0xA;
	s2 =	sadd.s32 s3, s2  }
0x8d: {  	s2 =	sadd.s32 s2, s16  }
0x8e: {  	[smem:$0x3FB6] =	sst s2  }
0x8f: {  	_ = 	snop  }
0x90: {  	(tm) =	ssettm $0x1  }
0x91: {  	s17 =	sld [smem:$0x3FFB];
	_ =	sdelay $0x3  }
0x92: {  	_ =	strace s17  }
0x93: {  	s2 =	sld [smem:$0x3FFC];
	_ =	sdelay $0x3  }
0x94: {  	_ =	strace s2  }
0x95: {  	s2 =	sld [smem:$0x3FFD];
	_ =	sdelay $0x3  }
0x96: {  	_ =	strace s2  }
0x97: {  	_ =	strace $0x8FFFFFFF  }
0x98: {  	s18 =	sld [smem:$0x3FDB];
	_ =	sdelay $0x1  }
0x99: {  	s19 =	simm.s32 $_scs_section_size  }
0x9a: {  	s4 =	simm.s32 $_size__tile_overlayer_lowered;
	s5 =	simm.s32 $_tile_overlayer_lowered  }
0x9b: {  	s22 =	simm.s32 $0x1BFF;
	s21 =	sshll.u32 s5, $0x1;
	s2 =	sadd.s32 s19, s18  }
0x9c: {  	s6 =	simm.s32 $0x0;
	s20 =	sshll.u32 s4, $0x1;
	s4 =	sadd.s32 s21, s2  }
0x9d: {  	[timem:s6], [sflag:s22] =	dma.local [hbm:s4], s20  }
0x9e: {  	_ =	swait.ge [sflag:s22], s20  }
0x9f: {  	s3 =	ssub.s32 $0x0, s20;
	[sflag:s22] =	ssyncset.done $0x0  }
0xa0: {  	[sflag:s22] =	ssyncadd.s32 s3;
	_ =	sdelay $0x1  }
0xa1: {  	s23 =	simm.s32 $0x1B8B  }
0xa2: {  	_ =	swait.ge [sflag:s23], $0x1  }
0xa3: {  	[sflag:s23] =	ssyncset.done $0x0  }
0xa4: {  	s25 =	simm.s32 $0x1B8E;
	s24 =	sld [smem:$0x3FFE];
	[sflag:s23] =	ssyncadd.s32 $0xFFFFFFFF  }
0xa5: {  	s26 =	simm.s32 $execute0_lowered;
	[smem:$0x3FD2] =	sst s25  }
0xa6: {  	s4 =	sshll.u32 s26, $0x1;
	_ =	strace $0x8000004C;
	[dreg:$0x1] =	wrdreg $0xFFFFFFFF  }
0xa7: {  	s28 =	simm.s32 $_size_execute0_lowered;
	s2 =	sadd.s32 s2, s4;
	[dreg:$0x0] =	wrdreg $0x0  }
0xa8: {  	s4 =	sshll.u32 s28, $0x1;
	[dreg:$0x2] =	wrdreg s2  }
0xa9: {  	[dreg:$0x3] =	wrdreg s4  }
0xaa: {  	[dreg:$0x4] =	wrdreg $0xC0  }
0xab: {  	_ =	task [dreg:s6], $0x5FFFF  }
0xac: {  	[dreg:$0x1] =	wrdreg $0xFFFFFFFF  }
0xad: {  	[dreg:$0x0] =	wrdreg $0x60  }
0xae: {  	[dreg:$0x2] =	wrdreg s24  }
0xaf: {  	[dreg:$0x3] =	wrdreg $0x70000  }
0xb0: {  	[dreg:$0x4] =	wrdreg $0x9  }
0xb1: {  	_ =	task.clear_ibuf [dreg:s6], $0x5FFFF;
	_ =	strace $0x9000004C  }
0xb2: {  	s29 =	simm.s32 $0x9;
	_ =	strace $0x8000004E  }
0xb3: {  	_ =	swait.ge [sflag:s29], $0x1  }
0xb4: {  	[sflag:s29] =	ssyncadd.s32 $0xFFFFFFFF  }
0xb5: {  	_ =	strace $0x9000004E  }
0xb6: {  	_ =	sfence  }
0xb7: {  	s30 =	sld [smem:$0x0];
	_ =	sdelay $0x2  }
0xb8: {  	s31 =	sshll.u32 s1, $0xD;
	s1 =	sshrl.u32 s1, $0x2  }
0xb9: {  	s3 =	sand.u32 $0x4000, s31;
	s1 =	sadd.s32 s1, s30  }
0xba: {  	s0 =	sor.u32 s3, s0;
	s1 =	sshll.u32 s1, $0x11  }
0xbb: {  	s0 =	sor.u32 s1, s0  }
0xbc: {  	s0 =	sadd.s32 $0x8F2B, s0  }
0xbd: {  	[sflag:s0] =	ssyncadd.remote.s32 $0x1  }
0xbe: {  	_ =	sfence.sel $0xFFFF  }
0xbf: {  	[dreg:$0x0] =	wrdreg $0xFFFFFFFF;
	(pc) =	sbr.abs _section_cstart, $3  }
0xc0: {  	[dreg:$0x1] =	wrdreg $0xFFFFFFFF  }
0xc1: {  	_ =	task.clear_ibuf [dreg:s6], $0x2FFFF;
	_ =	strace $0x9FFFFFFF  }
0xc2: {  	(tm) =	ssettm $0x7FFFFFFF  }
0xc3: {  	_ =	shalt  }
tec
execute0_lowered:
.L_overlay_start_1:
0x0: {  	(tag) =	ssettag $0x1  }
0x1: {  	s6 =	rddreg [dreg:$0x0]  }
0x2: {  	s0 =	srdreg.scid;
	s2 =	rddreg [dreg:$0x1]  }
0x3: {  	s3 =	simm.s32 $0x0;
	s14 =	simm.s32 $0x80;
	s15 =	simm.s32 $0x5000  }
0x4: {  	s16 =	simm.s32 $0x6000;
	s17 =	simm.s32 $0x1;
	s18 =	simm.s32 $0x2  }
0x5: {  	s19 =	simm.s32 $0x4E00;
	s20 =	simm.s32 $0x2700;
	s21 =	simm.s32 $0x4E80  }
0x6: {  	s22 =	simm.s32 $0x2780;
	s23 =	simm.s32 $0x4F00;
	s24 =	simm.s32 $0x4F80  }
0x7: {  	s25 =	simm.s32 $0x0;
	s5 =	sand.u32 $0x1, s0;
	s0 =	stileid.u32  }
0x8: {  	[smem:$0x7FF] =	sst s3;
	s4 =	sadd.s32 $0x44600, s6;
	s8 =	smul.u32 $0x18700, s0  }
0x9: {  	s1 =	sshll.u32 s5, $0x4;
	s9 =	smul.u32 $0x187000, s5;
	s30 =	ssub.s32 $0x2, s5  }
0xa: {  	s5 =	sadd.s32 $0x10600, s6;
	s31 =	sshll.u32 s0, $0x6;
	s1 =	sor.u32 s0, s1  }
0xb: {  	s11 =	sshrl.u32 s30, $0x1;
	s7 =	smul.u32 $0x500, s1;
	s1 =	rddreg [dreg:$0x2]  }
0xc: {  	_ =	strace $0x8000004D;
	s29 =	sadd.s32 s8, s9;
	s11 =	ssub.s32 s30, s11  }
0xd: {  	s13 =	sadd.s32 s8, s2;
	s10 =	sadd.s32 s7, s6;
	s7 =	sshrl.u32 s29, $0x3  }
0xe: {  	s12 =	sadd.s32 s7, s6;
	s6 =	sor.u32 $0x1C03, s31;
	s7 =	sadd.s32 $0x75400, s10  }
0xf: {  	s8 =	sadd.s32 $0x6600, s10;
	s10 =	smax.u32 s11, $0x1;
	s11 =	sshrl.u32 s13, $0x3  }
0x10: {  	s13 =	simm.s32 $0x2800;
	s9 =	sadd.s32 $0x7F400, s12;
	s12 =	simm.s32 $0x3  }
.LBB2_1:
0x11: {  	[spmem:s11], [sflag:s6] =	dma.local [hbm:s5], $0x30E0  }
0x12: {  	_ =	swait.ge [sflag:s12], $0x30E0  }
0x13: {  	[sflag:s12] =	ssyncset.done $0x0  }
0x14: {  	[sflag:s12] =	ssyncadd.s32 $0xFFFFCF20  }
0x15: {  	[bflag:$0x0] =	sbarrier.arrive $0xFFFF  }
0x16: {  	[tilespmem:s3], [sflag:$0x3] =	stream.linear.gather [hbm4b:s7+s3], $0x2800, $0x38;
	[tilespmem:$0x1F700] =	vst v63  }
0x17: {  	_ =	swait.ge [sflag:s12], $0x2800  }
0x18: {  	[sflag:s12] =	ssyncset.done $0x0  }
0x19: {  	[sflag:s12] =	ssyncadd.s32 $0xFFFFD800  }
0x1a: {  	[tilespmem:s13], [sflag:$0x3] =	stream.linear.gather [hbm4b:s8+s3], $0x2800, $0x38;
	[tilespmem:$0x1F700] =	vst v63  }
0x1b: {  	_ =	swait.ge [sflag:s12], $0x2800  }
0x1c: {  	[sflag:s12] =	ssyncset.done $0x0  }
0x1d: {  	[sflag:s12] =	ssyncadd.s32 $0xFFFFD800  }
0x1e: {  	[tilespmem:s15], [sflag:$0x1] =	stream.indirect.gather [hbm4b:s4+s14], $0x20, s3, s14, $0xb8;
	[tilespmem:$0x1F700] =	vst v63  }
0x1f: {  	_ = 	snop  }
0x20: {  	[tilespmem:s16], [sflag:$0x2] =	stream.indirect.gather [hbm4b:s4+s14], $0x20, s14, s14, $0xb8;
	[tilespmem:$0x1F700] =	vst v63  }
0x21: {  	_ =	swait.ge [sflag:s17], $0x1000  }
0x22: {  	[sflag:s17] =	ssyncset.done $0x0  }
0x23: {  	s26 =	simm.s32 $0x2800;
	[sflag:s17] =	ssyncadd.s32 $0xFFFFF000  }
0x24: {  	[spmem:s2] =	stream.indirect.scatter.add.f32 [tilespmem:s15], [sflag:$0x3], $0x20, s26, s14, $0xb8;
	[tilespmem:$0x1F700] =	vst v63  }
0x25: {  	_ =	swait.ge [sflag:s12], $0x1000  }
0x26: {  	[sflag:s12] =	ssyncset.done $0x0  }
0x27: {  	s30 =	simm.s32 $0x100;
	[sflag:s12] =	ssyncadd.s32 $0xFFFFF000  }
0x28: {  	[tilespmem:s15], [sflag:$0x1] =	stream.indirect.gather [hbm4b:s4+s14], $0x20, s30, s14, $0xb8;
	[tilespmem:$0x1F700] =	vst v63  }
0x29: {  	_ =	swait.ge [sflag:s18], $0x1000  }
0x2a: {  	[sflag:s18] =	ssyncset.done $0x0  }
0x2b: {  	s31 =	simm.s32 $0x2880;
	[sflag:s18] =	ssyncadd.s32 $0xFFFFF000  }
0x2c: {  	[spmem:s2] =	stream.indirect.scatter.add.f32 [tilespmem:s16], [sflag:$0x3], $0x20, s31, s14, $0xb8;
	[tilespmem:$0x1F700] =	vst v63  }
0x2d: {  	_ =	swait.ge [sflag:s12], $0x1000  }
0x2e: {  	[sflag:s12] =	ssyncset.done $0x0  }
0x2f: {  	s28 =	simm.s32 $0x180;
	s26 =	simm.s32 $0x400;
	[sflag:s12] =	ssyncadd.s32 $0xFFFFF000  }
.LBB2_2:
0x30: {  	[tilespmem:s16], [sflag:$0x2] =	stream.indirect.gather [hbm4b:s4+s14], $0x20, s28, s14, $0xb8;
	[tilespmem:$0x1F700] =	vst v63  }
0x31: {  	s28 =	smov.u32 s26  }
0x32: {  	p0 =	sne.s32 s26, $0x9400;
	s26 =	sadd.s32 $0x400, s26;
	_ =	swait.ge [sflag:s17], $0x1000  }
0x33: {  	s28 =	sshra.s32 s28, $0x2;
	[sflag:s17] =	ssyncset.done $0x0  }
0x34: {  	s29 =	sadd.s32 $0x2800, s28;
	[sflag:s17] =	ssyncadd.s32 $0xFFFFF000  }
0x35: {  	[spmem:s2] =	stream.indirect.scatter.add.f32 [tilespmem:s15], [sflag:$0x3], $0x20, s29, s14, $0xb8;
	[tilespmem:$0x1F700] =	vst v63  }
0x36: {  	_ =	swait.ge [sflag:s12], $0x1000  }
0x37: {  	[sflag:s12] =	ssyncset.done $0x0  }
0x38: {  	s29 =	sadd.s32 $0x100, s28;
	[sflag:s12] =	ssyncadd.s32 $0xFFFFF000  }
0x39: {  	[tilespmem:s15], [sflag:$0x1] =	stream.indirect.gather [hbm4b:s4+s14], $0x20, s29, s14, $0xb8;
	[tilespmem:$0x1F700] =	vst v63  }
0x3a: {  	_ =	swait.ge [sflag:s18], $0x1000  }
0x3b: {  	[sflag:s18] =	ssyncset.done $0x0  }
.Ltmp0:
0x3c: {  	s29 =	sadd.s32 $0x2880, s28;
	[sflag:s18] =	ssyncadd.s32 $0xFFFFF000;
	(pc) =	sbr.rel @p0 .LBB2_2-.Ltmp0, $4  }
0x3d: {  	[spmem:s2] =	stream.indirect.scatter.add.f32 [tilespmem:s16], [sflag:$0x3], $0x20, s29, s14, $0xb8;
	[tilespmem:$0x1F700] =	vst v63  }
0x3e: {  	_ =	swait.ge [sflag:s12], $0x1000  }
0x3f: {  	[sflag:s12] =	ssyncset.done $0x0  }
0x40: {  	s28 =	sadd.s32 $0x180, s28;
	[sflag:s12] =	ssyncadd.s32 $0xFFFFF000  }
0x41: {  	[tilespmem:s16], [sflag:$0x2] =	stream.indirect.gather [hbm4b:s4+s14], $0x20, s28, s14, $0xb8;
	[tilespmem:$0x1F700] =	vst v63  }
0x42: {  	_ =	swait.ge [sflag:s17], $0x1000  }
0x43: {  	[sflag:s17] =	ssyncset.done $0x0  }
0x44: {  	[sflag:s17] =	ssyncadd.s32 $0xFFFFF000  }
0x45: {  	[spmem:s2] =	stream.indirect.scatter.add.f32 [tilespmem:s15], [sflag:$0x3], $0x20, s19, s14, $0xb8;
	[tilespmem:$0x1F700] =	vst v63  }
0x46: {  	_ =	swait.ge [sflag:s12], $0x1000  }
0x47: {  	[sflag:s12] =	ssyncset.done $0x0  }
0x48: {  	[sflag:s12] =	ssyncadd.s32 $0xFFFFF000  }
0x49: {  	[tilespmem:s15], [sflag:$0x1] =	stream.indirect.gather [hbm4b:s4+s14], $0x20, s20, s14, $0xb8;
	[tilespmem:$0x1F700] =	vst v63  }
0x4a: {  	_ =	swait.ge [sflag:s18], $0x1000  }
0x4b: {  	[sflag:s18] =	ssyncset.done $0x0  }
0x4c: {  	[sflag:s18] =	ssyncadd.s32 $0xFFFFF000  }
0x4d: {  	[spmem:s2] =	stream.indirect.scatter.add.f32 [tilespmem:s16], [sflag:$0x3], $0x20, s21, s14, $0xb8;
	[tilespmem:$0x1F700] =	vst v63  }
0x4e: {  	_ =	swait.ge [sflag:s12], $0x1000  }
0x4f: {  	[sflag:s12] =	ssyncset.done $0x0  }
0x50: {  	[sflag:s12] =	ssyncadd.s32 $0xFFFFF000  }
0x51: {  	[tilespmem:s16], [sflag:$0x2] =	stream.indirect.gather [hbm4b:s4+s14], $0x20, s22, s14, $0xb8;
	[tilespmem:$0x1F700] =	vst v63  }
0x52: {  	_ =	swait.ge [sflag:s17], $0x1000  }
0x53: {  	[sflag:s17] =	ssyncset.done $0x0  }
0x54: {  	[sflag:s17] =	ssyncadd.s32 $0xFFFFF000  }
0x55: {  	[spmem:s2] =	stream.indirect.scatter.add.f32 [tilespmem:s15], [sflag:$0x3], $0x20, s23, s14, $0xb8;
	[tilespmem:$0x1F700] =	vst v63  }
0x56: {  	_ =	swait.ge [sflag:s12], $0x1000  }
0x57: {  	[sflag:s12] =	ssyncset.done $0x0  }
0x58: {  	[sflag:s12] =	ssyncadd.s32 $0xFFFFF000  }
0x59: {  	[tilespmem:s15], [sflag:$0x1] =	stream.indirect.gather [hbm4b:s4+s14], $0x20, s22, s14, $0xb8;
	[tilespmem:$0x1F700] =	vst v63  }
0x5a: {  	_ =	swait.ge [sflag:s18], $0x1000  }
0x5b: {  	[sflag:s18] =	ssyncset.done $0x0  }
0x5c: {  	[sflag:s18] =	ssyncadd.s32 $0xFFFFF000  }
0x5d: {  	[spmem:s2] =	stream.indirect.scatter.add.f32 [tilespmem:s16], [sflag:$0x3], $0x20, s24, s14, $0xb8;
	[tilespmem:$0x1F700] =	vst v63  }
0x5e: {  	_ =	swait.ge [sflag:s12], $0x1000  }
0x5f: {  	[sflag:s12] =	ssyncset.done $0x0  }
0x60: {  	[sflag:s12] =	ssyncadd.s32 $0xFFFFF000  }
0x61: {  	[tilespmem:s16], [sflag:$0x2] =	stream.indirect.gather [hbm4b:s4+s14], $0x20, s22, s14, $0xb8;
	[tilespmem:$0x1F700] =	vst v63  }
0x62: {  	_ =	swait.ge [sflag:s17], $0x1000  }
0x63: {  	[sflag:s17] =	ssyncset.done $0x0  }
0x64: {  	[sflag:s17] =	ssyncadd.s32 $0xFFFFF000  }
0x65: {  	_ =	swait.ge [sflag:s18], $0x1000  }
0x66: {  	s25 =	sadd.s32 $0x1, s25;
	[sflag:s18] =	ssyncset.done $0x0  }
0x67: {  	p0 =	sne.s32 s25, s10;
	[sflag:s18] =	ssyncadd.s32 $0xFFFFF000  }
.Ltmp1:
0x68: {  	[bflag:$0x0] =	sbarrier.arrive $0xFFFF;
	(pc) =	sbr.rel @p0 .LBB2_1-.Ltmp1, $4  }
0x69: {  	[hbm:s9], [sflag:s6] =	dma.local [spmem:s11], $0x30E0  }
0x6a: {  	_ =	swait.ge [sflag:s12], $0x30E0  }
0x6b: {  	[sflag:s12] =	ssyncset.done $0x0  }
0x6c: {  	[sflag:s12] =	ssyncadd.s32 $0xFFFFCF20  }
0x6d: {  	_ =	sfence.sel $0x180000  }
0x6e: {  	[bflag:$0x0] =	sbarrier.arrive $0xFFFF  }
0x6f: {  	p0 =	sne.s32 s0, $0x0;
	_ =	strace $0x9000004D  }
0x70: {  	s0 =	sadd.s32 @!p0 $0x100000, s1;
	[bflag:$0x2] =	sbarrier.arrive $0xFFFF  }
0x71: {  	[sflag:s0] =	ssyncadd.tile.s32 @!p0 $0x1;
	_ =	shalt  }
.Lfunc_end2:
_tile_overlayer_lowered:
.L_overlay_start_2:
0x72: {  	(tag) =	ssettag $0x2  }
0x73: {  	s0 =	rddreg [dreg:$0x0];
	s2 =	stileid.u32  }
0x74: {  	s1 =	rddreg [dreg:$0x1];
	p0 =	sne.s32 s2, $0x0  }
0x75: {  	s3 =	rddreg [dreg:$0x2];
	[bflag:$0x3] =	sbarrier.arrive $0xFFFF;
	s2 =	simm.s32 @!p0 $0x1C03  }
0x76: {  	[timem:s3], [sflag:s2] =	dma.local @!p0 [hbm:s0], s1  }
0x77: {  	s0 =	simm.s32 @!p0 $0x3  }
0x78: {  	_ =	swait.ge @!p0 [sflag:s0], s1  }
0x79: {  	s1 =	ssub.s32 @!p0 $0x0, s1;
	[sflag:s0] =	ssyncset.done @!p0 $0x0  }
0x7a: {  	[sflag:s0] =	ssyncadd.s32 @!p0 s1  }
0x7b: {  	[bflag:$0x3] =	sbarrier.arrive $0xFFFF  }
0x7c: {  	_ =	shalt  }

// kernel: kernel.23.cloned.1.call-start
scs
__scs_entry_jumppad:
0x0: {  	(pc) =	sbr.rel $0x88, $3  }
0x1: {  	(tag) =	ssettag $0x0;
	lr =	simm.s32 $0x1  }
0x2: {  	[smem:$0x3F8F] =	sst lr;
	_ =	strace $0xD0000000  }
0x3: {  	_ = 	snop  }
0x4: {  	_ = 	snop  }
0x5: {  	_ = 	snop  }
0x6: {  	_ = 	snop  }
0x7: {  	_ = 	snop  }
__scs_overlays_trampoline_lowered:
0x8: {  	[smem:$0x3F9E] =	sst s0  }
0x9: {  	[smem:$0x3F9F] =	sst s1  }
0xa: {  	[smem:$0x3FA0] =	sst s2  }
0xb: {  	[smem:$0x3FA1] =	sst s3  }
0xc: {  	[smem:$0x3FA2] =	sst s4  }
0xd: {  	[smem:$0x3FA3] =	sst s5  }
0xe: {  	[smem:$0x3FA4] =	sst s6  }
0xf: {  	[smem:$0x3FA5] =	sst s7  }
0x10: {  	[smem:$0x3FA6] =	sst s8  }
0x11: {  	[smem:$0x3FA7] =	sst s9;
	s0 =	simm.s32 @!p0 $0x0  }
0x12: {  	s1 =	sld [smem:$0x3F8D];
	s0 =	simm.s32 @p0 $0x1  }
0x13: {  	[smem:$0x3FA8] =	sst s0;
	s0 =	simm.s32 @!p1 $0x0  }
0x14: {  	s2 =	sld [smem:$0x3F8C];
	s0 =	simm.s32 @p1 $0x1  }
0x15: {  	[smem:$0x3FA9] =	sst s0;
	s0 =	simm.s32 @!p2 $0x0  }
0x16: {  	s3 =	sld [smem:$0x3FDB];
	s0 =	simm.s32 @p2 $0x1  }
0x17: {  	s4 =	simm.s32 $0x1BF5;
	[smem:$0x3FAB] =	sst s0  }
0x18: {  	s0 =	sld [smem:$0x3F8E];
	_ =	swait.ge [sflag:s4], $0x0  }
0x19: {  	s7 =	sld [smem:$0x3F8F]  }
0x1a: {  	s8 =	sadd.s32 $0xFFFFE003, lr  }
0x1b: {  	s9 =	sadd.s32 $0xFFFFFEF7, lr;
	s5 =	simm.s32 $0xFFFFFFFF;
	p2 =	slt.u32 s8, $0xFFFFF086  }
0x1c: {  	p1 =	slt.u32 s9, $0xF7A;
	s5 =	simm.s32 @!p2 $0x0  }
0x1d: {  	s5 =	simm.s32 @p1 $0x1;
	p0 =	seq.s32 s7, s2  }
0x1e: {  	s7 =	smul.u32 @!p0 $0xF7A, s2;
	p2 =	seq.s32 @!p0 s5, $0x0  }
0x1f: {  	s9 =	smul.u32 $0xF7A, s1;
	s8 =	simm.s32 @!p0 $0x1BF5;
	p2 =	por !p2, p0  }
0x20: {  	[sflag:s8] =	ssyncset.s32 @!p0 $0xFFFFF086;
	s6 =	sadd.s32 @!p0 s3, s7;
	s7 =	simm.s32 @!p0 $0x108  }
0x21: {  	s3 =	sadd.s32 s3, s9;
	s6 =	sadd.s32 @!p0 $0x88, s6;
	s7 =	simm.s32 @p2 $0x1082  }
0x22: {  	[simem:s7], [sflag:s8] =	dma.local @!p0 [hbm:s6], $0xF7A  }
0x23: {  	s9 =	sor.u32 $0xD0000000, s2;
	s6 =	simm.s32 $0x108;
	_ =	swait.ge @!p0 [sflag:s8], $0x0  }
0x24: {  	s3 =	sadd.s32 $0x88, s3;
	s6 =	simm.s32 @!p1 $0x1082;
	[sflag:s4] =	ssyncset.s32 $0xFFFFF086  }
0x25: {  	[simem:s6], [sflag:s4] =	dma.local [hbm:s3], $0xF7A  }
0x26: {  	[smem:$0x3F8F] =	sst s1;
	(tag) =	ssettag s2;
	_ =	strace s9  }
0x27: {  	s1 =	sld [smem:$0x3F9F]  }
0x28: {  	s2 =	sld [smem:$0x3FA0]  }
0x29: {  	s4 =	sld [smem:$0x3FA2]  }
0x2a: {  	p0 =	seq.s32 s5, $0x0;
	s5 =	sld [smem:$0x3FA3]  }
0x2b: {  	s6 =	sld [smem:$0x3FA4]  }
0x2c: {  	s7 =	sld [smem:$0x3FA5]  }
0x2d: {  	s3 =	simm.s32 $0x108;
	s8 =	sld [smem:$0x3FA6]  }
0x2e: {  	s3 =	simm.s32 @!p0 $0x1082;
	s9 =	sld [smem:$0x3FA7]  }
0x2f: {  	lr =	sadd.s32 s0, s3;
	s0 =	sld [smem:$0x3F9E]  }
0x30: {  	s3 =	sld [smem:$0x3FA1]  }
0x31: {  	[smem:$0x3FAA] =	sst s10  }
0x32: {  	s10 =	sld [smem:$0x3FA8];
	_ =	sdelay $0x3  }
0x33: {  	p0 =	seq.s32 s10, $0x1;
	s10 =	sld [smem:$0x3FAA];
	_ =	sdelay $0x3  }
0x34: {  	[smem:$0x3FAA] =	sst s10  }
0x35: {  	s10 =	sld [smem:$0x3FA9];
	_ =	sdelay $0x3  }
0x36: {  	p1 =	seq.s32 s10, $0x1;
	s10 =	sld [smem:$0x3FAA];
	_ =	sdelay $0x3  }
0x37: {  	[smem:$0x3FAA] =	sst s10  }
0x38: {  	s10 =	sld [smem:$0x3FAB]  }
0x39: {  	_ = 	snop;
	(pc) =	sbr.ind lr, $3  }
0x3a: {  	_ = 	snop  }
0x3b: {  	_ = 	snop  }
0x3c: {  	p2 =	seq.s32 s10, $0x1;
	s10 =	sld [smem:$0x3FAA]  }
0x3d: {  	_ =	shalt  }
0x3e: {  	_ =	shalt  }
0x3f: {  	_ =	shalt  }
0x40: {  	_ =	shalt  }
0x41: {  	_ =	shalt  }
0x42: {  	_ =	shalt  }
0x43: {  	_ =	shalt  }
0x44: {  	_ =	shalt  }
0x45: {  	_ =	shalt  }
0x46: {  	_ =	shalt  }
0x47: {  	_ =	shalt  }
0x48: {  	_ =	shalt  }
0x49: {  	_ =	shalt  }
0x4a: {  	_ =	shalt  }
0x4b: {  	_ =	shalt  }
0x4c: {  	_ =	shalt  }
0x4d: {  	_ =	shalt  }
0x4e: {  	_ =	shalt  }
0x4f: {  	_ =	shalt  }
0x50: {  	_ =	shalt  }
0x51: {  	_ =	shalt  }
0x52: {  	_ =	shalt  }
0x53: {  	_ =	shalt  }
0x54: {  	_ =	shalt  }
0x55: {  	_ =	shalt  }
0x56: {  	_ =	shalt  }
0x57: {  	_ =	shalt  }
0x58: {  	_ =	shalt  }
0x59: {  	_ =	shalt  }
0x5a: {  	_ =	shalt  }
0x5b: {  	_ =	shalt  }
0x5c: {  	_ =	shalt  }
0x5d: {  	_ =	shalt  }
0x5e: {  	_ =	shalt  }
0x5f: {  	_ =	shalt  }
0x60: {  	_ =	shalt  }
0x61: {  	_ =	shalt  }
0x62: {  	_ =	shalt  }
0x63: {  	_ =	shalt  }
0x64: {  	_ =	shalt  }
0x65: {  	_ =	shalt  }
0x66: {  	_ =	shalt  }
0x67: {  	_ =	shalt  }
0x68: {  	_ =	shalt  }
0x69: {  	_ =	shalt  }
0x6a: {  	_ =	shalt  }
0x6b: {  	_ =	shalt  }
0x6c: {  	_ =	shalt  }
0x6d: {  	_ =	shalt  }
0x6e: {  	_ =	shalt  }
0x6f: {  	_ =	shalt  }
0x70: {  	_ =	shalt  }
0x71: {  	_ =	shalt  }
0x72: {  	_ =	shalt  }
0x73: {  	_ =	shalt  }
0x74: {  	_ =	shalt  }
0x75: {  	_ =	shalt  }
0x76: {  	_ =	shalt  }
0x77: {  	_ =	shalt  }
0x78: {  	_ =	shalt  }
0x79: {  	_ =	shalt  }
0x7a: {  	_ =	shalt  }
0x7b: {  	_ =	shalt  }
0x7c: {  	_ =	shalt  }
0x7d: {  	_ =	shalt  }
0x7e: {  	_ =	shalt  }
0x7f: {  	_ =	shalt  }
0x80: {  	_ =	shalt  }
0x81: {  	_ =	shalt  }
0x82: {  	_ =	shalt  }
0x83: {  	_ =	shalt  }
0x84: {  	_ =	shalt  }
0x85: {  	_ =	shalt  }
0x86: {  	_ =	shalt  }
0x87: {  	_ =	shalt  }
.Lfunc_end0:
.L_simem_size_0:
called_computation.3_lowered:
.L_overlay_start_0:
0x88: {  	s2 =	sld [smem:$0x3FD9]  }
0x89: {  	s3 =	sld [smem:$0x3FFE];
	_ =	sdelay $0x1  }
0x8a: {  	s1 =	srdreg.scid  }
0x8b: {  	s0 =	sand.u32 $0x1, s1  }
0x8c: {  	s16 =	sshll.u32 s0, $0xA;
	s2 =	sadd.s32 s3, s2  }
0x8d: {  	s2 =	sadd.s32 s2, s16  }
0x8e: {  	[smem:$0x3FB6] =	sst s2  }
0x8f: {  	_ = 	snop  }
0x90: {  	(tm) =	ssettm $0x1  }
0x91: {  	s17 =	sld [smem:$0x3FFB];
	_ =	sdelay $0x3  }
0x92: {  	_ =	strace s17  }
0x93: {  	s2 =	sld [smem:$0x3FFC];
	_ =	sdelay $0x3  }
0x94: {  	_ =	strace s2  }
0x95: {  	s2 =	sld [smem:$0x3FFD];
	_ =	sdelay $0x3  }
0x96: {  	_ =	strace s2  }
0x97: {  	_ =	strace $0x8FFFFFFF  }
0x98: {  	s18 =	sld [smem:$0x3FDB];
	_ =	sdelay $0x1  }
0x99: {  	s19 =	simm.s32 $_scs_section_size  }
0x9a: {  	s4 =	simm.s32 $_size__tile_overlayer_lowered;
	s5 =	simm.s32 $_tile_overlayer_lowered  }
0x9b: {  	s22 =	simm.s32 $0x1BFF;
	s21 =	sshll.u32 s5, $0x1;
	s2 =	sadd.s32 s19, s18  }
0x9c: {  	s6 =	simm.s32 $0x0;
	s20 =	sshll.u32 s4, $0x1;
	s4 =	sadd.s32 s21, s2  }
0x9d: {  	[timem:s6], [sflag:s22] =	dma.local [hbm:s4], s20  }
0x9e: {  	_ =	swait.ge [sflag:s22], s20  }
0x9f: {  	s3 =	ssub.s32 $0x0, s20;
	[sflag:s22] =	ssyncset.done $0x0  }
0xa0: {  	[sflag:s22] =	ssyncadd.s32 s3;
	_ =	sdelay $0x1  }
0xa1: {  	s23 =	simm.s32 $0x1B8B  }
0xa2: {  	_ =	swait.ge [sflag:s23], $0x1  }
0xa3: {  	[sflag:s23] =	ssyncset.done $0x0  }
0xa4: {  	s25 =	simm.s32 $0x1B8E;
	s24 =	sld [smem:$0x3FFE];
	[sflag:s23] =	ssyncadd.s32 $0xFFFFFFFF  }
0xa5: {  	s26 =	simm.s32 $execute0_lowered;
	[smem:$0x3FD2] =	sst s25  }
0xa6: {  	s4 =	sshll.u32 s26, $0x1;
	_ =	strace $0x8000004F;
	[dreg:$0x1] =	wrdreg $0xFFFFFFFF  }
0xa7: {  	s28 =	simm.s32 $_size_execute0_lowered;
	s2 =	sadd.s32 s2, s4;
	[dreg:$0x0] =	wrdreg $0x0  }
0xa8: {  	s4 =	sshll.u32 s28, $0x1;
	[dreg:$0x2] =	wrdreg s2  }
0xa9: {  	[dreg:$0x3] =	wrdreg s4  }
0xaa: {  	[dreg:$0x4] =	wrdreg $0xC0  }
0xab: {  	_ =	task [dreg:s6], $0x5FFFF  }
0xac: {  	[dreg:$0x1] =	wrdreg $0xFFFFFFFF  }
0xad: {  	[dreg:$0x0] =	wrdreg $0x60  }
0xae: {  	[dreg:$0x2] =	wrdreg s24  }
0xaf: {  	[dreg:$0x3] =	wrdreg $0x70000  }
0xb0: {  	[dreg:$0x4] =	wrdreg $0x9  }
0xb1: {  	_ =	task.clear_ibuf [dreg:s6], $0x5FFFF;
	_ =	strace $0x9000004F  }
0xb2: {  	s29 =	simm.s32 $0x9;
	_ =	strace $0x80000051  }
0xb3: {  	_ =	swait.ge [sflag:s29], $0x1  }
0xb4: {  	[sflag:s29] =	ssyncadd.s32 $0xFFFFFFFF  }
0xb5: {  	_ =	strace $0x90000051  }
0xb6: {  	_ =	sfence  }
0xb7: {  	s30 =	sld [smem:$0x0];
	_ =	sdelay $0x2  }
0xb8: {  	s31 =	sshll.u32 s1, $0xD;
	s1 =	sshrl.u32 s1, $0x2  }
0xb9: {  	s3 =	sand.u32 $0x4000, s31;
	s1 =	sadd.s32 s1, s30  }
0xba: {  	s0 =	sor.u32 s3, s0;
	s1 =	sshll.u32 s1, $0x11  }
0xbb: {  	s0 =	sor.u32 s1, s0  }
0xbc: {  	s0 =	sadd.s32 $0x8F2B, s0  }
0xbd: {  	[sflag:s0] =	ssyncadd.remote.s32 $0x1  }
0xbe: {  	_ =	sfence.sel $0xFFFF  }
0xbf: {  	[dreg:$0x0] =	wrdreg $0xFFFFFFFF;
	(pc) =	sbr.abs _section_cstart, $3  }
0xc0: {  	[dreg:$0x1] =	wrdreg $0xFFFFFFFF  }
0xc1: {  	_ =	task.clear_ibuf [dreg:s6], $0x2FFFF;
	_ =	strace $0x9FFFFFFF  }
0xc2: {  	(tm) =	ssettm $0x7FFFFFFF  }
0xc3: {  	_ =	shalt  }
tec
execute0_lowered:
.L_overlay_start_1:
0x0: {  	(tag) =	ssettag $0x1  }
0x1: {  	s6 =	rddreg [dreg:$0x0]  }
0x2: {  	s0 =	srdreg.scid;
	s2 =	rddreg [dreg:$0x1]  }
0x3: {  	s3 =	simm.s32 $0x0;
	s14 =	simm.s32 $0x80;
	s15 =	simm.s32 $0x5000  }
0x4: {  	s16 =	simm.s32 $0x6000;
	s17 =	simm.s32 $0x1;
	s18 =	simm.s32 $0x2  }
0x5: {  	s19 =	simm.s32 $0x4E00;
	s20 =	simm.s32 $0x2700;
	s21 =	simm.s32 $0x4E80  }
0x6: {  	s22 =	simm.s32 $0x2780;
	s23 =	simm.s32 $0x4F00;
	s24 =	simm.s32 $0x4F80  }
0x7: {  	s25 =	simm.s32 $0x0;
	s5 =	sand.u32 $0x1, s0;
	s0 =	stileid.u32  }
0x8: {  	[smem:$0x7FF] =	sst s3;
	s4 =	sadd.s32 $0x44600, s6;
	s8 =	smul.u32 $0x18700, s0  }
0x9: {  	s1 =	sshll.u32 s5, $0x4;
	s9 =	smul.u32 $0x187000, s5;
	s30 =	ssub.s32 $0x2, s5  }
0xa: {  	s5 =	sadd.s32 $0x10600, s6;
	s31 =	sshll.u32 s0, $0x6;
	s1 =	sor.u32 s0, s1  }
0xb: {  	s11 =	sshrl.u32 s30, $0x1;
	s7 =	smul.u32 $0x500, s1;
	s1 =	rddreg [dreg:$0x2]  }
0xc: {  	_ =	strace $0x80000050;
	s29 =	sadd.s32 s8, s9;
	s11 =	ssub.s32 s30, s11  }
0xd: {  	s13 =	sadd.s32 s8, s2;
	s10 =	sadd.s32 s7, s6;
	s7 =	sshrl.u32 s29, $0x3  }
0xe: {  	s12 =	sadd.s32 s7, s6;
	s6 =	sor.u32 $0x1C03, s31;
	s7 =	sadd.s32 $0x75400, s10  }
0xf: {  	s8 =	sadd.s32 $0x6600, s10;
	s10 =	smax.u32 s11, $0x1;
	s11 =	sshrl.u32 s13, $0x3  }
0x10: {  	s13 =	simm.s32 $0x2800;
	s9 =	sadd.s32 $0x7F400, s12;
	s12 =	simm.s32 $0x3  }
.LBB2_1:
0x11: {  	[spmem:s11], [sflag:s6] =	dma.local [hbm:s5], $0x30E0  }
0x12: {  	_ =	swait.ge [sflag:s12], $0x30E0  }
0x13: {  	[sflag:s12] =	ssyncset.done $0x0  }
0x14: {  	[sflag:s12] =	ssyncadd.s32 $0xFFFFCF20  }
0x15: {  	[bflag:$0x0] =	sbarrier.arrive $0xFFFF  }
0x16: {  	[tilespmem:s3], [sflag:$0x3] =	stream.linear.gather [hbm4b:s7+s3], $0x2800, $0x38;
	[tilespmem:$0x1F700] =	vst v63  }
0x17: {  	_ =	swait.ge [sflag:s12], $0x2800  }
0x18: {  	[sflag:s12] =	ssyncset.done $0x0  }
0x19: {  	[sflag:s12] =	ssyncadd.s32 $0xFFFFD800  }
0x1a: {  	[tilespmem:s13], [sflag:$0x3] =	stream.linear.gather [hbm4b:s8+s3], $0x2800, $0x38;
	[tilespmem:$0x1F700] =	vst v63  }
0x1b: {  	_ =	swait.ge [sflag:s12], $0x2800  }
0x1c: {  	[sflag:s12] =	ssyncset.done $0x0  }
0x1d: {  	[sflag:s12] =	ssyncadd.s32 $0xFFFFD800  }
0x1e: {  	[tilespmem:s15], [sflag:$0x1] =	stream.indirect.gather [hbm4b:s4+s14], $0x20, s3, s14, $0xb8;
	[tilespmem:$0x1F700] =	vst v63  }
0x1f: {  	_ = 	snop  }
0x20: {  	[tilespmem:s16], [sflag:$0x2] =	stream.indirect.gather [hbm4b:s4+s14], $0x20, s14, s14, $0xb8;
	[tilespmem:$0x1F700] =	vst v63  }
0x21: {  	_ =	swait.ge [sflag:s17], $0x1000  }
0x22: {  	[sflag:s17] =	ssyncset.done $0x0  }
0x23: {  	s26 =	simm.s32 $0x2800;
	[sflag:s17] =	ssyncadd.s32 $0xFFFFF000  }
0x24: {  	[spmem:s2] =	stream.indirect.scatter.add.f32 [tilespmem:s15], [sflag:$0x3], $0x20, s26, s14, $0xb8;
	[tilespmem:$0x1F700] =	vst v63  }
0x25: {  	_ =	swait.ge [sflag:s12], $0x1000  }
0x26: {  	[sflag:s12] =	ssyncset.done $0x0  }
0x27: {  	s30 =	simm.s32 $0x100;
	[sflag:s12] =	ssyncadd.s32 $0xFFFFF000  }
0x28: {  	[tilespmem:s15], [sflag:$0x1] =	stream.indirect.gather [hbm4b:s4+s14], $0x20, s30, s14, $0xb8;
	[tilespmem:$0x1F700] =	vst v63  }
0x29: {  	_ =	swait.ge [sflag:s18], $0x1000  }
0x2a: {  	[sflag:s18] =	ssyncset.done $0x0  }
0x2b: {  	s31 =	simm.s32 $0x2880;
	[sflag:s18] =	ssyncadd.s32 $0xFFFFF000  }
0x2c: {  	[spmem:s2] =	stream.indirect.scatter.add.f32 [tilespmem:s16], [sflag:$0x3], $0x20, s31, s14, $0xb8;
	[tilespmem:$0x1F700] =	vst v63  }
0x2d: {  	_ =	swait.ge [sflag:s12], $0x1000  }
0x2e: {  	[sflag:s12] =	ssyncset.done $0x0  }
0x2f: {  	s28 =	simm.s32 $0x180;
	s26 =	simm.s32 $0x400;
	[sflag:s12] =	ssyncadd.s32 $0xFFFFF000  }
.LBB2_2:
0x30: {  	[tilespmem:s16], [sflag:$0x2] =	stream.indirect.gather [hbm4b:s4+s14], $0x20, s28, s14, $0xb8;
	[tilespmem:$0x1F700] =	vst v63  }
0x31: {  	s28 =	smov.u32 s26  }
0x32: {  	p0 =	sne.s32 s26, $0x9400;
	s26 =	sadd.s32 $0x400, s26;
	_ =	swait.ge [sflag:s17], $0x1000  }
0x33: {  	s28 =	sshra.s32 s28, $0x2;
	[sflag:s17] =	ssyncset.done $0x0  }
0x34: {  	s29 =	sadd.s32 $0x2800, s28;
	[sflag:s17] =	ssyncadd.s32 $0xFFFFF000  }
0x35: {  	[spmem:s2] =	stream.indirect.scatter.add.f32 [tilespmem:s15], [sflag:$0x3], $0x20, s29, s14, $0xb8;
	[tilespmem:$0x1F700] =	vst v63  }
0x36: {  	_ =	swait.ge [sflag:s12], $0x1000  }
0x37: {  	[sflag:s12] =	ssyncset.done $0x0  }
0x38: {  	s29 =	sadd.s32 $0x100, s28;
	[sflag:s12] =	ssyncadd.s32 $0xFFFFF000  }
0x39: {  	[tilespmem:s15], [sflag:$0x1] =	stream.indirect.gather [hbm4b:s4+s14], $0x20, s29, s14, $0xb8;
	[tilespmem:$0x1F700] =	vst v63  }
0x3a: {  	_ =	swait.ge [sflag:s18], $0x1000  }
0x3b: {  	[sflag:s18] =	ssyncset.done $0x0  }
.Ltmp0:
0x3c: {  	s29 =	sadd.s32 $0x2880, s28;
	[sflag:s18] =	ssyncadd.s32 $0xFFFFF000;
	(pc) =	sbr.rel @p0 .LBB2_2-.Ltmp0, $4  }
0x3d: {  	[spmem:s2] =	stream.indirect.scatter.add.f32 [tilespmem:s16], [sflag:$0x3], $0x20, s29, s14, $0xb8;
	[tilespmem:$0x1F700] =	vst v63  }
0x3e: {  	_ =	swait.ge [sflag:s12], $0x1000  }
0x3f: {  	[sflag:s12] =	ssyncset.done $0x0  }
0x40: {  	s28 =	sadd.s32 $0x180, s28;
	[sflag:s12] =	ssyncadd.s32 $0xFFFFF000  }
0x41: {  	[tilespmem:s16], [sflag:$0x2] =	stream.indirect.gather [hbm4b:s4+s14], $0x20, s28, s14, $0xb8;
	[tilespmem:$0x1F700] =	vst v63  }
0x42: {  	_ =	swait.ge [sflag:s17], $0x1000  }
0x43: {  	[sflag:s17] =	ssyncset.done $0x0  }
0x44: {  	[sflag:s17] =	ssyncadd.s32 $0xFFFFF000  }
0x45: {  	[spmem:s2] =	stream.indirect.scatter.add.f32 [tilespmem:s15], [sflag:$0x3], $0x20, s19, s14, $0xb8;
	[tilespmem:$0x1F700] =	vst v63  }
0x46: {  	_ =	swait.ge [sflag:s12], $0x1000  }
0x47: {  	[sflag:s12] =	ssyncset.done $0x0  }
0x48: {  	[sflag:s12] =	ssyncadd.s32 $0xFFFFF000  }
0x49: {  	[tilespmem:s15], [sflag:$0x1] =	stream.indirect.gather [hbm4b:s4+s14], $0x20, s20, s14, $0xb8;
	[tilespmem:$0x1F700] =	vst v63  }
0x4a: {  	_ =	swait.ge [sflag:s18], $0x1000  }
0x4b: {  	[sflag:s18] =	ssyncset.done $0x0  }
0x4c: {  	[sflag:s18] =	ssyncadd.s32 $0xFFFFF000  }
0x4d: {  	[spmem:s2] =	stream.indirect.scatter.add.f32 [tilespmem:s16], [sflag:$0x3], $0x20, s21, s14, $0xb8;
	[tilespmem:$0x1F700] =	vst v63  }
0x4e: {  	_ =	swait.ge [sflag:s12], $0x1000  }
0x4f: {  	[sflag:s12] =	ssyncset.done $0x0  }
0x50: {  	[sflag:s12] =	ssyncadd.s32 $0xFFFFF000  }
0x51: {  	[tilespmem:s16], [sflag:$0x2] =	stream.indirect.gather [hbm4b:s4+s14], $0x20, s22, s14, $0xb8;
	[tilespmem:$0x1F700] =	vst v63  }
0x52: {  	_ =	swait.ge [sflag:s17], $0x1000  }
0x53: {  	[sflag:s17] =	ssyncset.done $0x0  }
0x54: {  	[sflag:s17] =	ssyncadd.s32 $0xFFFFF000  }
0x55: {  	[spmem:s2] =	stream.indirect.scatter.add.f32 [tilespmem:s15], [sflag:$0x3], $0x20, s23, s14, $0xb8;
	[tilespmem:$0x1F700] =	vst v63  }
0x56: {  	_ =	swait.ge [sflag:s12], $0x1000  }
0x57: {  	[sflag:s12] =	ssyncset.done $0x0  }
0x58: {  	[sflag:s12] =	ssyncadd.s32 $0xFFFFF000  }
0x59: {  	[tilespmem:s15], [sflag:$0x1] =	stream.indirect.gather [hbm4b:s4+s14], $0x20, s22, s14, $0xb8;
	[tilespmem:$0x1F700] =	vst v63  }
0x5a: {  	_ =	swait.ge [sflag:s18], $0x1000  }
0x5b: {  	[sflag:s18] =	ssyncset.done $0x0  }
0x5c: {  	[sflag:s18] =	ssyncadd.s32 $0xFFFFF000  }
0x5d: {  	[spmem:s2] =	stream.indirect.scatter.add.f32 [tilespmem:s16], [sflag:$0x3], $0x20, s24, s14, $0xb8;
	[tilespmem:$0x1F700] =	vst v63  }
0x5e: {  	_ =	swait.ge [sflag:s12], $0x1000  }
0x5f: {  	[sflag:s12] =	ssyncset.done $0x0  }
0x60: {  	[sflag:s12] =	ssyncadd.s32 $0xFFFFF000  }
0x61: {  	[tilespmem:s16], [sflag:$0x2] =	stream.indirect.gather [hbm4b:s4+s14], $0x20, s22, s14, $0xb8;
	[tilespmem:$0x1F700] =	vst v63  }
0x62: {  	_ =	swait.ge [sflag:s17], $0x1000  }
0x63: {  	[sflag:s17] =	ssyncset.done $0x0  }
0x64: {  	[sflag:s17] =	ssyncadd.s32 $0xFFFFF000  }
0x65: {  	_ =	swait.ge [sflag:s18], $0x1000  }
0x66: {  	s25 =	sadd.s32 $0x1, s25;
	[sflag:s18] =	ssyncset.done $0x0  }
0x67: {  	p0 =	sne.s32 s25, s10;
	[sflag:s18] =	ssyncadd.s32 $0xFFFFF000  }
.Ltmp1:
0x68: {  	[bflag:$0x0] =	sbarrier.arrive $0xFFFF;
	(pc) =	sbr.rel @p0 .LBB2_1-.Ltmp1, $4  }
0x69: {  	[hbm:s9], [sflag:s6] =	dma.local [spmem:s11], $0x30E0  }
0x6a: {  	_ =	swait.ge [sflag:s12], $0x30E0  }
0x6b: {  	[sflag:s12] =	ssyncset.done $0x0  }
0x6c: {  	[sflag:s12] =	ssyncadd.s32 $0xFFFFCF20  }
0x6d: {  	_ =	sfence.sel $0x180000  }
0x6e: {  	[bflag:$0x0] =	sbarrier.arrive $0xFFFF  }
0x6f: {  	p0 =	sne.s32 s0, $0x0;
	_ =	strace $0x90000050  }
0x70: {  	s0 =	sadd.s32 @!p0 $0x100000, s1;
	[bflag:$0x2] =	sbarrier.arrive $0xFFFF  }
0x71: {  	[sflag:s0] =	ssyncadd.tile.s32 @!p0 $0x1;
	_ =	shalt  }
.Lfunc_end2:
_tile_overlayer_lowered:
.L_overlay_start_2:
0x72: {  	(tag) =	ssettag $0x2  }
0x73: {  	s0 =	rddreg [dreg:$0x0];
	s2 =	stileid.u32  }
0x74: {  	s1 =	rddreg [dreg:$0x1];
	p0 =	sne.s32 s2, $0x0  }
0x75: {  	s3 =	rddreg [dreg:$0x2];
	[bflag:$0x3] =	sbarrier.arrive $0xFFFF;
	s2 =	simm.s32 @!p0 $0x1C03  }
0x76: {  	[timem:s3], [sflag:s2] =	dma.local @!p0 [hbm:s0], s1  }
0x77: {  	s0 =	simm.s32 @!p0 $0x3  }
0x78: {  	_ =	swait.ge @!p0 [sflag:s0], s1  }
0x79: {  	s1 =	ssub.s32 @!p0 $0x0, s1;
	[sflag:s0] =	ssyncset.done @!p0 $0x0  }
0x7a: {  	[sflag:s0] =	ssyncadd.s32 @!p0 s1  }
0x7b: {  	[bflag:$0x3] =	sbarrier.arrive $0xFFFF  }
0x7c: {  	_ =	shalt  }

// kernel: kernel.26.cloned.1.call-start
scs
__scs_entry_jumppad:
0x0: {  	(pc) =	sbr.rel $0x88, $3  }
0x1: {  	(tag) =	ssettag $0x0;
	lr =	simm.s32 $0x1  }
0x2: {  	[smem:$0x3F8F] =	sst lr;
	_ =	strace $0xD0000000  }
0x3: {  	_ = 	snop  }
0x4: {  	_ = 	snop  }
0x5: {  	_ = 	snop  }
0x6: {  	_ = 	snop  }
0x7: {  	_ = 	snop  }
__scs_overlays_trampoline_lowered:
0x8: {  	[smem:$0x3F9E] =	sst s0  }
0x9: {  	[smem:$0x3F9F] =	sst s1  }
0xa: {  	[smem:$0x3FA0] =	sst s2  }
0xb: {  	[smem:$0x3FA1] =	sst s3  }
0xc: {  	[smem:$0x3FA2] =	sst s4  }
0xd: {  	[smem:$0x3FA3] =	sst s5  }
0xe: {  	[smem:$0x3FA4] =	sst s6  }
0xf: {  	[smem:$0x3FA5] =	sst s7  }
0x10: {  	[smem:$0x3FA6] =	sst s8  }
0x11: {  	[smem:$0x3FA7] =	sst s9;
	s0 =	simm.s32 @!p0 $0x0  }
0x12: {  	s1 =	sld [smem:$0x3F8D];
	s0 =	simm.s32 @p0 $0x1  }
0x13: {  	[smem:$0x3FA8] =	sst s0;
	s0 =	simm.s32 @!p1 $0x0  }
0x14: {  	s2 =	sld [smem:$0x3F8C];
	s0 =	simm.s32 @p1 $0x1  }
0x15: {  	[smem:$0x3FA9] =	sst s0;
	s0 =	simm.s32 @!p2 $0x0  }
0x16: {  	s3 =	sld [smem:$0x3FDB];
	s0 =	simm.s32 @p2 $0x1  }
0x17: {  	s4 =	simm.s32 $0x1BF5;
	[smem:$0x3FAB] =	sst s0  }
0x18: {  	s0 =	sld [smem:$0x3F8E];
	_ =	swait.ge [sflag:s4], $0x0  }
0x19: {  	s7 =	sld [smem:$0x3F8F]  }
0x1a: {  	s8 =	sadd.s32 $0xFFFFE003, lr  }
0x1b: {  	s9 =	sadd.s32 $0xFFFFFEF7, lr;
	s5 =	simm.s32 $0xFFFFFFFF;
	p2 =	slt.u32 s8, $0xFFFFF086  }
0x1c: {  	p1 =	slt.u32 s9, $0xF7A;
	s5 =	simm.s32 @!p2 $0x0  }
0x1d: {  	s5 =	simm.s32 @p1 $0x1;
	p0 =	seq.s32 s7, s2  }
0x1e: {  	s7 =	smul.u32 @!p0 $0xF7A, s2;
	p2 =	seq.s32 @!p0 s5, $0x0  }
0x1f: {  	s9 =	smul.u32 $0xF7A, s1;
	s8 =	simm.s32 @!p0 $0x1BF5;
	p2 =	por !p2, p0  }
0x20: {  	[sflag:s8] =	ssyncset.s32 @!p0 $0xFFFFF086;
	s6 =	sadd.s32 @!p0 s3, s7;
	s7 =	simm.s32 @!p0 $0x108  }
0x21: {  	s3 =	sadd.s32 s3, s9;
	s6 =	sadd.s32 @!p0 $0x88, s6;
	s7 =	simm.s32 @p2 $0x1082  }
0x22: {  	[simem:s7], [sflag:s8] =	dma.local @!p0 [hbm:s6], $0xF7A  }
0x23: {  	s9 =	sor.u32 $0xD0000000, s2;
	s6 =	simm.s32 $0x108;
	_ =	swait.ge @!p0 [sflag:s8], $0x0  }
0x24: {  	s3 =	sadd.s32 $0x88, s3;
	s6 =	simm.s32 @!p1 $0x1082;
	[sflag:s4] =	ssyncset.s32 $0xFFFFF086  }
0x25: {  	[simem:s6], [sflag:s4] =	dma.local [hbm:s3], $0xF7A  }
0x26: {  	[smem:$0x3F8F] =	sst s1;
	(tag) =	ssettag s2;
	_ =	strace s9  }
0x27: {  	s1 =	sld [smem:$0x3F9F]  }
0x28: {  	s2 =	sld [smem:$0x3FA0]  }
0x29: {  	s4 =	sld [smem:$0x3FA2]  }
0x2a: {  	p0 =	seq.s32 s5, $0x0;
	s5 =	sld [smem:$0x3FA3]  }
0x2b: {  	s6 =	sld [smem:$0x3FA4]  }
0x2c: {  	s7 =	sld [smem:$0x3FA5]  }
0x2d: {  	s3 =	simm.s32 $0x108;
	s8 =	sld [smem:$0x3FA6]  }
0x2e: {  	s3 =	simm.s32 @!p0 $0x1082;
	s9 =	sld [smem:$0x3FA7]  }
0x2f: {  	lr =	sadd.s32 s0, s3;
	s0 =	sld [smem:$0x3F9E]  }
0x30: {  	s3 =	sld [smem:$0x3FA1]  }
0x31: {  	[smem:$0x3FAA] =	sst s10  }
0x32: {  	s10 =	sld [smem:$0x3FA8];
	_ =	sdelay $0x3  }
0x33: {  	p0 =	seq.s32 s10, $0x1;
	s10 =	sld [smem:$0x3FAA];
	_ =	sdelay $0x3  }
0x34: {  	[smem:$0x3FAA] =	sst s10  }
0x35: {  	s10 =	sld [smem:$0x3FA9];
	_ =	sdelay $0x3  }
0x36: {  	p1 =	seq.s32 s10, $0x1;
	s10 =	sld [smem:$0x3FAA];
	_ =	sdelay $0x3  }
0x37: {  	[smem:$0x3FAA] =	sst s10  }
0x38: {  	s10 =	sld [smem:$0x3FAB]  }
0x39: {  	_ = 	snop;
	(pc) =	sbr.ind lr, $3  }
0x3a: {  	_ = 	snop  }
0x3b: {  	_ = 	snop  }
0x3c: {  	p2 =	seq.s32 s10, $0x1;
	s10 =	sld [smem:$0x3FAA]  }
0x3d: {  	_ =	shalt  }
0x3e: {  	_ =	shalt  }
0x3f: {  	_ =	shalt  }
0x40: {  	_ =	shalt  }
0x41: {  	_ =	shalt  }
0x42: {  	_ =	shalt  }
0x43: {  	_ =	shalt  }
0x44: {  	_ =	shalt  }
0x45: {  	_ =	shalt  }
0x46: {  	_ =	shalt  }
0x47: {  	_ =	shalt  }
0x48: {  	_ =	shalt  }
0x49: {  	_ =	shalt  }
0x4a: {  	_ =	shalt  }
0x4b: {  	_ =	shalt  }
0x4c: {  	_ =	shalt  }
0x4d: {  	_ =	shalt  }
0x4e: {  	_ =	shalt  }
0x4f: {  	_ =	shalt  }
0x50: {  	_ =	shalt  }
0x51: {  	_ =	shalt  }
0x52: {  	_ =	shalt  }
0x53: {  	_ =	shalt  }
0x54: {  	_ =	shalt  }
0x55: {  	_ =	shalt  }
0x56: {  	_ =	shalt  }
0x57: {  	_ =	shalt  }
0x58: {  	_ =	shalt  }
0x59: {  	_ =	shalt  }
0x5a: {  	_ =	shalt  }
0x5b: {  	_ =	shalt  }
0x5c: {  	_ =	shalt  }
0x5d: {  	_ =	shalt  }
0x5e: {  	_ =	shalt  }
0x5f: {  	_ =	shalt  }
0x60: {  	_ =	shalt  }
0x61: {  	_ =	shalt  }
0x62: {  	_ =	shalt  }
0x63: {  	_ =	shalt  }
0x64: {  	_ =	shalt  }
0x65: {  	_ =	shalt  }
0x66: {  	_ =	shalt  }
0x67: {  	_ =	shalt  }
0x68: {  	_ =	shalt  }
0x69: {  	_ =	shalt  }
0x6a: {  	_ =	shalt  }
0x6b: {  	_ =	shalt  }
0x6c: {  	_ =	shalt  }
0x6d: {  	_ =	shalt  }
0x6e: {  	_ =	shalt  }
0x6f: {  	_ =	shalt  }
0x70: {  	_ =	shalt  }
0x71: {  	_ =	shalt  }
0x72: {  	_ =	shalt  }
0x73: {  	_ =	shalt  }
0x74: {  	_ =	shalt  }
0x75: {  	_ =	shalt  }
0x76: {  	_ =	shalt  }
0x77: {  	_ =	shalt  }
0x78: {  	_ =	shalt  }
0x79: {  	_ =	shalt  }
0x7a: {  	_ =	shalt  }
0x7b: {  	_ =	shalt  }
0x7c: {  	_ =	shalt  }
0x7d: {  	_ =	shalt  }
0x7e: {  	_ =	shalt  }
0x7f: {  	_ =	shalt  }
0x80: {  	_ =	shalt  }
0x81: {  	_ =	shalt  }
0x82: {  	_ =	shalt  }
0x83: {  	_ =	shalt  }
0x84: {  	_ =	shalt  }
0x85: {  	_ =	shalt  }
0x86: {  	_ =	shalt  }
0x87: {  	_ =	shalt  }
.Lfunc_end0:
.L_simem_size_0:
called_computation.4_lowered:
.L_overlay_start_0:
0x88: {  	s2 =	sld [smem:$0x3FD9]  }
0x89: {  	s3 =	sld [smem:$0x3FFE];
	_ =	sdelay $0x1  }
0x8a: {  	s1 =	srdreg.scid  }
0x8b: {  	s0 =	sand.u32 $0x1, s1  }
0x8c: {  	s16 =	sshll.u32 s0, $0xA;
	s2 =	sadd.s32 s3, s2  }
0x8d: {  	s2 =	sadd.s32 s2, s16  }
0x8e: {  	[smem:$0x3FB6] =	sst s2  }
0x8f: {  	_ = 	snop  }
0x90: {  	(tm) =	ssettm $0x1  }
0x91: {  	s17 =	sld [smem:$0x3FFB];
	_ =	sdelay $0x3  }
0x92: {  	_ =	strace s17  }
0x93: {  	s2 =	sld [smem:$0x3FFC];
	_ =	sdelay $0x3  }
0x94: {  	_ =	strace s2  }
0x95: {  	s2 =	sld [smem:$0x3FFD];
	_ =	sdelay $0x3  }
0x96: {  	_ =	strace s2  }
0x97: {  	_ =	strace $0x8FFFFFFF  }
0x98: {  	s18 =	sld [smem:$0x3FDB];
	_ =	sdelay $0x1  }
0x99: {  	s19 =	simm.s32 $_scs_section_size  }
0x9a: {  	s4 =	simm.s32 $_size__tile_overlayer_lowered;
	s5 =	simm.s32 $_tile_overlayer_lowered  }
0x9b: {  	s22 =	simm.s32 $0x1BFF;
	s21 =	sshll.u32 s5, $0x1;
	s2 =	sadd.s32 s19, s18  }
0x9c: {  	s6 =	simm.s32 $0x0;
	s20 =	sshll.u32 s4, $0x1;
	s4 =	sadd.s32 s21, s2  }
0x9d: {  	[timem:s6], [sflag:s22] =	dma.local [hbm:s4], s20  }
0x9e: {  	_ =	swait.ge [sflag:s22], s20  }
0x9f: {  	s3 =	ssub.s32 $0x0, s20;
	[sflag:s22] =	ssyncset.done $0x0  }
0xa0: {  	[sflag:s22] =	ssyncadd.s32 s3;
	_ =	sdelay $0x1  }
0xa1: {  	s23 =	simm.s32 $0x1B8B  }
0xa2: {  	_ =	swait.ge [sflag:s23], $0x1  }
0xa3: {  	[sflag:s23] =	ssyncset.done $0x0  }
0xa4: {  	s25 =	simm.s32 $0x1B8E;
	s24 =	sld [smem:$0x3FFE];
	[sflag:s23] =	ssyncadd.s32 $0xFFFFFFFF  }
0xa5: {  	s26 =	simm.s32 $execute0_lowered;
	[smem:$0x3FD2] =	sst s25  }
0xa6: {  	s4 =	sshll.u32 s26, $0x1;
	_ =	strace $0x80000052;
	[dreg:$0x1] =	wrdreg $0xFFFFFFFF  }
0xa7: {  	s28 =	simm.s32 $_size_execute0_lowered;
	s2 =	sadd.s32 s2, s4;
	[dreg:$0x0] =	wrdreg $0x0  }
0xa8: {  	s4 =	sshll.u32 s28, $0x1;
	[dreg:$0x2] =	wrdreg s2  }
0xa9: {  	[dreg:$0x3] =	wrdreg s4  }
0xaa: {  	[dreg:$0x4] =	wrdreg $0xC0  }
0xab: {  	_ =	task [dreg:s6], $0x5FFFF  }
0xac: {  	[dreg:$0x1] =	wrdreg $0xFFFFFFFF  }
0xad: {  	[dreg:$0x0] =	wrdreg $0x60  }
0xae: {  	[dreg:$0x2] =	wrdreg s24  }
0xaf: {  	[dreg:$0x3] =	wrdreg $0x70000  }
0xb0: {  	[dreg:$0x4] =	wrdreg $0x9  }
0xb1: {  	_ =	task.clear_ibuf [dreg:s6], $0x5FFFF;
	_ =	strace $0x90000052  }
0xb2: {  	s29 =	simm.s32 $0x9;
	_ =	strace $0x80000054  }
0xb3: {  	_ =	swait.ge [sflag:s29], $0x1  }
0xb4: {  	[sflag:s29] =	ssyncadd.s32 $0xFFFFFFFF  }
0xb5: {  	_ =	strace $0x90000054  }
0xb6: {  	_ =	sfence  }
0xb7: {  	s30 =	sld [smem:$0x0];
	_ =	sdelay $0x2  }
0xb8: {  	s31 =	sshll.u32 s1, $0xD;
	s1 =	sshrl.u32 s1, $0x2  }
0xb9: {  	s3 =	sand.u32 $0x4000, s31;
	s1 =	sadd.s32 s1, s30  }
0xba: {  	s0 =	sor.u32 s3, s0;
	s1 =	sshll.u32 s1, $0x11  }
0xbb: {  	s0 =	sor.u32 s1, s0  }
0xbc: {  	s0 =	sadd.s32 $0x8F2B, s0  }
0xbd: {  	[sflag:s0] =	ssyncadd.remote.s32 $0x1  }
0xbe: {  	_ =	sfence.sel $0xFFFF  }
0xbf: {  	[dreg:$0x0] =	wrdreg $0xFFFFFFFF;
	(pc) =	sbr.abs _section_cstart, $3  }
0xc0: {  	[dreg:$0x1] =	wrdreg $0xFFFFFFFF  }
0xc1: {  	_ =	task.clear_ibuf [dreg:s6], $0x2FFFF;
	_ =	strace $0x9FFFFFFF  }
0xc2: {  	(tm) =	ssettm $0x7FFFFFFF  }
0xc3: {  	_ =	shalt  }
tec
execute0_lowered:
.L_overlay_start_1:
0x0: {  	(tag) =	ssettag $0x1  }
0x1: {  	s6 =	rddreg [dreg:$0x0]  }
0x2: {  	s0 =	srdreg.scid;
	s2 =	rddreg [dreg:$0x1]  }
0x3: {  	s3 =	simm.s32 $0x0;
	s14 =	simm.s32 $0x80;
	s15 =	simm.s32 $0x5000  }
0x4: {  	s16 =	simm.s32 $0x6000;
	s17 =	simm.s32 $0x1;
	s18 =	simm.s32 $0x2  }
0x5: {  	s19 =	simm.s32 $0x4E00;
	s20 =	simm.s32 $0x2700;
	s21 =	simm.s32 $0x4E80  }
0x6: {  	s22 =	simm.s32 $0x2780;
	s23 =	simm.s32 $0x4F00;
	s24 =	simm.s32 $0x4F80  }
0x7: {  	s25 =	simm.s32 $0x0;
	s5 =	sand.u32 $0x1, s0;
	s0 =	stileid.u32  }
0x8: {  	[smem:$0x7FF] =	sst s3;
	s4 =	sadd.s32 $0x44600, s6;
	s8 =	smul.u32 $0x18700, s0  }
0x9: {  	s1 =	sshll.u32 s5, $0x4;
	s9 =	smul.u32 $0x187000, s5;
	s30 =	ssub.s32 $0x2, s5  }
0xa: {  	s5 =	sadd.s32 $0x10600, s6;
	s31 =	sshll.u32 s0, $0x6;
	s1 =	sor.u32 s0, s1  }
0xb: {  	s11 =	sshrl.u32 s30, $0x1;
	s7 =	smul.u32 $0x500, s1;
	s1 =	rddreg [dreg:$0x2]  }
0xc: {  	_ =	strace $0x80000053;
	s29 =	sadd.s32 s8, s9;
	s11 =	ssub.s32 s30, s11  }
0xd: {  	s13 =	sadd.s32 s8, s2;
	s10 =	sadd.s32 s7, s6;
	s7 =	sshrl.u32 s29, $0x3  }
0xe: {  	s12 =	sadd.s32 s7, s6;
	s6 =	sor.u32 $0x1C03, s31;
	s7 =	sadd.s32 $0x75400, s10  }
0xf: {  	s8 =	sadd.s32 $0x6600, s10;
	s10 =	smax.u32 s11, $0x1;
	s11 =	sshrl.u32 s13, $0x3  }
0x10: {  	s13 =	simm.s32 $0x2800;
	s9 =	sadd.s32 $0x7F400, s12;
	s12 =	simm.s32 $0x3  }
.LBB2_1:
0x11: {  	[spmem:s11], [sflag:s6] =	dma.local [hbm:s5], $0x30E0  }
0x12: {  	_ =	swait.ge [sflag:s12], $0x30E0  }
0x13: {  	[sflag:s12] =	ssyncset.done $0x0  }
0x14: {  	[sflag:s12] =	ssyncadd.s32 $0xFFFFCF20  }
0x15: {  	[bflag:$0x0] =	sbarrier.arrive $0xFFFF  }
0x16: {  	[tilespmem:s3], [sflag:$0x3] =	stream.linear.gather [hbm4b:s7+s3], $0x2800, $0x38;
	[tilespmem:$0x1F700] =	vst v63  }
0x17: {  	_ =	swait.ge [sflag:s12], $0x2800  }
0x18: {  	[sflag:s12] =	ssyncset.done $0x0  }
0x19: {  	[sflag:s12] =	ssyncadd.s32 $0xFFFFD800  }
0x1a: {  	[tilespmem:s13], [sflag:$0x3] =	stream.linear.gather [hbm4b:s8+s3], $0x2800, $0x38;
	[tilespmem:$0x1F700] =	vst v63  }
0x1b: {  	_ =	swait.ge [sflag:s12], $0x2800  }
0x1c: {  	[sflag:s12] =	ssyncset.done $0x0  }
0x1d: {  	[sflag:s12] =	ssyncadd.s32 $0xFFFFD800  }
0x1e: {  	[tilespmem:s15], [sflag:$0x1] =	stream.indirect.gather [hbm4b:s4+s14], $0x20, s3, s14, $0xb8;
	[tilespmem:$0x1F700] =	vst v63  }
0x1f: {  	_ = 	snop  }
0x20: {  	[tilespmem:s16], [sflag:$0x2] =	stream.indirect.gather [hbm4b:s4+s14], $0x20, s14, s14, $0xb8;
	[tilespmem:$0x1F700] =	vst v63  }
0x21: {  	_ =	swait.ge [sflag:s17], $0x1000  }
0x22: {  	[sflag:s17] =	ssyncset.done $0x0  }
0x23: {  	s26 =	simm.s32 $0x2800;
	[sflag:s17] =	ssyncadd.s32 $0xFFFFF000  }
0x24: {  	[spmem:s2] =	stream.indirect.scatter.add.f32 [tilespmem:s15], [sflag:$0x3], $0x20, s26, s14, $0xb8;
	[tilespmem:$0x1F700] =	vst v63  }
0x25: {  	_ =	swait.ge [sflag:s12], $0x1000  }
0x26: {  	[sflag:s12] =	ssyncset.done $0x0  }
0x27: {  	s30 =	simm.s32 $0x100;
	[sflag:s12] =	ssyncadd.s32 $0xFFFFF000  }
0x28: {  	[tilespmem:s15], [sflag:$0x1] =	stream.indirect.gather [hbm4b:s4+s14], $0x20, s30, s14, $0xb8;
	[tilespmem:$0x1F700] =	vst v63  }
0x29: {  	_ =	swait.ge [sflag:s18], $0x1000  }
0x2a: {  	[sflag:s18] =	ssyncset.done $0x0  }
0x2b: {  	s31 =	simm.s32 $0x2880;
	[sflag:s18] =	ssyncadd.s32 $0xFFFFF000  }
0x2c: {  	[spmem:s2] =	stream.indirect.scatter.add.f32 [tilespmem:s16], [sflag:$0x3], $0x20, s31, s14, $0xb8;
	[tilespmem:$0x1F700] =	vst v63  }
0x2d: {  	_ =	swait.ge [sflag:s12], $0x1000  }
0x2e: {  	[sflag:s12] =	ssyncset.done $0x0  }
0x2f: {  	s28 =	simm.s32 $0x180;
	s26 =	simm.s32 $0x400;
	[sflag:s12] =	ssyncadd.s32 $0xFFFFF000  }
.LBB2_2:
0x30: {  	[tilespmem:s16], [sflag:$0x2] =	stream.indirect.gather [hbm4b:s4+s14], $0x20, s28, s14, $0xb8;
	[tilespmem:$0x1F700] =	vst v63  }
0x31: {  	s28 =	smov.u32 s26  }
0x32: {  	p0 =	sne.s32 s26, $0x9400;
	s26 =	sadd.s32 $0x400, s26;
	_ =	swait.ge [sflag:s17], $0x1000  }
0x33: {  	s28 =	sshra.s32 s28, $0x2;
	[sflag:s17] =	ssyncset.done $0x0  }
0x34: {  	s29 =	sadd.s32 $0x2800, s28;
	[sflag:s17] =	ssyncadd.s32 $0xFFFFF000  }
0x35: {  	[spmem:s2] =	stream.indirect.scatter.add.f32 [tilespmem:s15], [sflag:$0x3], $0x20, s29, s14, $0xb8;
	[tilespmem:$0x1F700] =	vst v63  }
0x36: {  	_ =	swait.ge [sflag:s12], $0x1000  }
0x37: {  	[sflag:s12] =	ssyncset.done $0x0  }
0x38: {  	s29 =	sadd.s32 $0x100, s28;
	[sflag:s12] =	ssyncadd.s32 $0xFFFFF000  }
0x39: {  	[tilespmem:s15], [sflag:$0x1] =	stream.indirect.gather [hbm4b:s4+s14], $0x20, s29, s14, $0xb8;
	[tilespmem:$0x1F700] =	vst v63  }
0x3a: {  	_ =	swait.ge [sflag:s18], $0x1000  }
0x3b: {  	[sflag:s18] =	ssyncset.done $0x0  }
.Ltmp0:
0x3c: {  	s29 =	sadd.s32 $0x2880, s28;
	[sflag:s18] =	ssyncadd.s32 $0xFFFFF000;
	(pc) =	sbr.rel @p0 .LBB2_2-.Ltmp0, $4  }
0x3d: {  	[spmem:s2] =	stream.indirect.scatter.add.f32 [tilespmem:s16], [sflag:$0x3], $0x20, s29, s14, $0xb8;
	[tilespmem:$0x1F700] =	vst v63  }
0x3e: {  	_ =	swait.ge [sflag:s12], $0x1000  }
0x3f: {  	[sflag:s12] =	ssyncset.done $0x0  }
0x40: {  	s28 =	sadd.s32 $0x180, s28;
	[sflag:s12] =	ssyncadd.s32 $0xFFFFF000  }
0x41: {  	[tilespmem:s16], [sflag:$0x2] =	stream.indirect.gather [hbm4b:s4+s14], $0x20, s28, s14, $0xb8;
	[tilespmem:$0x1F700] =	vst v63  }
0x42: {  	_ =	swait.ge [sflag:s17], $0x1000  }
0x43: {  	[sflag:s17] =	ssyncset.done $0x0  }
0x44: {  	[sflag:s17] =	ssyncadd.s32 $0xFFFFF000  }
0x45: {  	[spmem:s2] =	stream.indirect.scatter.add.f32 [tilespmem:s15], [sflag:$0x3], $0x20, s19, s14, $0xb8;
	[tilespmem:$0x1F700] =	vst v63  }
0x46: {  	_ =	swait.ge [sflag:s12], $0x1000  }
0x47: {  	[sflag:s12] =	ssyncset.done $0x0  }
0x48: {  	[sflag:s12] =	ssyncadd.s32 $0xFFFFF000  }
0x49: {  	[tilespmem:s15], [sflag:$0x1] =	stream.indirect.gather [hbm4b:s4+s14], $0x20, s20, s14, $0xb8;
	[tilespmem:$0x1F700] =	vst v63  }
0x4a: {  	_ =	swait.ge [sflag:s18], $0x1000  }
0x4b: {  	[sflag:s18] =	ssyncset.done $0x0  }
0x4c: {  	[sflag:s18] =	ssyncadd.s32 $0xFFFFF000  }
0x4d: {  	[spmem:s2] =	stream.indirect.scatter.add.f32 [tilespmem:s16], [sflag:$0x3], $0x20, s21, s14, $0xb8;
	[tilespmem:$0x1F700] =	vst v63  }
0x4e: {  	_ =	swait.ge [sflag:s12], $0x1000  }
0x4f: {  	[sflag:s12] =	ssyncset.done $0x0  }
0x50: {  	[sflag:s12] =	ssyncadd.s32 $0xFFFFF000  }
0x51: {  	[tilespmem:s16], [sflag:$0x2] =	stream.indirect.gather [hbm4b:s4+s14], $0x20, s22, s14, $0xb8;
	[tilespmem:$0x1F700] =	vst v63  }
0x52: {  	_ =	swait.ge [sflag:s17], $0x1000  }
0x53: {  	[sflag:s17] =	ssyncset.done $0x0  }
0x54: {  	[sflag:s17] =	ssyncadd.s32 $0xFFFFF000  }
0x55: {  	[spmem:s2] =	stream.indirect.scatter.add.f32 [tilespmem:s15], [sflag:$0x3], $0x20, s23, s14, $0xb8;
	[tilespmem:$0x1F700] =	vst v63  }
0x56: {  	_ =	swait.ge [sflag:s12], $0x1000  }
0x57: {  	[sflag:s12] =	ssyncset.done $0x0  }
0x58: {  	[sflag:s12] =	ssyncadd.s32 $0xFFFFF000  }
0x59: {  	[tilespmem:s15], [sflag:$0x1] =	stream.indirect.gather [hbm4b:s4+s14], $0x20, s22, s14, $0xb8;
	[tilespmem:$0x1F700] =	vst v63  }
0x5a: {  	_ =	swait.ge [sflag:s18], $0x1000  }
0x5b: {  	[sflag:s18] =	ssyncset.done $0x0  }
0x5c: {  	[sflag:s18] =	ssyncadd.s32 $0xFFFFF000  }
0x5d: {  	[spmem:s2] =	stream.indirect.scatter.add.f32 [tilespmem:s16], [sflag:$0x3], $0x20, s24, s14, $0xb8;
	[tilespmem:$0x1F700] =	vst v63  }
0x5e: {  	_ =	swait.ge [sflag:s12], $0x1000  }
0x5f: {  	[sflag:s12] =	ssyncset.done $0x0  }
0x60: {  	[sflag:s12] =	ssyncadd.s32 $0xFFFFF000  }
0x61: {  	[tilespmem:s16], [sflag:$0x2] =	stream.indirect.gather [hbm4b:s4+s14], $0x20, s22, s14, $0xb8;
	[tilespmem:$0x1F700] =	vst v63  }
0x62: {  	_ =	swait.ge [sflag:s17], $0x1000  }
0x63: {  	[sflag:s17] =	ssyncset.done $0x0  }
0x64: {  	[sflag:s17] =	ssyncadd.s32 $0xFFFFF000  }
0x65: {  	_ =	swait.ge [sflag:s18], $0x1000  }
0x66: {  	s25 =	sadd.s32 $0x1, s25;
	[sflag:s18] =	ssyncset.done $0x0  }
0x67: {  	p0 =	sne.s32 s25, s10;
	[sflag:s18] =	ssyncadd.s32 $0xFFFFF000  }
.Ltmp1:
0x68: {  	[bflag:$0x0] =	sbarrier.arrive $0xFFFF;
	(pc) =	sbr.rel @p0 .LBB2_1-.Ltmp1, $4  }
0x69: {  	[hbm:s9], [sflag:s6] =	dma.local [spmem:s11], $0x30E0  }
0x6a: {  	_ =	swait.ge [sflag:s12], $0x30E0  }
0x6b: {  	[sflag:s12] =	ssyncset.done $0x0  }
0x6c: {  	[sflag:s12] =	ssyncadd.s32 $0xFFFFCF20  }
0x6d: {  	_ =	sfence.sel $0x180000  }
0x6e: {  	[bflag:$0x0] =	sbarrier.arrive $0xFFFF  }
0x6f: {  	p0 =	sne.s32 s0, $0x0;
	_ =	strace $0x90000053  }
0x70: {  	s0 =	sadd.s32 @!p0 $0x100000, s1;
	[bflag:$0x2] =	sbarrier.arrive $0xFFFF  }
0x71: {  	[sflag:s0] =	ssyncadd.tile.s32 @!p0 $0x1;
	_ =	shalt  }
.Lfunc_end2:
_tile_overlayer_lowered:
.L_overlay_start_2:
0x72: {  	(tag) =	ssettag $0x2  }
0x73: {  	s0 =	rddreg [dreg:$0x0];
	s2 =	stileid.u32  }
0x74: {  	s1 =	rddreg [dreg:$0x1];
	p0 =	sne.s32 s2, $0x0  }
0x75: {  	s3 =	rddreg [dreg:$0x2];
	[bflag:$0x3] =	sbarrier.arrive $0xFFFF;
	s2 =	simm.s32 @!p0 $0x1C03  }
0x76: {  	[timem:s3], [sflag:s2] =	dma.local @!p0 [hbm:s0], s1  }
0x77: {  	s0 =	simm.s32 @!p0 $0x3  }
0x78: {  	_ =	swait.ge @!p0 [sflag:s0], s1  }
0x79: {  	s1 =	ssub.s32 @!p0 $0x0, s1;
	[sflag:s0] =	ssyncset.done @!p0 $0x0  }
0x7a: {  	[sflag:s0] =	ssyncadd.s32 @!p0 s1  }
0x7b: {  	[bflag:$0x3] =	sbarrier.arrive $0xFFFF  }
0x7c: {  	_ =	shalt  }

</sc_bundles>
